<compile_context>
chip_gen: v7x
topology: tpu7x:2x2x1
jax: 0.10.2.dev20260603
libtpu: 0.0.44.dev20260713+nightly
codegen_flags: <defaults>
</compile_context>

<pallas_src>
import functools

import jax
import jax.numpy as jnp
import numpy as np
from jax import lax
from jax.experimental import pallas as pl
from jax.experimental.pallas import tpu as pltpu
from jax.experimental.pallas import tpu_sc as plsc

N = 10000
D = 128
E = 320000
NC = 2
NS = 16
NW = NC * NS
CH = 128
CPT = 80
TOTCH = NW * CPT
EPAD = TOTCH * CH
NPAD = 10112
RPT = NPAD // NS
DEGR = 80
DRPT = 8

f32 = jnp.float32
i32 = jnp.int32

_PPACK = np.asarray(
    (np.arange(EPAD - E) % N) | ((N + np.arange(EPAD - E) % (NPAD - N)) << 16),
    dtype=np.int32,
)


@functools.lru_cache(maxsize=None)
def _mesh():
    return plsc.VectorSubcoreMesh(
        core_axis_name="c", subcore_axis_name="s", num_cores=NC, num_subcores=NS
    )


def _zero_vmem_rows(ref, nrows):
    zero16 = jnp.zeros((16,), f32)

    def zrow(i, c):
        for k in range(8):
            ref[i, pl.ds(k * 16, 16)] = zero16
        return c

    lax.fori_loop(0, nrows, zrow, 0)


def _deg_body(ep_hbm, deg_out, didx, deg1d, deg2d, rowidx, shared_deg):
    cid = lax.axis_index("c")
    sid = lax.axis_index("s")
    wid = cid * NS + sid

    zero16 = jnp.zeros((16,), f32)

    def z1(i, c):
        deg1d[pl.ds(i * 16, 16)] = zero16
        return c

    lax.fori_loop(0, DEGR * D // 16, z1, 0)
    _zero_vmem_rows(deg2d, DEGR)

    @pl.when(sid == 0)
    def _():
        pltpu.sync_copy(deg2d, shared_deg)

    for k in range(DEGR // 16):
        rowidx[0, pl.ds(k * 16, 16)] = lax.iota(i32, 16) + (16 * k)

    pltpu.sync_copy(ep_hbm.at[pl.ds(wid * CPT, CPT)], didx)
    plsc.subcore_barrier()

    ones16 = jnp.ones((16,), f32)

    def jbody(j, c):
        for k in range(CH // 16):
            v = didx[j, pl.ds(k * 16, 16)]
            plsc.addupdate_scatter(
                deg1d, [lax.shift_right_logical(v, 16)], ones16
            )
        return c

    lax.fori_loop(0, CPT, jbody, 0)

    def stage(r, c):
        for k in range(8):
            deg2d[r, pl.ds(k * 16, 16)] = deg1d[pl.ds(r * D + k * 16, 16)]
        return c

    lax.fori_loop(0, DEGR, stage, 0)

    pltpu.sync_copy(deg2d, shared_deg.at[rowidx.at[0]], add=True)
    plsc.subcore_barrier()

    @pl.when(sid < DEGR // DRPT)
    def _():
        r0 = sid * DRPT
        pltpu.sync_copy(
            shared_deg.at[pl.ds(r0, DRPT)], deg_out.at[cid].at[pl.ds(r0, DRPT)]
        )


@functools.lru_cache(maxsize=None)
def _deg_kernel():
    return pl.kernel(
        _deg_body,
        out_type=jax.ShapeDtypeStruct((NC, DEGR, D), f32),
        mesh=_mesh(),
        compiler_params=pltpu.CompilerParams(needs_layout_passes=False),
        scratch_types=[
            pltpu.VMEM((CPT, CH), i32),
            pltpu.VMEM((DEGR * D,), f32),
            pltpu.VMEM((DEGR, D), f32),
            pltpu.VMEM((1, DEGR), i32),
            pltpu.VMEM_SHARED((DEGR, D), f32),
        ],
    )


def _agg_body(g_hbm, ep_hbm, acc_out, eidx, rbuf0, rbuf1, sstage, dstage,
              gsem0, gsem1, shared_acc):
    cid = lax.axis_index("c")
    sid = lax.axis_index("s")
    wid = cid * NS + sid

    _zero_vmem_rows(rbuf0, CH)

    base = sid * RPT
    nfull = RPT // CH
    for b in range(nfull):
        pltpu.sync_copy(rbuf0, shared_acc.at[pl.ds(base + b * CH, CH)])
    rem = RPT - nfull * CH
    pltpu.sync_copy(
        rbuf0.at[pl.ds(0, rem)], shared_acc.at[pl.ds(base + nfull * CH, rem)]
    )

    plsc.subcore_barrier()

    def unpack(j, b):
        for k in range(CH // 16):
            v = eidx[j, pl.ds(k * 16, 16)]
            sstage[b, pl.ds(k * 16, 16)] = lax.bitwise_and(v, 0xFFFF)
            dstage[b, pl.ds(k * 16, 16)] = lax.shift_right_logical(v, 16)

    def run(chunk0, cnt):
        pltpu.sync_copy(
            ep_hbm.at[pl.ds(chunk0, cnt)], eidx.at[pl.ds(0, cnt)]
        )
        unpack(0, 0)
        unpack(1, 1)
        pltpu.async_copy(g_hbm.at[sstage.at[0]], rbuf0, gsem0)
        pltpu.async_copy(g_hbm.at[sstage.at[1]], rbuf1, gsem1)

        def jbody(jj, c):
            j = 2 * jj
            pltpu.make_async_copy(g_hbm.at[sstage.at[0]], rbuf0, gsem0).wait()
            pltpu.sync_copy(rbuf0, shared_acc.at[dstage.at[0]], add=True)
            unpack(j + 2, 0)
            pltpu.async_copy(g_hbm.at[sstage.at[0]], rbuf0, gsem0)
            pltpu.make_async_copy(g_hbm.at[sstage.at[1]], rbuf1, gsem1).wait()
            pltpu.sync_copy(rbuf1, shared_acc.at[dstage.at[1]], add=True)
            unpack(j + 3, 1)
            pltpu.async_copy(g_hbm.at[sstage.at[1]], rbuf1, gsem1)
            return c

        lax.fori_loop(0, cnt // 2 - 1, jbody, 0)

        pltpu.make_async_copy(g_hbm.at[sstage.at[0]], rbuf0, gsem0).wait()
        pltpu.sync_copy(rbuf0, shared_acc.at[dstage.at[0]], add=True)
        pltpu.make_async_copy(g_hbm.at[sstage.at[1]], rbuf1, gsem1).wait()
        pltpu.sync_copy(rbuf1, shared_acc.at[dstage.at[1]], add=True)

    run(wid * CPT, CPT)

    plsc.subcore_barrier()
    pltpu.sync_copy(
        shared_acc.at[pl.ds(base, RPT)], acc_out.at[cid].at[pl.ds(base, RPT)]
    )


@functools.lru_cache(maxsize=None)
def _agg_kernel():
    return pl.kernel(
        _agg_body,
        out_type=jax.ShapeDtypeStruct((NC, NPAD, D), f32),
        mesh=_mesh(),
        compiler_params=pltpu.CompilerParams(needs_layout_passes=False),
        scratch_types=[
            pltpu.VMEM((CPT, CH), i32),
            pltpu.VMEM((CH, D), f32),
            pltpu.VMEM((CH, D), f32),
            pltpu.VMEM((2, CH), i32),
            pltpu.VMEM((2, CH), i32),
            pltpu.SemaphoreType.DMA,
            pltpu.SemaphoreType.DMA,
            pltpu.VMEM_SHARED((NPAD, D), f32),
        ],
    )


_BLK = 400
_GRID = N // _BLK


def _dis_body(deg_ref, dis_ref):
    dis_ref[...] = lax.rsqrt(1.0 + deg_ref[0] + deg_ref[1])


def _dis_call(deg):
    return pl.pallas_call(
        _dis_body,
        out_shape=jax.ShapeDtypeStruct((DEGR, D), f32),
    )(deg)


def _lin1_body(x_ref, w_ref, b_ref, dis_ref, g_ref):
    h = jnp.dot(x_ref[...], w_ref[...], preferred_element_type=f32)
    h = h + b_ref[...]
    g_ref[...] = h * dis_ref[...]


def _lin1_call(x, W1, b1, dis_col):
    return pl.pallas_call(
        _lin1_body,
        grid=(_GRID,),
        in_specs=[
            pl.BlockSpec((_BLK, D), lambda i: (i, 0)),
            pl.BlockSpec((D, D), lambda i: (0, 0)),
            pl.BlockSpec((1, D), lambda i: (0, 0)),
            pl.BlockSpec((_BLK, 1), lambda i: (i, 0)),
        ],
        out_specs=pl.BlockSpec((_BLK, D), lambda i: (i, 0)),
        out_shape=jax.ShapeDtypeStruct((N, D), f32),
    )(x, W1, b1, dis_col)


def _elu(s):
    return jnp.where(s > 0, s, jnp.exp(s) - 1.0)


def _lin2_body(a_ref, g_ref_in, dis_ref, w_ref, b_ref, g_ref):
    dis = dis_ref[...]
    o = _elu((a_ref[0] + a_ref[1] + g_ref_in[...]) * dis)
    h2 = jnp.dot(o, w_ref[...], preferred_element_type=f32) + b_ref[...]
    g_ref[...] = h2 * dis


def _lin2_call(acc1, g1, dis_col, W2, b2):
    return pl.pallas_call(
        _lin2_body,
        grid=(_GRID,),
        in_specs=[
            pl.BlockSpec((NC, _BLK, D), lambda i: (0, i, 0)),
            pl.BlockSpec((_BLK, D), lambda i: (i, 0)),
            pl.BlockSpec((_BLK, 1), lambda i: (i, 0)),
            pl.BlockSpec((D, D), lambda i: (0, 0)),
            pl.BlockSpec((1, D), lambda i: (0, 0)),
        ],
        out_specs=pl.BlockSpec((_BLK, D), lambda i: (i, 0)),
        out_shape=jax.ShapeDtypeStruct((N, D), f32),
    )(acc1, g1, dis_col, W2, b2)


def _out_body(a_ref, g_ref_in, dis_ref, o_ref):
    o_ref[...] = _elu((a_ref[0] + a_ref[1] + g_ref_in[...]) * dis_ref[...])


def _out_call(acc2, g2, dis_col):
    return pl.pallas_call(
        _out_body,
        grid=(_GRID,),
        in_specs=[
            pl.BlockSpec((NC, _BLK, D), lambda i: (0, i, 0)),
            pl.BlockSpec((_BLK, D), lambda i: (i, 0)),
            pl.BlockSpec((_BLK, 1), lambda i: (i, 0)),
        ],
        out_specs=pl.BlockSpec((_BLK, D), lambda i: (i, 0)),
        out_shape=jax.ShapeDtypeStruct((N, D), f32),
    )(acc2, g2, dis_col)


def kernel(x, edge_index, W1, b1, W2, b2):
    src = edge_index[0]
    dst = edge_index[1]
    epack = jnp.concatenate([src | (dst << 16), _PPACK]).reshape(TOTCH, CH)

    deg = _deg_kernel()(epack)
    dis80 = _dis_call(deg)
    dis_col = dis80.reshape(-1)[:N].reshape(N, 1)

    g1 = _lin1_call(x, W1, b1.reshape(1, D), dis_col)
    acc1 = _agg_kernel()(g1, epack)
    g2 = _lin2_call(acc1, g1, dis_col, W2, b2.reshape(1, D))
    acc2 = _agg_kernel()(g2, epack)
    return _out_call(acc2, g2, dis_col)

# --- scband reference (transcript-rebuilt; emitter-appended) ---
"""Pipeline reference for scband-my-gcn-48009144435169 (READ-ONLY COPY).

The authoritative reference and input builder live on the scoring server;
editing this copy changes nothing except your own understanding.
"""

import jax, jax.numpy as jnp
import numpy as np

N_NODES = 10000
N_EDGES = 320000
D_IN = 128
D_HID = 128
D_OUT = 128


def gcn_conv(x, edge_index, W, b):
    # PyG-style GCNConv: add self-loops, symmetric normalization, linear transform, scatter-add aggregation
    n = x.shape[0]
    loop = jnp.arange(n, dtype=edge_index.dtype)
    src = jnp.concatenate([edge_index[0], loop])
    dst = jnp.concatenate([edge_index[1], loop])
    deg = jnp.zeros((n,), dtype=x.dtype).at[dst].add(jnp.ones_like(src, dtype=x.dtype))
    dis = jnp.where(deg > 0, jax.lax.rsqrt(jnp.maximum(deg, 1e-12)), 0.0)
    norm = dis[src] * dis[dst]
    h = x @ W + b
    msg = jnp.take(h, src, axis=0) * norm[:, None]
    out = jnp.zeros((n, h.shape[1]), dtype=x.dtype).at[dst].add(msg)
    return out


def setup_inputs(seed: int = 0) -> dict:
    key = jax.random.key(seed)
    ks = jax.random.split(key, 6)
    x = jax.random.normal(ks[0], (N_NODES, D_IN), dtype=jnp.float32)
    edge_index = jax.random.randint(ks[1], (2, N_EDGES), 0, N_NODES, dtype=jnp.int32)
    W1 = jax.random.normal(ks[2], (D_IN, D_HID), dtype=jnp.float32) * (1.0 / np.sqrt(D_IN))
    b1 = jnp.zeros((D_HID,), dtype=jnp.float32)
    W2 = jax.random.normal(ks[3], (D_HID, D_OUT), dtype=jnp.float32) * (1.0 / np.sqrt(D_HID))
    b2 = jnp.zeros((D_OUT,), dtype=jnp.float32)
    return {"x": x, "edge_index": edge_index, "W1": W1, "b1": b1, "W2": W2, "b2": b2}


def reference(x, edge_index, W1, b1, W2, b2):
    h = jax.nn.elu(gcn_conv(x, edge_index, W1, b1))
    node_embeddings = jax.nn.elu(gcn_conv(h, edge_index, W2, b2))
    return node_embeddings

if __name__ == "__main__":
    import jax
    _d = setup_inputs()
    print(jax.jit(kernel)(*tuple(_d.values())))

</pallas_src>

<mosaic_0001>
#map = affine_map<(d0, d1) -> (0, 0)>
#map1 = affine_map<(d0, d1) -> (0, 0, 0)>
module attributes {stable_mosaic.version = 14 : i64} {
  func.func @_agg_body(%arg0: i32, %arg1: i32, %arg2: memref<10000x128xf32, #tpu.memory_space<hbm>>, %arg3: memref<2560x128xi32, #tpu.memory_space<hbm>>, %arg4: memref<2x10112x128xf32, #tpu.memory_space<hbm>>, %arg5: memref<80x128xi32, #tpu.memory_space<vmem>>, %arg6: memref<128x128xf32, #tpu.memory_space<vmem>>, %arg7: memref<128x128xf32, #tpu.memory_space<vmem>>, %arg8: memref<2x128xi32, #tpu.memory_space<vmem>>, %arg9: memref<2x128xi32, #tpu.memory_space<vmem>>, %arg10: memref<!tpu.dma_semaphore, #tpu.memory_space<semaphore_mem>>, %arg11: memref<!tpu.dma_semaphore, #tpu.memory_space<semaphore_mem>>, %arg12: memref<10112x128xf32, #tpu.memory_space<vmem_shared>>) attributes {dimension_semantics = [#tpu.dimension_semantics<core_parallel>, #tpu.dimension_semantics<subcore_parallel>], iteration_bounds = array<i64: 2, 16>, scalar_prefetch = 0 : i64, scratch_operands = 8 : i64, tpu.core_type = #tpu.core_type<sc_vector_subcore>, window_params = [{transform_indices = #map}, {transform_indices = #map}, {transform_indices = #map1}]} {
    %mul3A = arith.constant 16 : i32
    %mul3A_0 = arith.muli %arg0, %mul3A : i32
    %add3A = arith.addi %mul3A_0, %arg1 : i32
    %broadcast_in_dim3A = arith.constant 0.000000e+00 : f32
    %broadcast_in_dim3A_1 = vector.broadcast %broadcast_in_dim3A : f32 to vector<16xf32>
    %scan3A = arith.constant 0 : i32
    %scan3A_2 = arith.constant 0 : i32
    %scan3A_3 = arith.constant 128 : i32
    %scan3A_4 = arith.addi %scan3A_2, %scan3A_3 : i32
    %scan3A_5 = arith.constant 1 : i32
    scf.for %scan3A_339 = %scan3A_2 to %scan3A_4 step %scan3A_5  : i32 {
      %swap3A_340 = arith.index_cast %scan3A_339 : i32 to index
      %swap3A_341 = arith.constant 0 : index
      %swap3A_342 = tpu.vector_load %arg6[%swap3A_340, %swap3A_341] {strides = array<i32>} : memref<128x128xf32, #tpu.memory_space<vmem>>, vector<16xf32>,
      tpu.vector_store %arg6[%swap3A_340, %swap3A_341], %broadcast_in_dim3A_1 {strides = array<i32>} : memref<128x128xf32, #tpu.memory_space<vmem>>, vector<16xf32>,
      %swap3A_343 = arith.index_cast %scan3A_339 : i32 to index
      %swap3A_344 = arith.constant 16 : index
      %swap3A_345 = tpu.vector_load %arg6[%swap3A_343, %swap3A_344] {strides = array<i32>} : memref<128x128xf32, #tpu.memory_space<vmem>>, vector<16xf32>,
      tpu.vector_store %arg6[%swap3A_343, %swap3A_344], %broadcast_in_dim3A_1 {strides = array<i32>} : memref<128x128xf32, #tpu.memory_space<vmem>>, vector<16xf32>,
      %swap3A_346 = arith.index_cast %scan3A_339 : i32 to index
      %swap3A_347 = arith.constant 32 : index
      %swap3A_348 = tpu.vector_load %arg6[%swap3A_346, %swap3A_347] {strides = array<i32>} : memref<128x128xf32, #tpu.memory_space<vmem>>, vector<16xf32>,
      tpu.vector_store %arg6[%swap3A_346, %swap3A_347], %broadcast_in_dim3A_1 {strides = array<i32>} : memref<128x128xf32, #tpu.memory_space<vmem>>, vector<16xf32>,
      %swap3A_349 = arith.index_cast %scan3A_339 : i32 to index
      %swap3A_350 = arith.constant 48 : index
      %swap3A_351 = tpu.vector_load %arg6[%swap3A_349, %swap3A_350] {strides = array<i32>} : memref<128x128xf32, #tpu.memory_space<vmem>>, vector<16xf32>,
      tpu.vector_store %arg6[%swap3A_349, %swap3A_350], %broadcast_in_dim3A_1 {strides = array<i32>} : memref<128x128xf32, #tpu.memory_space<vmem>>, vector<16xf32>,
      %swap3A_352 = arith.index_cast %scan3A_339 : i32 to index
      %swap3A_353 = arith.constant 64 : index
      %swap3A_354 = tpu.vector_load %arg6[%swap3A_352, %swap3A_353] {strides = array<i32>} : memref<128x128xf32, #tpu.memory_space<vmem>>, vector<16xf32>,
      tpu.vector_store %arg6[%swap3A_352, %swap3A_353], %broadcast_in_dim3A_1 {strides = array<i32>} : memref<128x128xf32, #tpu.memory_space<vmem>>, vector<16xf32>,
      %swap3A_355 = arith.index_cast %scan3A_339 : i32 to index
      %swap3A_356 = arith.constant 80 : index
      %swap3A_357 = tpu.vector_load %arg6[%swap3A_355, %swap3A_356] {strides = array<i32>} : memref<128x128xf32, #tpu.memory_space<vmem>>, vector<16xf32>,
      tpu.vector_store %arg6[%swap3A_355, %swap3A_356], %broadcast_in_dim3A_1 {strides = array<i32>} : memref<128x128xf32, #tpu.memory_space<vmem>>, vector<16xf32>,
      %swap3A_358 = arith.index_cast %scan3A_339 : i32 to index
      %swap3A_359 = arith.constant 96 : index
      %swap3A_360 = tpu.vector_load %arg6[%swap3A_358, %swap3A_359] {strides = array<i32>} : memref<128x128xf32, #tpu.memory_space<vmem>>, vector<16xf32>,
      tpu.vector_store %arg6[%swap3A_358, %swap3A_359], %broadcast_in_dim3A_1 {strides = array<i32>} : memref<128x128xf32, #tpu.memory_space<vmem>>, vector<16xf32>,
      %swap3A_361 = arith.index_cast %scan3A_339 : i32 to index
      %swap3A_362 = arith.constant 112 : index
      %swap3A_363 = tpu.vector_load %arg6[%swap3A_361, %swap3A_362] {strides = array<i32>} : memref<128x128xf32, #tpu.memory_space<vmem>>, vector<16xf32>,
      tpu.vector_store %arg6[%swap3A_361, %swap3A_362], %broadcast_in_dim3A_1 {strides = array<i32>} : memref<128x128xf32, #tpu.memory_space<vmem>>, vector<16xf32>,
    }
    %scan3A_6 = arith.constant 128 : i32
    %mul3A_7 = arith.constant 632 : i32
    %mul3A_8 = arith.muli %arg1, %mul3A_7 : i32
    %add3A_9 = arith.constant 0 : i32
    %add3A_10 = arith.addi %mul3A_8, %add3A_9 : i32
    "tpu.region"() ({
      %run_scoped3A_339 = tpu.sem_alloc : memref<!tpu.dma_semaphore, #tpu.memory_space<semaphore_mem>>
      %dma_start3A_340 = arith.constant 0 : i32
      %dma_start3A_341 = tpu.memref_slice %arg12[%add3A_10, %dma_start3A_340] : memref<10112x128xf32, #tpu.memory_space<vmem_shared>> -> memref<128x128xf32, #tpu.memory_space<vmem_shared>>
      %dma_start3A_342 = arith.constant 0 : i32
      %dma_start3A_343 = tpu.memref_slice %arg12[%add3A_10, %dma_start3A_342] : memref<10112x128xf32, #tpu.memory_space<vmem_shared>> -> memref<128x128xf32, #tpu.memory_space<vmem_shared>>
      tpu.enqueue_dma source(%arg6 : memref<128x128xf32, #tpu.memory_space<vmem>>) target(%dma_start3A_343 : memref<128x128xf32, #tpu.memory_space<vmem_shared>>) target_semaphore(%run_scoped3A_339 : memref<!tpu.dma_semaphore, #tpu.memory_space<semaphore_mem>>)
      %dma_wait3A_344 = arith.constant 0 : i32
      %dma_wait3A_345 = tpu.memref_slice %arg12[%add3A_10, %dma_wait3A_344] : memref<10112x128xf32, #tpu.memory_space<vmem_shared>> -> memref<128x128xf32, #tpu.memory_space<vmem_shared>>
      %dma_wait3A_346 = arith.constant 0 : i32
      %dma_wait3A_347 = tpu.memref_slice %arg12[%add3A_10, %dma_wait3A_346] : memref<10112x128xf32, #tpu.memory_space<vmem_shared>> -> memref<128x128xf32, #tpu.memory_space<vmem_shared>>
      tpu.wait_dma2 semaphore(%run_scoped3A_339 : memref<!tpu.dma_semaphore, #tpu.memory_space<semaphore_mem>>) src(%arg6 : memref<128x128xf32, #tpu.memory_space<vmem>>) dst(%dma_wait3A_347 : memref<128x128xf32, #tpu.memory_space<vmem_shared>>)
      tpu.yield
    }) : () -> ()
    %add3A_11 = arith.constant 128 : i32
    %add3A_12 = arith.addi %mul3A_8, %add3A_11 : i32
    "tpu.region"() ({
      %run_scoped3A_339 = tpu.sem_alloc : memref<!tpu.dma_semaphore, #tpu.memory_space<semaphore_mem>>
      %dma_start3A_340 = arith.constant 0 : i32
      %dma_start3A_341 = tpu.memref_slice %arg12[%add3A_12, %dma_start3A_340] : memref<10112x128xf32, #tpu.memory_space<vmem_shared>> -> memref<128x128xf32, #tpu.memory_space<vmem_shared>>
      %dma_start3A_342 = arith.constant 0 : i32
      %dma_start3A_343 = tpu.memref_slice %arg12[%add3A_12, %dma_start3A_342] : memref<10112x128xf32, #tpu.memory_space<vmem_shared>> -> memref<128x128xf32, #tpu.memory_space<vmem_shared>>
      tpu.enqueue_dma source(%arg6 : memref<128x128xf32, #tpu.memory_space<vmem>>) target(%dma_start3A_343 : memref<128x128xf32, #tpu.memory_space<vmem_shared>>) target_semaphore(%run_scoped3A_339 : memref<!tpu.dma_semaphore, #tpu.memory_space<semaphore_mem>>)
      %dma_wait3A_344 = arith.constant 0 : i32
      %dma_wait3A_345 = tpu.memref_slice %arg12[%add3A_12, %dma_wait3A_344] : memref<10112x128xf32, #tpu.memory_space<vmem_shared>> -> memref<128x128xf32, #tpu.memory_space<vmem_shared>>
      %dma_wait3A_346 = arith.constant 0 : i32
      %dma_wait3A_347 = tpu.memref_slice %arg12[%add3A_12, %dma_wait3A_346] : memref<10112x128xf32, #tpu.memory_space<vmem_shared>> -> memref<128x128xf32, #tpu.memory_space<vmem_shared>>
      tpu.wait_dma2 semaphore(%run_scoped3A_339 : memref<!tpu.dma_semaphore, #tpu.memory_space<semaphore_mem>>) src(%arg6 : memref<128x128xf32, #tpu.memory_space<vmem>>) dst(%dma_wait3A_347 : memref<128x128xf32, #tpu.memory_space<vmem_shared>>)
      tpu.yield
    }) : () -> ()
    %add3A_13 = arith.constant 256 : i32
    %add3A_14 = arith.addi %mul3A_8, %add3A_13 : i32
    "tpu.region"() ({
      %run_scoped3A_339 = tpu.sem_alloc : memref<!tpu.dma_semaphore, #tpu.memory_space<semaphore_mem>>
      %dma_start3A_340 = arith.constant 0 : i32
      %dma_start3A_341 = tpu.memref_slice %arg12[%add3A_14, %dma_start3A_340] : memref<10112x128xf32, #tpu.memory_space<vmem_shared>> -> memref<128x128xf32, #tpu.memory_space<vmem_shared>>
      %dma_start3A_342 = arith.constant 0 : i32
      %dma_start3A_343 = tpu.memref_slice %arg12[%add3A_14, %dma_start3A_342] : memref<10112x128xf32, #tpu.memory_space<vmem_shared>> -> memref<128x128xf32, #tpu.memory_space<vmem_shared>>
      tpu.enqueue_dma source(%arg6 : memref<128x128xf32, #tpu.memory_space<vmem>>) target(%dma_start3A_343 : memref<128x128xf32, #tpu.memory_space<vmem_shared>>) target_semaphore(%run_scoped3A_339 : memref<!tpu.dma_semaphore, #tpu.memory_space<semaphore_mem>>)
      %dma_wait3A_344 = arith.constant 0 : i32
      %dma_wait3A_345 = tpu.memref_slice %arg12[%add3A_14, %dma_wait3A_344] : memref<10112x128xf32, #tpu.memory_space<vmem_shared>> -> memref<128x128xf32, #tpu.memory_space<vmem_shared>>
      %dma_wait3A_346 = arith.constant 0 : i32
      %dma_wait3A_347 = tpu.memref_slice %arg12[%add3A_14, %dma_wait3A_346] : memref<10112x128xf32, #tpu.memory_space<vmem_shared>> -> memref<128x128xf32, #tpu.memory_space<vmem_shared>>
      tpu.wait_dma2 semaphore(%run_scoped3A_339 : memref<!tpu.dma_semaphore, #tpu.memory_space<semaphore_mem>>) src(%arg6 : memref<128x128xf32, #tpu.memory_space<vmem>>) dst(%dma_wait3A_347 : memref<128x128xf32, #tpu.memory_space<vmem_shared>>)
      tpu.yield
    }) : () -> ()
    %add3A_15 = arith.constant 384 : i32
    %add3A_16 = arith.addi %mul3A_8, %add3A_15 : i32
    "tpu.region"() ({
      %run_scoped3A_339 = tpu.sem_alloc : memref<!tpu.dma_semaphore, #tpu.memory_space<semaphore_mem>>
      %dma_start3A_340 = arith.constant 0 : i32
      %dma_start3A_341 = tpu.memref_slice %arg12[%add3A_16, %dma_start3A_340] : memref<10112x128xf32, #tpu.memory_space<vmem_shared>> -> memref<128x128xf32, #tpu.memory_space<vmem_shared>>
      %dma_start3A_342 = arith.constant 0 : i32
      %dma_start3A_343 = tpu.memref_slice %arg12[%add3A_16, %dma_start3A_342] : memref<10112x128xf32, #tpu.memory_space<vmem_shared>> -> memref<128x128xf32, #tpu.memory_space<vmem_shared>>
      tpu.enqueue_dma source(%arg6 : memref<128x128xf32, #tpu.memory_space<vmem>>) target(%dma_start3A_343 : memref<128x128xf32, #tpu.memory_space<vmem_shared>>) target_semaphore(%run_scoped3A_339 : memref<!tpu.dma_semaphore, #tpu.memory_space<semaphore_mem>>)
      %dma_wait3A_344 = arith.constant 0 : i32
      %dma_wait3A_345 = tpu.memref_slice %arg12[%add3A_16, %dma_wait3A_344] : memref<10112x128xf32, #tpu.memory_space<vmem_shared>> -> memref<128x128xf32, #tpu.memory_space<vmem_shared>>
      %dma_wait3A_346 = arith.constant 0 : i32
      %dma_wait3A_347 = tpu.memref_slice %arg12[%add3A_16, %dma_wait3A_346] : memref<10112x128xf32, #tpu.memory_space<vmem_shared>> -> memref<128x128xf32, #tpu.memory_space<vmem_shared>>
      tpu.wait_dma2 semaphore(%run_scoped3A_339 : memref<!tpu.dma_semaphore, #tpu.memory_space<semaphore_mem>>) src(%arg6 : memref<128x128xf32, #tpu.memory_space<vmem>>) dst(%dma_wait3A_347 : memref<128x128xf32, #tpu.memory_space<vmem_shared>>)
      tpu.yield
    }) : () -> ()
    %add3A_17 = arith.constant 512 : i32
    %add3A_18 = arith.addi %mul3A_8, %add3A_17 : i32
    "tpu.region"() ({
      %run_scoped3A_339 = tpu.sem_alloc : memref<!tpu.dma_semaphore, #tpu.memory_space<semaphore_mem>>
      %dma_start3A_340 = arith.constant 0 : i32
      %dma_start3A_341 = arith.constant 0 : i32
      %dma_start3A_342 = tpu.memref_slice %arg6[%dma_start3A_340, %dma_start3A_341] : memref<128x128xf32, #tpu.memory_space<vmem>> -> memref<120x128xf32, #tpu.memory_space<vmem>>
      %dma_start3A_343 = arith.constant 0 : i32
      %dma_start3A_344 = tpu.memref_slice %arg12[%add3A_18, %dma_start3A_343] : memref<10112x128xf32, #tpu.memory_space<vmem_shared>> -> memref<120x128xf32, #tpu.memory_space<vmem_shared>>
      %dma_start3A_345 = arith.constant 0 : i32
      %dma_start3A_346 = tpu.memref_slice %arg12[%add3A_18, %dma_start3A_345] : memref<10112x128xf32, #tpu.memory_space<vmem_shared>> -> memref<120x128xf32, #tpu.memory_space<vmem_shared>>
      %dma_start3A_347 = arith.constant 0 : i32
      %dma_start3A_348 = arith.constant 0 : i32
      %dma_start3A_349 = tpu.memref_slice %arg6[%dma_start3A_347, %dma_start3A_348] : memref<128x128xf32, #tpu.memory_space<vmem>> -> memref<120x128xf32, #tpu.memory_space<vmem>>
      tpu.enqueue_dma source(%dma_start3A_349 : memref<120x128xf32, #tpu.memory_space<vmem>>) target(%dma_start3A_346 : memref<120x128xf32, #tpu.memory_space<vmem_shared>>) target_semaphore(%run_scoped3A_339 : memref<!tpu.dma_semaphore, #tpu.memory_space<semaphore_mem>>)
      %dma_wait3A_350 = arith.constant 0 : i32
      %dma_wait3A_351 = arith.constant 0 : i32
      %dma_wait3A_352 = tpu.memref_slice %arg6[%dma_wait3A_350, %dma_wait3A_351] : memref<128x128xf32, #tpu.memory_space<vmem>> -> memref<120x128xf32, #tpu.memory_space<vmem>>
      %dma_wait3A_353 = arith.constant 0 : i32
      %dma_wait3A_354 = tpu.memref_slice %arg12[%add3A_18, %dma_wait3A_353] : memref<10112x128xf32, #tpu.memory_space<vmem_shared>> -> memref<120x128xf32, #tpu.memory_space<vmem_shared>>
      %dma_wait3A_355 = arith.constant 0 : i32
      %dma_wait3A_356 = tpu.memref_slice %arg12[%add3A_18, %dma_wait3A_355] : memref<10112x128xf32, #tpu.memory_space<vmem_shared>> -> memref<120x128xf32, #tpu.memory_space<vmem_shared>>
      %dma_wait3A_357 = arith.constant 0 : i32
      %dma_wait3A_358 = arith.constant 0 : i32
      %dma_wait3A_359 = tpu.memref_slice %arg6[%dma_wait3A_357, %dma_wait3A_358] : memref<128x128xf32, #tpu.memory_space<vmem>> -> memref<120x128xf32, #tpu.memory_space<vmem>>
      tpu.wait_dma2 semaphore(%run_scoped3A_339 : memref<!tpu.dma_semaphore, #tpu.memory_space<semaphore_mem>>) src(%dma_wait3A_359 : memref<120x128xf32, #tpu.memory_space<vmem>>) dst(%dma_wait3A_356 : memref<120x128xf32, #tpu.memory_space<vmem_shared>>)
      tpu.yield
    }) : () -> ()
    %barrier3A = arith.constant 0 : index
    tpu.barrier barrier_id(%barrier3A)
    %mul3A_19 = arith.constant 80 : i32
    %mul3A_20 = arith.muli %add3A, %mul3A_19 : i32
    "tpu.region"() ({
      %run_scoped3A_339 = tpu.sem_alloc : memref<!tpu.dma_semaphore, #tpu.memory_space<semaphore_mem>>
      %dma_start3A_340 = arith.constant 0 : i32
      %dma_start3A_341 = arith.constant 0 : i32
      %dma_start3A_342 = tpu.memref_slice %arg5[%dma_start3A_340, %dma_start3A_341] : memref<80x128xi32, #tpu.memory_space<vmem>> -> memref<80x128xi32, #tpu.memory_space<vmem>>
      %dma_start3A_343 = arith.constant 0 : i32
      %dma_start3A_344 = tpu.memref_slice %arg3[%mul3A_20, %dma_start3A_343] : memref<2560x128xi32, #tpu.memory_space<hbm>> -> memref<80x128xi32, #tpu.memory_space<hbm>>
      %dma_start3A_345 = arith.constant 0 : i32
      %dma_start3A_346 = arith.constant 0 : i32
      %dma_start3A_347 = tpu.memref_slice %arg5[%dma_start3A_345, %dma_start3A_346] : memref<80x128xi32, #tpu.memory_space<vmem>> -> memref<80x128xi32, #tpu.memory_space<vmem>>
      %dma_start3A_348 = arith.constant 0 : i32
      %dma_start3A_349 = tpu.memref_slice %arg3[%mul3A_20, %dma_start3A_348] : memref<2560x128xi32, #tpu.memory_space<hbm>> -> memref<80x128xi32, #tpu.memory_space<hbm>>
      tpu.enqueue_dma source(%dma_start3A_349 : memref<80x128xi32, #tpu.memory_space<hbm>>) target(%dma_start3A_347 : memref<80x128xi32, #tpu.memory_space<vmem>>) target_semaphore(%run_scoped3A_339 : memref<!tpu.dma_semaphore, #tpu.memory_space<semaphore_mem>>)
      %dma_wait3A_350 = arith.constant 0 : i32
      %dma_wait3A_351 = arith.constant 0 : i32
      %dma_wait3A_352 = tpu.memref_slice %arg5[%dma_wait3A_350, %dma_wait3A_351] : memref<80x128xi32, #tpu.memory_space<vmem>> -> memref<80x128xi32, #tpu.memory_space<vmem>>
      %dma_wait3A_353 = arith.constant 0 : i32
      %dma_wait3A_354 = tpu.memref_slice %arg3[%mul3A_20, %dma_wait3A_353] : memref<2560x128xi32, #tpu.memory_space<hbm>> -> memref<80x128xi32, #tpu.memory_space<hbm>>
      %dma_wait3A_355 = arith.constant 0 : i32
      %dma_wait3A_356 = arith.constant 0 : i32
      %dma_wait3A_357 = tpu.memref_slice %arg5[%dma_wait3A_355, %dma_wait3A_356] : memref<80x128xi32, #tpu.memory_space<vmem>> -> memref<80x128xi32, #tpu.memory_space<vmem>>
      %dma_wait3A_358 = arith.constant 0 : i32
      %dma_wait3A_359 = tpu.memref_slice %arg3[%mul3A_20, %dma_wait3A_358] : memref<2560x128xi32, #tpu.memory_space<hbm>> -> memref<80x128xi32, #tpu.memory_space<hbm>>
      tpu.wait_dma2 semaphore(%run_scoped3A_339 : memref<!tpu.dma_semaphore, #tpu.memory_space<semaphore_mem>>) src(%dma_wait3A_359 : memref<80x128xi32, #tpu.memory_space<hbm>>) dst(%dma_wait3A_357 : memref<80x128xi32, #tpu.memory_space<vmem>>)
      tpu.yield
    }) : () -> ()
    %get3A = arith.constant 0 : i32
    %get3A_21 = arith.index_cast %get3A : i32 to index
    %get3A_22 = arith.constant 0 : index
    %get3A_23 = tpu.vector_load %arg5[%get3A_21, %get3A_22] {strides = array<i32>} : memref<80x128xi32, #tpu.memory_space<vmem>>, vector<16xi32>,
    %and3A = arith.constant 65535 : i32
    %and3A_24 = vector.broadcast %and3A : i32 to vector<16xi32>
    %and3A_25 = arith.andi %get3A_23, %and3A_24 : vector<16xi32>
    %swap3A = arith.constant 0 : i32
    %swap3A_26 = arith.index_cast %swap3A : i32 to index
    %swap3A_27 = arith.constant 0 : index
    %swap3A_28 = tpu.vector_load %arg8[%swap3A_26, %swap3A_27] {strides = array<i32>} : memref<2x128xi32, #tpu.memory_space<vmem>>, vector<16xi32>,
    tpu.vector_store %arg8[%swap3A_26, %swap3A_27], %and3A_25 {strides = array<i32>} : memref<2x128xi32, #tpu.memory_space<vmem>>, vector<16xi32>,
    %shift_right_logical3A = arith.constant 16 : i32
    %shift_right_logical3A_29 = vector.broadcast %shift_right_logical3A : i32 to vector<16xi32>
    %shift_right_logical3A_30 = arith.shrui %get3A_23, %shift_right_logical3A_29 : vector<16xi32>
    %swap3A_31 = arith.constant 0 : i32
    %swap3A_32 = arith.index_cast %swap3A_31 : i32 to index
    %swap3A_33 = arith.constant 0 : index
    %swap3A_34 = tpu.vector_load %arg9[%swap3A_32, %swap3A_33] {strides = array<i32>} : memref<2x128xi32, #tpu.memory_space<vmem>>, vector<16xi32>,
    tpu.vector_store %arg9[%swap3A_32, %swap3A_33], %shift_right_logical3A_30 {strides = array<i32>} : memref<2x128xi32, #tpu.memory_space<vmem>>, vector<16xi32>,
    %get3A_35 = arith.constant 0 : i32
    %get3A_36 = arith.index_cast %get3A_35 : i32 to index
    %get3A_37 = arith.constant 16 : index
    %get3A_38 = tpu.vector_load %arg5[%get3A_36, %get3A_37] {strides = array<i32>} : memref<80x128xi32, #tpu.memory_space<vmem>>, vector<16xi32>,
    %and3A_39 = arith.constant 65535 : i32
    %and3A_40 = vector.broadcast %and3A_39 : i32 to vector<16xi32>
    %and3A_41 = arith.andi %get3A_38, %and3A_40 : vector<16xi32>
    %swap3A_42 = arith.constant 0 : i32
    %swap3A_43 = arith.index_cast %swap3A_42 : i32 to index
    %swap3A_44 = arith.constant 16 : index
    %swap3A_45 = tpu.vector_load %arg8[%swap3A_43, %swap3A_44] {strides = array<i32>} : memref<2x128xi32, #tpu.memory_space<vmem>>, vector<16xi32>,
    tpu.vector_store %arg8[%swap3A_43, %swap3A_44], %and3A_41 {strides = array<i32>} : memref<2x128xi32, #tpu.memory_space<vmem>>, vector<16xi32>,
    %shift_right_logical3A_46 = arith.constant 16 : i32
    %shift_right_logical3A_47 = vector.broadcast %shift_right_logical3A_46 : i32 to vector<16xi32>
    %shift_right_logical3A_48 = arith.shrui %get3A_38, %shift_right_logical3A_47 : vector<16xi32>
    %swap3A_49 = arith.constant 0 : i32
    %swap3A_50 = arith.index_cast %swap3A_49 : i32 to index
    %swap3A_51 = arith.constant 16 : index
    %swap3A_52 = tpu.vector_load %arg9[%swap3A_50, %swap3A_51] {strides = array<i32>} : memref<2x128xi32, #tpu.memory_space<vmem>>, vector<16xi32>,
    tpu.vector_store %arg9[%swap3A_50, %swap3A_51], %shift_right_logical3A_48 {strides = array<i32>} : memref<2x128xi32, #tpu.memory_space<vmem>>, vector<16xi32>,
    %get3A_53 = arith.constant 0 : i32
    %get3A_54 = arith.index_cast %get3A_53 : i32 to index
    %get3A_55 = arith.constant 32 : index
    %get3A_56 = tpu.vector_load %arg5[%get3A_54, %get3A_55] {strides = array<i32>} : memref<80x128xi32, #tpu.memory_space<vmem>>, vector<16xi32>,
    %and3A_57 = arith.constant 65535 : i32
    %and3A_58 = vector.broadcast %and3A_57 : i32 to vector<16xi32>
    %and3A_59 = arith.andi %get3A_56, %and3A_58 : vector<16xi32>
    %swap3A_60 = arith.constant 0 : i32
    %swap3A_61 = arith.index_cast %swap3A_60 : i32 to index
    %swap3A_62 = arith.constant 32 : index
    %swap3A_63 = tpu.vector_load %arg8[%swap3A_61, %swap3A_62] {strides = array<i32>} : memref<2x128xi32, #tpu.memory_space<vmem>>, vector<16xi32>,
    tpu.vector_store %arg8[%swap3A_61, %swap3A_62], %and3A_59 {strides = array<i32>} : memref<2x128xi32, #tpu.memory_space<vmem>>, vector<16xi32>,
    %shift_right_logical3A_64 = arith.constant 16 : i32
    %shift_right_logical3A_65 = vector.broadcast %shift_right_logical3A_64 : i32 to vector<16xi32>
    %shift_right_logical3A_66 = arith.shrui %get3A_56, %shift_right_logical3A_65 : vector<16xi32>
    %swap3A_67 = arith.constant 0 : i32
    %swap3A_68 = arith.index_cast %swap3A_67 : i32 to index
    %swap3A_69 = arith.constant 32 : index
    %swap3A_70 = tpu.vector_load %arg9[%swap3A_68, %swap3A_69] {strides = array<i32>} : memref<2x128xi32, #tpu.memory_space<vmem>>, vector<16xi32>,
    tpu.vector_store %arg9[%swap3A_68, %swap3A_69], %shift_right_logical3A_66 {strides = array<i32>} : memref<2x128xi32, #tpu.memory_space<vmem>>, vector<16xi32>,
    %get3A_71 = arith.constant 0 : i32
    %get3A_72 = arith.index_cast %get3A_71 : i32 to index
    %get3A_73 = arith.constant 48 : index
    %get3A_74 = tpu.vector_load %arg5[%get3A_72, %get3A_73] {strides = array<i32>} : memref<80x128xi32, #tpu.memory_space<vmem>>, vector<16xi32>,
    %and3A_75 = arith.constant 65535 : i32
    %and3A_76 = vector.broadcast %and3A_75 : i32 to vector<16xi32>
    %and3A_77 = arith.andi %get3A_74, %and3A_76 : vector<16xi32>
    %swap3A_78 = arith.constant 0 : i32
    %swap3A_79 = arith.index_cast %swap3A_78 : i32 to index
    %swap3A_80 = arith.constant 48 : index
    %swap3A_81 = tpu.vector_load %arg8[%swap3A_79, %swap3A_80] {strides = array<i32>} : memref<2x128xi32, #tpu.memory_space<vmem>>, vector<16xi32>,
    tpu.vector_store %arg8[%swap3A_79, %swap3A_80], %and3A_77 {strides = array<i32>} : memref<2x128xi32, #tpu.memory_space<vmem>>, vector<16xi32>,
    %shift_right_logical3A_82 = arith.constant 16 : i32
    %shift_right_logical3A_83 = vector.broadcast %shift_right_logical3A_82 : i32 to vector<16xi32>
    %shift_right_logical3A_84 = arith.shrui %get3A_74, %shift_right_logical3A_83 : vector<16xi32>
    %swap3A_85 = arith.constant 0 : i32
    %swap3A_86 = arith.index_cast %swap3A_85 : i32 to index
    %swap3A_87 = arith.constant 48 : index
    %swap3A_88 = tpu.vector_load %arg9[%swap3A_86, %swap3A_87] {strides = array<i32>} : memref<2x128xi32, #tpu.memory_space<vmem>>, vector<16xi32>,
    tpu.vector_store %arg9[%swap3A_86, %swap3A_87], %shift_right_logical3A_84 {strides = array<i32>} : memref<2x128xi32, #tpu.memory_space<vmem>>, vector<16xi32>,
    %get3A_89 = arith.constant 0 : i32
    %get3A_90 = arith.index_cast %get3A_89 : i32 to index
    %get3A_91 = arith.constant 64 : index
    %get3A_92 = tpu.vector_load %arg5[%get3A_90, %get3A_91] {strides = array<i32>} : memref<80x128xi32, #tpu.memory_space<vmem>>, vector<16xi32>,
    %and3A_93 = arith.constant 65535 : i32
    %and3A_94 = vector.broadcast %and3A_93 : i32 to vector<16xi32>
    %and3A_95 = arith.andi %get3A_92, %and3A_94 : vector<16xi32>
    %swap3A_96 = arith.constant 0 : i32
    %swap3A_97 = arith.index_cast %swap3A_96 : i32 to index
    %swap3A_98 = arith.constant 64 : index
    %swap3A_99 = tpu.vector_load %arg8[%swap3A_97, %swap3A_98] {strides = array<i32>} : memref<2x128xi32, #tpu.memory_space<vmem>>, vector<16xi32>,
    tpu.vector_store %arg8[%swap3A_97, %swap3A_98], %and3A_95 {strides = array<i32>} : memref<2x128xi32, #tpu.memory_space<vmem>>, vector<16xi32>,
    %shift_right_logical3A_100 = arith.constant 16 : i32
    %shift_right_logical3A_101 = vector.broadcast %shift_right_logical3A_100 : i32 to vector<16xi32>
    %shift_right_logical3A_102 = arith.shrui %get3A_92, %shift_right_logical3A_101 : vector<16xi32>
    %swap3A_103 = arith.constant 0 : i32
    %swap3A_104 = arith.index_cast %swap3A_103 : i32 to index
    %swap3A_105 = arith.constant 64 : index
    %swap3A_106 = tpu.vector_load %arg9[%swap3A_104, %swap3A_105] {strides = array<i32>} : memref<2x128xi32, #tpu.memory_space<vmem>>, vector<16xi32>,
    tpu.vector_store %arg9[%swap3A_104, %swap3A_105], %shift_right_logical3A_102 {strides = array<i32>} : memref<2x128xi32, #tpu.memory_space<vmem>>, vector<16xi32>,
    %get3A_107 = arith.constant 0 : i32
    %get3A_108 = arith.index_cast %get3A_107 : i32 to index
    %get3A_109 = arith.constant 80 : index
    %get3A_110 = tpu.vector_load %arg5[%get3A_108, %get3A_109] {strides = array<i32>} : memref<80x128xi32, #tpu.memory_space<vmem>>, vector<16xi32>,
    %and3A_111 = arith.constant 65535 : i32
    %and3A_112 = vector.broadcast %and3A_111 : i32 to vector<16xi32>
    %and3A_113 = arith.andi %get3A_110, %and3A_112 : vector<16xi32>
    %swap3A_114 = arith.constant 0 : i32
    %swap3A_115 = arith.index_cast %swap3A_114 : i32 to index
    %swap3A_116 = arith.constant 80 : index
    %swap3A_117 = tpu.vector_load %arg8[%swap3A_115, %swap3A_116] {strides = array<i32>} : memref<2x128xi32, #tpu.memory_space<vmem>>, vector<16xi32>,
    tpu.vector_store %arg8[%swap3A_115, %swap3A_116], %and3A_113 {strides = array<i32>} : memref<2x128xi32, #tpu.memory_space<vmem>>, vector<16xi32>,
    %shift_right_logical3A_118 = arith.constant 16 : i32
    %shift_right_logical3A_119 = vector.broadcast %shift_right_logical3A_118 : i32 to vector<16xi32>
    %shift_right_logical3A_120 = arith.shrui %get3A_110, %shift_right_logical3A_119 : vector<16xi32>
    %swap3A_121 = arith.constant 0 : i32
    %swap3A_122 = arith.index_cast %swap3A_121 : i32 to index
    %swap3A_123 = arith.constant 80 : index
    %swap3A_124 = tpu.vector_load %arg9[%swap3A_122, %swap3A_123] {strides = array<i32>} : memref<2x128xi32, #tpu.memory_space<vmem>>, vector<16xi32>,
    tpu.vector_store %arg9[%swap3A_122, %swap3A_123], %shift_right_logical3A_120 {strides = array<i32>} : memref<2x128xi32, #tpu.memory_space<vmem>>, vector<16xi32>,
    %get3A_125 = arith.constant 0 : i32
    %get3A_126 = arith.index_cast %get3A_125 : i32 to index
    %get3A_127 = arith.constant 96 : index
    %get3A_128 = tpu.vector_load %arg5[%get3A_126, %get3A_127] {strides = array<i32>} : memref<80x128xi32, #tpu.memory_space<vmem>>, vector<16xi32>,
    %and3A_129 = arith.constant 65535 : i32
    %and3A_130 = vector.broadcast %and3A_129 : i32 to vector<16xi32>
    %and3A_131 = arith.andi %get3A_128, %and3A_130 : vector<16xi32>
    %swap3A_132 = arith.constant 0 : i32
    %swap3A_133 = arith.index_cast %swap3A_132 : i32 to index
    %swap3A_134 = arith.constant 96 : index
    %swap3A_135 = tpu.vector_load %arg8[%swap3A_133, %swap3A_134] {strides = array<i32>} : memref<2x128xi32, #tpu.memory_space<vmem>>, vector<16xi32>,
    tpu.vector_store %arg8[%swap3A_133, %swap3A_134], %and3A_131 {strides = array<i32>} : memref<2x128xi32, #tpu.memory_space<vmem>>, vector<16xi32>,
    %shift_right_logical3A_136 = arith.constant 16 : i32
    %shift_right_logical3A_137 = vector.broadcast %shift_right_logical3A_136 : i32 to vector<16xi32>
    %shift_right_logical3A_138 = arith.shrui %get3A_128, %shift_right_logical3A_137 : vector<16xi32>
    %swap3A_139 = arith.constant 0 : i32
    %swap3A_140 = arith.index_cast %swap3A_139 : i32 to index
    %swap3A_141 = arith.constant 96 : index
    %swap3A_142 = tpu.vector_load %arg9[%swap3A_140, %swap3A_141] {strides = array<i32>} : memref<2x128xi32, #tpu.memory_space<vmem>>, vector<16xi32>,
    tpu.vector_store %arg9[%swap3A_140, %swap3A_141], %shift_right_logical3A_138 {strides = array<i32>} : memref<2x128xi32, #tpu.memory_space<vmem>>, vector<16xi32>,
    %get3A_143 = arith.constant 0 : i32
    %get3A_144 = arith.index_cast %get3A_143 : i32 to index
    %get3A_145 = arith.constant 112 : index
    %get3A_146 = tpu.vector_load %arg5[%get3A_144, %get3A_145] {strides = array<i32>} : memref<80x128xi32, #tpu.memory_space<vmem>>, vector<16xi32>,
    %and3A_147 = arith.constant 65535 : i32
    %and3A_148 = vector.broadcast %and3A_147 : i32 to vector<16xi32>
    %and3A_149 = arith.andi %get3A_146, %and3A_148 : vector<16xi32>
    %swap3A_150 = arith.constant 0 : i32
    %swap3A_151 = arith.index_cast %swap3A_150 : i32 to index
    %swap3A_152 = arith.constant 112 : index
    %swap3A_153 = tpu.vector_load %arg8[%swap3A_151, %swap3A_152] {strides = array<i32>} : memref<2x128xi32, #tpu.memory_space<vmem>>, vector<16xi32>,
    tpu.vector_store %arg8[%swap3A_151, %swap3A_152], %and3A_149 {strides = array<i32>} : memref<2x128xi32, #tpu.memory_space<vmem>>, vector<16xi32>,
    %shift_right_logical3A_154 = arith.constant 16 : i32
    %shift_right_logical3A_155 = vector.broadcast %shift_right_logical3A_154 : i32 to vector<16xi32>
    %shift_right_logical3A_156 = arith.shrui %get3A_146, %shift_right_logical3A_155 : vector<16xi32>
    %swap3A_157 = arith.constant 0 : i32
    %swap3A_158 = arith.index_cast %swap3A_157 : i32 to index
    %swap3A_159 = arith.constant 112 : index
    %swap3A_160 = tpu.vector_load %arg9[%swap3A_158, %swap3A_159] {strides = array<i32>} : memref<2x128xi32, #tpu.memory_space<vmem>>, vector<16xi32>,
    tpu.vector_store %arg9[%swap3A_158, %swap3A_159], %shift_right_logical3A_156 {strides = array<i32>} : memref<2x128xi32, #tpu.memory_space<vmem>>, vector<16xi32>,
    %get3A_161 = arith.constant 1 : i32
    %get3A_162 = arith.index_cast %get3A_161 : i32 to index
    %get3A_163 = arith.constant 0 : index
    %get3A_164 = tpu.vector_load %arg5[%get3A_162, %get3A_163] {strides = array<i32>} : memref<80x128xi32, #tpu.memory_space<vmem>>, vector<16xi32>,
    %and3A_165 = arith.constant 65535 : i32
    %and3A_166 = vector.broadcast %and3A_165 : i32 to vector<16xi32>
    %and3A_167 = arith.andi %get3A_164, %and3A_166 : vector<16xi32>
    %swap3A_168 = arith.constant 1 : i32
    %swap3A_169 = arith.index_cast %swap3A_168 : i32 to index
    %swap3A_170 = arith.constant 0 : index
    %swap3A_171 = tpu.vector_load %arg8[%swap3A_169, %swap3A_170] {strides = array<i32>} : memref<2x128xi32, #tpu.memory_space<vmem>>, vector<16xi32>,
    tpu.vector_store %arg8[%swap3A_169, %swap3A_170], %and3A_167 {strides = array<i32>} : memref<2x128xi32, #tpu.memory_space<vmem>>, vector<16xi32>,
    %shift_right_logical3A_172 = arith.constant 16 : i32
    %shift_right_logical3A_173 = vector.broadcast %shift_right_logical3A_172 : i32 to vector<16xi32>
    %shift_right_logical3A_174 = arith.shrui %get3A_164, %shift_right_logical3A_173 : vector<16xi32>
    %swap3A_175 = arith.constant 1 : i32
    %swap3A_176 = arith.index_cast %swap3A_175 : i32 to index
    %swap3A_177 = arith.constant 0 : index
    %swap3A_178 = tpu.vector_load %arg9[%swap3A_176, %swap3A_177] {strides = array<i32>} : memref<2x128xi32, #tpu.memory_space<vmem>>, vector<16xi32>,
    tpu.vector_store %arg9[%swap3A_176, %swap3A_177], %shift_right_logical3A_174 {strides = array<i32>} : memref<2x128xi32, #tpu.memory_space<vmem>>, vector<16xi32>,
    %get3A_179 = arith.constant 1 : i32
    %get3A_180 = arith.index_cast %get3A_179 : i32 to index
    %get3A_181 = arith.constant 16 : index
    %get3A_182 = tpu.vector_load %arg5[%get3A_180, %get3A_181] {strides = array<i32>} : memref<80x128xi32, #tpu.memory_space<vmem>>, vector<16xi32>,
    %and3A_183 = arith.constant 65535 : i32
    %and3A_184 = vector.broadcast %and3A_183 : i32 to vector<16xi32>
    %and3A_185 = arith.andi %get3A_182, %and3A_184 : vector<16xi32>
    %swap3A_186 = arith.constant 1 : i32
    %swap3A_187 = arith.index_cast %swap3A_186 : i32 to index
    %swap3A_188 = arith.constant 16 : index
    %swap3A_189 = tpu.vector_load %arg8[%swap3A_187, %swap3A_188] {strides = array<i32>} : memref<2x128xi32, #tpu.memory_space<vmem>>, vector<16xi32>,
    tpu.vector_store %arg8[%swap3A_187, %swap3A_188], %and3A_185 {strides = array<i32>} : memref<2x128xi32, #tpu.memory_space<vmem>>, vector<16xi32>,
    %shift_right_logical3A_190 = arith.constant 16 : i32
    %shift_right_logical3A_191 = vector.broadcast %shift_right_logical3A_190 : i32 to vector<16xi32>
    %shift_right_logical3A_192 = arith.shrui %get3A_182, %shift_right_logical3A_191 : vector<16xi32>
    %swap3A_193 = arith.constant 1 : i32
    %swap3A_194 = arith.index_cast %swap3A_193 : i32 to index
    %swap3A_195 = arith.constant 16 : index
    %swap3A_196 = tpu.vector_load %arg9[%swap3A_194, %swap3A_195] {strides = array<i32>} : memref<2x128xi32, #tpu.memory_space<vmem>>, vector<16xi32>,
    tpu.vector_store %arg9[%swap3A_194, %swap3A_195], %shift_right_logical3A_192 {strides = array<i32>} : memref<2x128xi32, #tpu.memory_space<vmem>>, vector<16xi32>,
    %get3A_197 = arith.constant 1 : i32
    %get3A_198 = arith.index_cast %get3A_197 : i32 to index
    %get3A_199 = arith.constant 32 : index
    %get3A_200 = tpu.vector_load %arg5[%get3A_198, %get3A_199] {strides = array<i32>} : memref<80x128xi32, #tpu.memory_space<vmem>>, vector<16xi32>,
    %and3A_201 = arith.constant 65535 : i32
    %and3A_202 = vector.broadcast %and3A_201 : i32 to vector<16xi32>
    %and3A_203 = arith.andi %get3A_200, %and3A_202 : vector<16xi32>
    %swap3A_204 = arith.constant 1 : i32
    %swap3A_205 = arith.index_cast %swap3A_204 : i32 to index
    %swap3A_206 = arith.constant 32 : index
    %swap3A_207 = tpu.vector_load %arg8[%swap3A_205, %swap3A_206] {strides = array<i32>} : memref<2x128xi32, #tpu.memory_space<vmem>>, vector<16xi32>,
    tpu.vector_store %arg8[%swap3A_205, %swap3A_206], %and3A_203 {strides = array<i32>} : memref<2x128xi32, #tpu.memory_space<vmem>>, vector<16xi32>,
    %shift_right_logical3A_208 = arith.constant 16 : i32
    %shift_right_logical3A_209 = vector.broadcast %shift_right_logical3A_208 : i32 to vector<16xi32>
    %shift_right_logical3A_210 = arith.shrui %get3A_200, %shift_right_logical3A_209 : vector<16xi32>
    %swap3A_211 = arith.constant 1 : i32
    %swap3A_212 = arith.index_cast %swap3A_211 : i32 to index
    %swap3A_213 = arith.constant 32 : index
    %swap3A_214 = tpu.vector_load %arg9[%swap3A_212, %swap3A_213] {strides = array<i32>} : memref<2x128xi32, #tpu.memory_space<vmem>>, vector<16xi32>,
    tpu.vector_store %arg9[%swap3A_212, %swap3A_213], %shift_right_logical3A_210 {strides = array<i32>} : memref<2x128xi32, #tpu.memory_space<vmem>>, vector<16xi32>,
    %get3A_215 = arith.constant 1 : i32
    %get3A_216 = arith.index_cast %get3A_215 : i32 to index
    %get3A_217 = arith.constant 48 : index
    %get3A_218 = tpu.vector_load %arg5[%get3A_216, %get3A_217] {strides = array<i32>} : memref<80x128xi32, #tpu.memory_space<vmem>>, vector<16xi32>,
    %and3A_219 = arith.constant 65535 : i32
    %and3A_220 = vector.broadcast %and3A_219 : i32 to vector<16xi32>
    %and3A_221 = arith.andi %get3A_218, %and3A_220 : vector<16xi32>
    %swap3A_222 = arith.constant 1 : i32
    %swap3A_223 = arith.index_cast %swap3A_222 : i32 to index
    %swap3A_224 = arith.constant 48 : index
    %swap3A_225 = tpu.vector_load %arg8[%swap3A_223, %swap3A_224] {strides = array<i32>} : memref<2x128xi32, #tpu.memory_space<vmem>>, vector<16xi32>,
    tpu.vector_store %arg8[%swap3A_223, %swap3A_224], %and3A_221 {strides = array<i32>} : memref<2x128xi32, #tpu.memory_space<vmem>>, vector<16xi32>,
    %shift_right_logical3A_226 = arith.constant 16 : i32
    %shift_right_logical3A_227 = vector.broadcast %shift_right_logical3A_226 : i32 to vector<16xi32>
    %shift_right_logical3A_228 = arith.shrui %get3A_218, %shift_right_logical3A_227 : vector<16xi32>
    %swap3A_229 = arith.constant 1 : i32
    %swap3A_230 = arith.index_cast %swap3A_229 : i32 to index
    %swap3A_231 = arith.constant 48 : index
    %swap3A_232 = tpu.vector_load %arg9[%swap3A_230, %swap3A_231] {strides = array<i32>} : memref<2x128xi32, #tpu.memory_space<vmem>>, vector<16xi32>,
    tpu.vector_store %arg9[%swap3A_230, %swap3A_231], %shift_right_logical3A_228 {strides = array<i32>} : memref<2x128xi32, #tpu.memory_space<vmem>>, vector<16xi32>,
    %get3A_233 = arith.constant 1 : i32
    %get3A_234 = arith.index_cast %get3A_233 : i32 to index
    %get3A_235 = arith.constant 64 : index
    %get3A_236 = tpu.vector_load %arg5[%get3A_234, %get3A_235] {strides = array<i32>} : memref<80x128xi32, #tpu.memory_space<vmem>>, vector<16xi32>,
    %and3A_237 = arith.constant 65535 : i32
    %and3A_238 = vector.broadcast %and3A_237 : i32 to vector<16xi32>
    %and3A_239 = arith.andi %get3A_236, %and3A_238 : vector<16xi32>
    %swap3A_240 = arith.constant 1 : i32
    %swap3A_241 = arith.index_cast %swap3A_240 : i32 to index
    %swap3A_242 = arith.constant 64 : index
    %swap3A_243 = tpu.vector_load %arg8[%swap3A_241, %swap3A_242] {strides = array<i32>} : memref<2x128xi32, #tpu.memory_space<vmem>>, vector<16xi32>,
    tpu.vector_store %arg8[%swap3A_241, %swap3A_242], %and3A_239 {strides = array<i32>} : memref<2x128xi32, #tpu.memory_space<vmem>>, vector<16xi32>,
    %shift_right_logical3A_244 = arith.constant 16 : i32
    %shift_right_logical3A_245 = vector.broadcast %shift_right_logical3A_244 : i32 to vector<16xi32>
    %shift_right_logical3A_246 = arith.shrui %get3A_236, %shift_right_logical3A_245 : vector<16xi32>
    %swap3A_247 = arith.constant 1 : i32
    %swap3A_248 = arith.index_cast %swap3A_247 : i32 to index
    %swap3A_249 = arith.constant 64 : index
    %swap3A_250 = tpu.vector_load %arg9[%swap3A_248, %swap3A_249] {strides = array<i32>} : memref<2x128xi32, #tpu.memory_space<vmem>>, vector<16xi32>,
    tpu.vector_store %arg9[%swap3A_248, %swap3A_249], %shift_right_logical3A_246 {strides = array<i32>} : memref<2x128xi32, #tpu.memory_space<vmem>>, vector<16xi32>,
    %get3A_251 = arith.constant 1 : i32
    %get3A_252 = arith.index_cast %get3A_251 : i32 to index
    %get3A_253 = arith.constant 80 : index
    %get3A_254 = tpu.vector_load %arg5[%get3A_252, %get3A_253] {strides = array<i32>} : memref<80x128xi32, #tpu.memory_space<vmem>>, vector<16xi32>,
    %and3A_255 = arith.constant 65535 : i32
    %and3A_256 = vector.broadcast %and3A_255 : i32 to vector<16xi32>
    %and3A_257 = arith.andi %get3A_254, %and3A_256 : vector<16xi32>
    %swap3A_258 = arith.constant 1 : i32
    %swap3A_259 = arith.index_cast %swap3A_258 : i32 to index
    %swap3A_260 = arith.constant 80 : index
    %swap3A_261 = tpu.vector_load %arg8[%swap3A_259, %swap3A_260] {strides = array<i32>} : memref<2x128xi32, #tpu.memory_space<vmem>>, vector<16xi32>,
    tpu.vector_store %arg8[%swap3A_259, %swap3A_260], %and3A_257 {strides = array<i32>} : memref<2x128xi32, #tpu.memory_space<vmem>>, vector<16xi32>,
    %shift_right_logical3A_262 = arith.constant 16 : i32
    %shift_right_logical3A_263 = vector.broadcast %shift_right_logical3A_262 : i32 to vector<16xi32>
    %shift_right_logical3A_264 = arith.shrui %get3A_254, %shift_right_logical3A_263 : vector<16xi32>
    %swap3A_265 = arith.constant 1 : i32
    %swap3A_266 = arith.index_cast %swap3A_265 : i32 to index
    %swap3A_267 = arith.constant 80 : index
    %swap3A_268 = tpu.vector_load %arg9[%swap3A_266, %swap3A_267] {strides = array<i32>} : memref<2x128xi32, #tpu.memory_space<vmem>>, vector<16xi32>,
    tpu.vector_store %arg9[%swap3A_266, %swap3A_267], %shift_right_logical3A_264 {strides = array<i32>} : memref<2x128xi32, #tpu.memory_space<vmem>>, vector<16xi32>,
    %get3A_269 = arith.constant 1 : i32
    %get3A_270 = arith.index_cast %get3A_269 : i32 to index
    %get3A_271 = arith.constant 96 : index
    %get3A_272 = tpu.vector_load %arg5[%get3A_270, %get3A_271] {strides = array<i32>} : memref<80x128xi32, #tpu.memory_space<vmem>>, vector<16xi32>,
    %and3A_273 = arith.constant 65535 : i32
    %and3A_274 = vector.broadcast %and3A_273 : i32 to vector<16xi32>
    %and3A_275 = arith.andi %get3A_272, %and3A_274 : vector<16xi32>
    %swap3A_276 = arith.constant 1 : i32
    %swap3A_277 = arith.index_cast %swap3A_276 : i32 to index
    %swap3A_278 = arith.constant 96 : index
    %swap3A_279 = tpu.vector_load %arg8[%swap3A_277, %swap3A_278] {strides = array<i32>} : memref<2x128xi32, #tpu.memory_space<vmem>>, vector<16xi32>,
    tpu.vector_store %arg8[%swap3A_277, %swap3A_278], %and3A_275 {strides = array<i32>} : memref<2x128xi32, #tpu.memory_space<vmem>>, vector<16xi32>,
    %shift_right_logical3A_280 = arith.constant 16 : i32
    %shift_right_logical3A_281 = vector.broadcast %shift_right_logical3A_280 : i32 to vector<16xi32>
    %shift_right_logical3A_282 = arith.shrui %get3A_272, %shift_right_logical3A_281 : vector<16xi32>
    %swap3A_283 = arith.constant 1 : i32
    %swap3A_284 = arith.index_cast %swap3A_283 : i32 to index
    %swap3A_285 = arith.constant 96 : index
    %swap3A_286 = tpu.vector_load %arg9[%swap3A_284, %swap3A_285] {strides = array<i32>} : memref<2x128xi32, #tpu.memory_space<vmem>>, vector<16xi32>,
    tpu.vector_store %arg9[%swap3A_284, %swap3A_285], %shift_right_logical3A_282 {strides = array<i32>} : memref<2x128xi32, #tpu.memory_space<vmem>>, vector<16xi32>,
    %get3A_287 = arith.constant 1 : i32
    %get3A_288 = arith.index_cast %get3A_287 : i32 to index
    %get3A_289 = arith.constant 112 : index
    %get3A_290 = tpu.vector_load %arg5[%get3A_288, %get3A_289] {strides = array<i32>} : memref<80x128xi32, #tpu.memory_space<vmem>>, vector<16xi32>,
    %and3A_291 = arith.constant 65535 : i32
    %and3A_292 = vector.broadcast %and3A_291 : i32 to vector<16xi32>
    %and3A_293 = arith.andi %get3A_290, %and3A_292 : vector<16xi32>
    %swap3A_294 = arith.constant 1 : i32
    %swap3A_295 = arith.index_cast %swap3A_294 : i32 to index
    %swap3A_296 = arith.constant 112 : index
    %swap3A_297 = tpu.vector_load %arg8[%swap3A_295, %swap3A_296] {strides = array<i32>} : memref<2x128xi32, #tpu.memory_space<vmem>>, vector<16xi32>,
    tpu.vector_store %arg8[%swap3A_295, %swap3A_296], %and3A_293 {strides = array<i32>} : memref<2x128xi32, #tpu.memory_space<vmem>>, vector<16xi32>,
    %shift_right_logical3A_298 = arith.constant 16 : i32
    %shift_right_logical3A_299 = vector.broadcast %shift_right_logical3A_298 : i32 to vector<16xi32>
    %shift_right_logical3A_300 = arith.shrui %get3A_290, %shift_right_logical3A_299 : vector<16xi32>
    %swap3A_301 = arith.constant 1 : i32
    %swap3A_302 = arith.index_cast %swap3A_301 : i32 to index
    %swap3A_303 = arith.constant 112 : index
    %swap3A_304 = tpu.vector_load %arg9[%swap3A_302, %swap3A_303] {strides = array<i32>} : memref<2x128xi32, #tpu.memory_space<vmem>>, vector<16xi32>,
    tpu.vector_store %arg9[%swap3A_302, %swap3A_303], %shift_right_logical3A_300 {strides = array<i32>} : memref<2x128xi32, #tpu.memory_space<vmem>>, vector<16xi32>,
    %dma_start3A = arith.constant 0 : i32
    %dma_start3A_305 = arith.constant 0 : i32
    %dma_start3A_306 = tpu.memref_slice %arg8[%dma_start3A, %dma_start3A_305] : memref<2x128xi32, #tpu.memory_space<vmem>> -> memref<1x128xi32, #tpu.memory_space<vmem>>
    %dma_start3A_307 = tpu.memref_squeeze %dma_start3A_306 : memref<1x128xi32, #tpu.memory_space<vmem>> -> memref<128xi32, #tpu.memory_space<vmem>>
    %dma_start3A_308 = arith.constant 0 : i32
    %dma_start3A_309 = arith.constant 0 : i32
    %dma_start3A_310 = tpu.memref_slice %arg2[%dma_start3A_308, %dma_start3A_309] : memref<10000x128xf32, #tpu.memory_space<hbm>> -> memref<10000x128xf32, #tpu.memory_space<hbm>>
    tpu.enqueue_indirect_dma source(%dma_start3A_310 : memref<10000x128xf32, #tpu.memory_space<hbm>>) target(%arg6 : memref<128x128xf32, #tpu.memory_space<vmem>>) offsets(%dma_start3A_307 : memref<128xi32, #tpu.memory_space<vmem>>) semaphore(%arg10 : memref<!tpu.dma_semaphore, #tpu.memory_space<semaphore_mem>>)
    %dma_start3A_311 = arith.constant 1 : i32
    %dma_start3A_312 = arith.constant 0 : i32
    %dma_start3A_313 = tpu.memref_slice %arg8[%dma_start3A_311, %dma_start3A_312] : memref<2x128xi32, #tpu.memory_space<vmem>> -> memref<1x128xi32, #tpu.memory_space<vmem>>
    %dma_start3A_314 = tpu.memref_squeeze %dma_start3A_313 : memref<1x128xi32, #tpu.memory_space<vmem>> -> memref<128xi32, #tpu.memory_space<vmem>>
    %dma_start3A_315 = arith.constant 0 : i32
    %dma_start3A_316 = arith.constant 0 : i32
    %dma_start3A_317 = tpu.memref_slice %arg2[%dma_start3A_315, %dma_start3A_316] : memref<10000x128xf32, #tpu.memory_space<hbm>> -> memref<10000x128xf32, #tpu.memory_space<hbm>>
    tpu.enqueue_indirect_dma source(%dma_start3A_317 : memref<10000x128xf32, #tpu.memory_space<hbm>>) target(%arg7 : memref<128x128xf32, #tpu.memory_space<vmem>>) offsets(%dma_start3A_314 : memref<128xi32, #tpu.memory_space<vmem>>) semaphore(%arg11 : memref<!tpu.dma_semaphore, #tpu.memory_space<semaphore_mem>>)
    %scan3A_318 = arith.constant 0 : i32
    %scan3A_319 = arith.constant 0 : i32
    %scan3A_320 = arith.constant 39 : i32
    %scan3A_321 = arith.addi %scan3A_319, %scan3A_320 : i32
    %scan3A_322 = arith.constant 1 : i32
    scf.for %scan3A_339 = %scan3A_319 to %scan3A_321 step %scan3A_322  : i32 {
      %mul3A_340 = arith.constant 2 : i32
      %mul3A_341 = arith.muli %mul3A_340, %scan3A_339 : i32
      %dma_wait3A_342 = arith.constant 0 : i32
      %dma_wait3A_343 = arith.constant 0 : i32
      %dma_wait3A_344 = tpu.memref_slice %arg8[%dma_wait3A_342, %dma_wait3A_343] : memref<2x128xi32, #tpu.memory_space<vmem>> -> memref<1x128xi32, #tpu.memory_space<vmem>>
      %dma_wait3A_345 = tpu.memref_squeeze %dma_wait3A_344 : memref<1x128xi32, #tpu.memory_space<vmem>> -> memref<128xi32, #tpu.memory_space<vmem>>
      %dma_wait3A_346 = arith.constant 0 : i32
      %dma_wait3A_347 = arith.constant 0 : i32
      %dma_wait3A_348 = tpu.memref_slice %arg2[%dma_wait3A_346, %dma_wait3A_347] : memref<10000x128xf32, #tpu.memory_space<hbm>> -> memref<10000x128xf32, #tpu.memory_space<hbm>>
      tpu.wait_indirect_dma semaphore(%arg10 : memref<!tpu.dma_semaphore, #tpu.memory_space<semaphore_mem>>) src(%dma_wait3A_348 : memref<10000x128xf32, #tpu.memory_space<hbm>>) dst(%arg6 : memref<128x128xf32, #tpu.memory_space<vmem>>)
      %run_scoped3A_349 = arith.constant 0 : i32
      "tpu.region"() ({
        %run_scoped3A_648 = tpu.sem_alloc : memref<!tpu.dma_semaphore, #tpu.memory_space<semaphore_mem>>
        %dma_start3A_649 = arith.constant 0 : i32
        %dma_start3A_650 = tpu.memref_slice %arg9[%run_scoped3A_349, %dma_start3A_649] : memref<2x128xi32, #tpu.memory_space<vmem>> -> memref<1x128xi32, #tpu.memory_space<vmem>>
        %dma_start3A_651 = tpu.memref_squeeze %dma_start3A_650 : memref<1x128xi32, #tpu.memory_space<vmem>> -> memref<128xi32, #tpu.memory_space<vmem>>
        %dma_start3A_652 = arith.constant 0 : i32
        %dma_start3A_653 = arith.constant 0 : i32
        %dma_start3A_654 = tpu.memref_slice %arg12[%dma_start3A_652, %dma_start3A_653] : memref<10112x128xf32, #tpu.memory_space<vmem_shared>> -> memref<10112x128xf32, #tpu.memory_space<vmem_shared>>
        tpu.enqueue_indirect_dma source(%arg6 : memref<128x128xf32, #tpu.memory_space<vmem>>) target(%dma_start3A_654 : memref<10112x128xf32, #tpu.memory_space<vmem_shared>>) offsets(%dma_start3A_651 : memref<128xi32, #tpu.memory_space<vmem>>) semaphore(%run_scoped3A_648 : memref<!tpu.dma_semaphore, #tpu.memory_space<semaphore_mem>>) {add = true}
        %dma_wait3A_655 = arith.constant 0 : i32
        %dma_wait3A_656 = tpu.memref_slice %arg9[%run_scoped3A_349, %dma_wait3A_655] : memref<2x128xi32, #tpu.memory_space<vmem>> -> memref<1x128xi32, #tpu.memory_space<vmem>>
        %dma_wait3A_657 = tpu.memref_squeeze %dma_wait3A_656 : memref<1x128xi32, #tpu.memory_space<vmem>> -> memref<128xi32, #tpu.memory_space<vmem>>
        %dma_wait3A_658 = arith.constant 0 : i32
        %dma_wait3A_659 = arith.constant 0 : i32
        %dma_wait3A_660 = tpu.memref_slice %arg12[%dma_wait3A_658, %dma_wait3A_659] : memref<10112x128xf32, #tpu.memory_space<vmem_shared>> -> memref<10112x128xf32, #tpu.memory_space<vmem_shared>>
        tpu.wait_indirect_dma semaphore(%run_scoped3A_648 : memref<!tpu.dma_semaphore, #tpu.memory_space<semaphore_mem>>) src(%arg6 : memref<128x128xf32, #tpu.memory_space<vmem>>) dst(%dma_wait3A_660 : memref<10112x128xf32, #tpu.memory_space<vmem_shared>>)
        tpu.yield
      }) : () -> ()
      %add3A_350 = arith.constant 2 : i32
      %add3A_351 = arith.addi %mul3A_341, %add3A_350 : i32
      %get3A_352 = arith.index_cast %add3A_351 : i32 to index
      %get3A_353 = arith.constant 0 : index
      %get3A_354 = tpu.vector_load %arg5[%get3A_352, %get3A_353] {strides = array<i32>} : memref<80x128xi32, #tpu.memory_space<vmem>>, vector<16xi32>,
      %and3A_355 = arith.constant 65535 : i32
      %and3A_356 = vector.broadcast %and3A_355 : i32 to vector<16xi32>
      %and3A_357 = arith.andi %get3A_354, %and3A_356 : vector<16xi32>
      %swap3A_358 = arith.constant 0 : i32
      %swap3A_359 = arith.index_cast %swap3A_358 : i32 to index
      %swap3A_360 = arith.constant 0 : index
      %swap3A_361 = tpu.vector_load %arg8[%swap3A_359, %swap3A_360] {strides = array<i32>} : memref<2x128xi32, #tpu.memory_space<vmem>>, vector<16xi32>,
      tpu.vector_store %arg8[%swap3A_359, %swap3A_360], %and3A_357 {strides = array<i32>} : memref<2x128xi32, #tpu.memory_space<vmem>>, vector<16xi32>,
      %shift_right_logical3A_362 = arith.constant 16 : i32
      %shift_right_logical3A_363 = vector.broadcast %shift_right_logical3A_362 : i32 to vector<16xi32>
      %shift_right_logical3A_364 = arith.shrui %get3A_354, %shift_right_logical3A_363 : vector<16xi32>
      %swap3A_365 = arith.constant 0 : i32
      %swap3A_366 = arith.index_cast %swap3A_365 : i32 to index
      %swap3A_367 = arith.constant 0 : index
      %swap3A_368 = tpu.vector_load %arg9[%swap3A_366, %swap3A_367] {strides = array<i32>} : memref<2x128xi32, #tpu.memory_space<vmem>>, vector<16xi32>,
      tpu.vector_store %arg9[%swap3A_366, %swap3A_367], %shift_right_logical3A_364 {strides = array<i32>} : memref<2x128xi32, #tpu.memory_space<vmem>>, vector<16xi32>,
      %get3A_369 = arith.index_cast %add3A_351 : i32 to index
      %get3A_370 = arith.constant 16 : index
      %get3A_371 = tpu.vector_load %arg5[%get3A_369, %get3A_370] {strides = array<i32>} : memref<80x128xi32, #tpu.memory_space<vmem>>, vector<16xi32>,
      %and3A_372 = arith.constant 65535 : i32
      %and3A_373 = vector.broadcast %and3A_372 : i32 to vector<16xi32>
      %and3A_374 = arith.andi %get3A_371, %and3A_373 : vector<16xi32>
      %swap3A_375 = arith.constant 0 : i32
      %swap3A_376 = arith.index_cast %swap3A_375 : i32 to index
      %swap3A_377 = arith.constant 16 : index
      %swap3A_378 = tpu.vector_load %arg8[%swap3A_376, %swap3A_377] {strides = array<i32>} : memref<2x128xi32, #tpu.memory_space<vmem>>, vector<16xi32>,
      tpu.vector_store %arg8[%swap3A_376, %swap3A_377], %and3A_374 {strides = array<i32>} : memref<2x128xi32, #tpu.memory_space<vmem>>, vector<16xi32>,
      %shift_right_logical3A_379 = arith.constant 16 : i32
      %shift_right_logical3A_380 = vector.broadcast %shift_right_logical3A_379 : i32 to vector<16xi32>
      %shift_right_logical3A_381 = arith.shrui %get3A_371, %shift_right_logical3A_380 : vector<16xi32>
      %swap3A_382 = arith.constant 0 : i32
      %swap3A_383 = arith.index_cast %swap3A_382 : i32 to index
      %swap3A_384 = arith.constant 16 : index
      %swap3A_385 = tpu.vector_load %arg9[%swap3A_383, %swap3A_384] {strides = array<i32>} : memref<2x128xi32, #tpu.memory_space<vmem>>, vector<16xi32>,
      tpu.vector_store %arg9[%swap3A_383, %swap3A_384], %shift_right_logical3A_381 {strides = array<i32>} : memref<2x128xi32, #tpu.memory_space<vmem>>, vector<16xi32>,
      %get3A_386 = arith.index_cast %add3A_351 : i32 to index
      %get3A_387 = arith.constant 32 : index
      %get3A_388 = tpu.vector_load %arg5[%get3A_386, %get3A_387] {strides = array<i32>} : memref<80x128xi32, #tpu.memory_space<vmem>>, vector<16xi32>,
      %and3A_389 = arith.constant 65535 : i32
      %and3A_390 = vector.broadcast %and3A_389 : i32 to vector<16xi32>
      %and3A_391 = arith.andi %get3A_388, %and3A_390 : vector<16xi32>
      %swap3A_392 = arith.constant 0 : i32
      %swap3A_393 = arith.index_cast %swap3A_392 : i32 to index
      %swap3A_394 = arith.constant 32 : index
      %swap3A_395 = tpu.vector_load %arg8[%swap3A_393, %swap3A_394] {strides = array<i32>} : memref<2x128xi32, #tpu.memory_space<vmem>>, vector<16xi32>,
      tpu.vector_store %arg8[%swap3A_393, %swap3A_394], %and3A_391 {strides = array<i32>} : memref<2x128xi32, #tpu.memory_space<vmem>>, vector<16xi32>,
      %shift_right_logical3A_396 = arith.constant 16 : i32
      %shift_right_logical3A_397 = vector.broadcast %shift_right_logical3A_396 : i32 to vector<16xi32>
      %shift_right_logical3A_398 = arith.shrui %get3A_388, %shift_right_logical3A_397 : vector<16xi32>
      %swap3A_399 = arith.constant 0 : i32
      %swap3A_400 = arith.index_cast %swap3A_399 : i32 to index
      %swap3A_401 = arith.constant 32 : index
      %swap3A_402 = tpu.vector_load %arg9[%swap3A_400, %swap3A_401] {strides = array<i32>} : memref<2x128xi32, #tpu.memory_space<vmem>>, vector<16xi32>,
      tpu.vector_store %arg9[%swap3A_400, %swap3A_401], %shift_right_logical3A_398 {strides = array<i32>} : memref<2x128xi32, #tpu.memory_space<vmem>>, vector<16xi32>,
      %get3A_403 = arith.index_cast %add3A_351 : i32 to index
      %get3A_404 = arith.constant 48 : index
      %get3A_405 = tpu.vector_load %arg5[%get3A_403, %get3A_404] {strides = array<i32>} : memref<80x128xi32, #tpu.memory_space<vmem>>, vector<16xi32>,
      %and3A_406 = arith.constant 65535 : i32
      %and3A_407 = vector.broadcast %and3A_406 : i32 to vector<16xi32>
      %and3A_408 = arith.andi %get3A_405, %and3A_407 : vector<16xi32>
      %swap3A_409 = arith.constant 0 : i32
      %swap3A_410 = arith.index_cast %swap3A_409 : i32 to index
      %swap3A_411 = arith.constant 48 : index
      %swap3A_412 = tpu.vector_load %arg8[%swap3A_410, %swap3A_411] {strides = array<i32>} : memref<2x128xi32, #tpu.memory_space<vmem>>, vector<16xi32>,
      tpu.vector_store %arg8[%swap3A_410, %swap3A_411], %and3A_408 {strides = array<i32>} : memref<2x128xi32, #tpu.memory_space<vmem>>, vector<16xi32>,
      %shift_right_logical3A_413 = arith.constant 16 : i32
      %shift_right_logical3A_414 = vector.broadcast %shift_right_logical3A_413 : i32 to vector<16xi32>
      %shift_right_logical3A_415 = arith.shrui %get3A_405, %shift_right_logical3A_414 : vector<16xi32>
      %swap3A_416 = arith.constant 0 : i32
      %swap3A_417 = arith.index_cast %swap3A_416 : i32 to index
      %swap3A_418 = arith.constant 48 : index
      %swap3A_419 = tpu.vector_load %arg9[%swap3A_417, %swap3A_418] {strides = array<i32>} : memref<2x128xi32, #tpu.memory_space<vmem>>, vector<16xi32>,
      tpu.vector_store %arg9[%swap3A_417, %swap3A_418], %shift_right_logical3A_415 {strides = array<i32>} : memref<2x128xi32, #tpu.memory_space<vmem>>, vector<16xi32>,
      %get3A_420 = arith.index_cast %add3A_351 : i32 to index
      %get3A_421 = arith.constant 64 : index
      %get3A_422 = tpu.vector_load %arg5[%get3A_420, %get3A_421] {strides = array<i32>} : memref<80x128xi32, #tpu.memory_space<vmem>>, vector<16xi32>,
      %and3A_423 = arith.constant 65535 : i32
      %and3A_424 = vector.broadcast %and3A_423 : i32 to vector<16xi32>
      %and3A_425 = arith.andi %get3A_422, %and3A_424 : vector<16xi32>
      %swap3A_426 = arith.constant 0 : i32
      %swap3A_427 = arith.index_cast %swap3A_426 : i32 to index
      %swap3A_428 = arith.constant 64 : index
      %swap3A_429 = tpu.vector_load %arg8[%swap3A_427, %swap3A_428] {strides = array<i32>} : memref<2x128xi32, #tpu.memory_space<vmem>>, vector<16xi32>,
      tpu.vector_store %arg8[%swap3A_427, %swap3A_428], %and3A_425 {strides = array<i32>} : memref<2x128xi32, #tpu.memory_space<vmem>>, vector<16xi32>,
      %shift_right_logical3A_430 = arith.constant 16 : i32
      %shift_right_logical3A_431 = vector.broadcast %shift_right_logical3A_430 : i32 to vector<16xi32>
      %shift_right_logical3A_432 = arith.shrui %get3A_422, %shift_right_logical3A_431 : vector<16xi32>
      %swap3A_433 = arith.constant 0 : i32
      %swap3A_434 = arith.index_cast %swap3A_433 : i32 to index
      %swap3A_435 = arith.constant 64 : index
      %swap3A_436 = tpu.vector_load %arg9[%swap3A_434, %swap3A_435] {strides = array<i32>} : memref<2x128xi32, #tpu.memory_space<vmem>>, vector<16xi32>,
      tpu.vector_store %arg9[%swap3A_434, %swap3A_435], %shift_right_logical3A_432 {strides = array<i32>} : memref<2x128xi32, #tpu.memory_space<vmem>>, vector<16xi32>,
      %get3A_437 = arith.index_cast %add3A_351 : i32 to index
      %get3A_438 = arith.constant 80 : index
      %get3A_439 = tpu.vector_load %arg5[%get3A_437, %get3A_438] {strides = array<i32>} : memref<80x128xi32, #tpu.memory_space<vmem>>, vector<16xi32>,
      %and3A_440 = arith.constant 65535 : i32
      %and3A_441 = vector.broadcast %and3A_440 : i32 to vector<16xi32>
      %and3A_442 = arith.andi %get3A_439, %and3A_441 : vector<16xi32>
      %swap3A_443 = arith.constant 0 : i32
      %swap3A_444 = arith.index_cast %swap3A_443 : i32 to index
      %swap3A_445 = arith.constant 80 : index
      %swap3A_446 = tpu.vector_load %arg8[%swap3A_444, %swap3A_445] {strides = array<i32>} : memref<2x128xi32, #tpu.memory_space<vmem>>, vector<16xi32>,
      tpu.vector_store %arg8[%swap3A_444, %swap3A_445], %and3A_442 {strides = array<i32>} : memref<2x128xi32, #tpu.memory_space<vmem>>, vector<16xi32>,
      %shift_right_logical3A_447 = arith.constant 16 : i32
      %shift_right_logical3A_448 = vector.broadcast %shift_right_logical3A_447 : i32 to vector<16xi32>
      %shift_right_logical3A_449 = arith.shrui %get3A_439, %shift_right_logical3A_448 : vector<16xi32>
      %swap3A_450 = arith.constant 0 : i32
      %swap3A_451 = arith.index_cast %swap3A_450 : i32 to index
      %swap3A_452 = arith.constant 80 : index
      %swap3A_453 = tpu.vector_load %arg9[%swap3A_451, %swap3A_452] {strides = array<i32>} : memref<2x128xi32, #tpu.memory_space<vmem>>, vector<16xi32>,
      tpu.vector_store %arg9[%swap3A_451, %swap3A_452], %shift_right_logical3A_449 {strides = array<i32>} : memref<2x128xi32, #tpu.memory_space<vmem>>, vector<16xi32>,
      %get3A_454 = arith.index_cast %add3A_351 : i32 to index
      %get3A_455 = arith.constant 96 : index
      %get3A_456 = tpu.vector_load %arg5[%get3A_454, %get3A_455] {strides = array<i32>} : memref<80x128xi32, #tpu.memory_space<vmem>>, vector<16xi32>,
      %and3A_457 = arith.constant 65535 : i32
      %and3A_458 = vector.broadcast %and3A_457 : i32 to vector<16xi32>
      %and3A_459 = arith.andi %get3A_456, %and3A_458 : vector<16xi32>
      %swap3A_460 = arith.constant 0 : i32
      %swap3A_461 = arith.index_cast %swap3A_460 : i32 to index
      %swap3A_462 = arith.constant 96 : index
      %swap3A_463 = tpu.vector_load %arg8[%swap3A_461, %swap3A_462] {strides = array<i32>} : memref<2x128xi32, #tpu.memory_space<vmem>>, vector<16xi32>,
      tpu.vector_store %arg8[%swap3A_461, %swap3A_462], %and3A_459 {strides = array<i32>} : memref<2x128xi32, #tpu.memory_space<vmem>>, vector<16xi32>,
      %shift_right_logical3A_464 = arith.constant 16 : i32
      %shift_right_logical3A_465 = vector.broadcast %shift_right_logical3A_464 : i32 to vector<16xi32>
      %shift_right_logical3A_466 = arith.shrui %get3A_456, %shift_right_logical3A_465 : vector<16xi32>
      %swap3A_467 = arith.constant 0 : i32
      %swap3A_468 = arith.index_cast %swap3A_467 : i32 to index
      %swap3A_469 = arith.constant 96 : index
      %swap3A_470 = tpu.vector_load %arg9[%swap3A_468, %swap3A_469] {strides = array<i32>} : memref<2x128xi32, #tpu.memory_space<vmem>>, vector<16xi32>,
      tpu.vector_store %arg9[%swap3A_468, %swap3A_469], %shift_right_logical3A_466 {strides = array<i32>} : memref<2x128xi32, #tpu.memory_space<vmem>>, vector<16xi32>,
      %get3A_471 = arith.index_cast %add3A_351 : i32 to index
      %get3A_472 = arith.constant 112 : index
      %get3A_473 = tpu.vector_load %arg5[%get3A_471, %get3A_472] {strides = array<i32>} : memref<80x128xi32, #tpu.memory_space<vmem>>, vector<16xi32>,
      %and3A_474 = arith.constant 65535 : i32
      %and3A_475 = vector.broadcast %and3A_474 : i32 to vector<16xi32>
      %and3A_476 = arith.andi %get3A_473, %and3A_475 : vector<16xi32>
      %swap3A_477 = arith.constant 0 : i32
      %swap3A_478 = arith.index_cast %swap3A_477 : i32 to index
      %swap3A_479 = arith.constant 112 : index
      %swap3A_480 = tpu.vector_load %arg8[%swap3A_478, %swap3A_479] {strides = array<i32>} : memref<2x128xi32, #tpu.memory_space<vmem>>, vector<16xi32>,
      tpu.vector_store %arg8[%swap3A_478, %swap3A_479], %and3A_476 {strides = array<i32>} : memref<2x128xi32, #tpu.memory_space<vmem>>, vector<16xi32>,
      %shift_right_logical3A_481 = arith.constant 16 : i32
      %shift_right_logical3A_482 = vector.broadcast %shift_right_logical3A_481 : i32 to vector<16xi32>
      %shift_right_logical3A_483 = arith.shrui %get3A_473, %shift_right_logical3A_482 : vector<16xi32>
      %swap3A_484 = arith.constant 0 : i32
      %swap3A_485 = arith.index_cast %swap3A_484 : i32 to index
      %swap3A_486 = arith.constant 112 : index
      %swap3A_487 = tpu.vector_load %arg9[%swap3A_485, %swap3A_486] {strides = array<i32>} : memref<2x128xi32, #tpu.memory_space<vmem>>, vector<16xi32>,
      tpu.vector_store %arg9[%swap3A_485, %swap3A_486], %shift_right_logical3A_483 {strides = array<i32>} : memref<2x128xi32, #tpu.memory_space<vmem>>, vector<16xi32>,
      %dma_start3A_488 = arith.constant 0 : i32
      %dma_start3A_489 = arith.constant 0 : i32
      %dma_start3A_490 = tpu.memref_slice %arg8[%dma_start3A_488, %dma_start3A_489] : memref<2x128xi32, #tpu.memory_space<vmem>> -> memref<1x128xi32, #tpu.memory_space<vmem>>
      %dma_start3A_491 = tpu.memref_squeeze %dma_start3A_490 : memref<1x128xi32, #tpu.memory_space<vmem>> -> memref<128xi32, #tpu.memory_space<vmem>>
      %dma_start3A_492 = arith.constant 0 : i32
      %dma_start3A_493 = arith.constant 0 : i32
      %dma_start3A_494 = tpu.memref_slice %arg2[%dma_start3A_492, %dma_start3A_493] : memref<10000x128xf32, #tpu.memory_space<hbm>> -> memref<10000x128xf32, #tpu.memory_space<hbm>>
      tpu.enqueue_indirect_dma source(%dma_start3A_494 : memref<10000x128xf32, #tpu.memory_space<hbm>>) target(%arg6 : memref<128x128xf32, #tpu.memory_space<vmem>>) offsets(%dma_start3A_491 : memref<128xi32, #tpu.memory_space<vmem>>) semaphore(%arg10 : memref<!tpu.dma_semaphore, #tpu.memory_space<semaphore_mem>>)
      %dma_wait3A_495 = arith.constant 1 : i32
      %dma_wait3A_496 = arith.constant 0 : i32
      %dma_wait3A_497 = tpu.memref_slice %arg8[%dma_wait3A_495, %dma_wait3A_496] : memref<2x128xi32, #tpu.memory_space<vmem>> -> memref<1x128xi32, #tpu.memory_space<vmem>>
      %dma_wait3A_498 = tpu.memref_squeeze %dma_wait3A_497 : memref<1x128xi32, #tpu.memory_space<vmem>> -> memref<128xi32, #tpu.memory_space<vmem>>
      %dma_wait3A_499 = arith.constant 0 : i32
      %dma_wait3A_500 = arith.constant 0 : i32
      %dma_wait3A_501 = tpu.memref_slice %arg2[%dma_wait3A_499, %dma_wait3A_500] : memref<10000x128xf32, #tpu.memory_space<hbm>> -> memref<10000x128xf32, #tpu.memory_space<hbm>>
      tpu.wait_indirect_dma semaphore(%arg11 : memref<!tpu.dma_semaphore, #tpu.memory_space<semaphore_mem>>) src(%dma_wait3A_501 : memref<10000x128xf32, #tpu.memory_space<hbm>>) dst(%arg7 : memref<128x128xf32, #tpu.memory_space<vmem>>)
      %run_scoped3A_502 = arith.constant 1 : i32
      "tpu.region"() ({
        %run_scoped3A_648 = tpu.sem_alloc : memref<!tpu.dma_semaphore, #tpu.memory_space<semaphore_mem>>
        %dma_start3A_649 = arith.constant 0 : i32
        %dma_start3A_650 = tpu.memref_slice %arg9[%run_scoped3A_502, %dma_start3A_649] : memref<2x128xi32, #tpu.memory_space<vmem>> -> memref<1x128xi32, #tpu.memory_space<vmem>>
        %dma_start3A_651 = tpu.memref_squeeze %dma_start3A_650 : memref<1x128xi32, #tpu.memory_space<vmem>> -> memref<128xi32, #tpu.memory_space<vmem>>
        %dma_start3A_652 = arith.constant 0 : i32
        %dma_start3A_653 = arith.constant 0 : i32
        %dma_start3A_654 = tpu.memref_slice %arg12[%dma_start3A_652, %dma_start3A_653] : memref<10112x128xf32, #tpu.memory_space<vmem_shared>> -> memref<10112x128xf32, #tpu.memory_space<vmem_shared>>
        tpu.enqueue_indirect_dma source(%arg7 : memref<128x128xf32, #tpu.memory_space<vmem>>) target(%dma_start3A_654 : memref<10112x128xf32, #tpu.memory_space<vmem_shared>>) offsets(%dma_start3A_651 : memref<128xi32, #tpu.memory_space<vmem>>) semaphore(%run_scoped3A_648 : memref<!tpu.dma_semaphore, #tpu.memory_space<semaphore_mem>>) {add = true}
        %dma_wait3A_655 = arith.constant 0 : i32
        %dma_wait3A_656 = tpu.memref_slice %arg9[%run_scoped3A_502, %dma_wait3A_655] : memref<2x128xi32, #tpu.memory_space<vmem>> -> memref<1x128xi32, #tpu.memory_space<vmem>>
        %dma_wait3A_657 = tpu.memref_squeeze %dma_wait3A_656 : memref<1x128xi32, #tpu.memory_space<vmem>> -> memref<128xi32, #tpu.memory_space<vmem>>
        %dma_wait3A_658 = arith.constant 0 : i32
        %dma_wait3A_659 = arith.constant 0 : i32
        %dma_wait3A_660 = tpu.memref_slice %arg12[%dma_wait3A_658, %dma_wait3A_659] : memref<10112x128xf32, #tpu.memory_space<vmem_shared>> -> memref<10112x128xf32, #tpu.memory_space<vmem_shared>>
        tpu.wait_indirect_dma semaphore(%run_scoped3A_648 : memref<!tpu.dma_semaphore, #tpu.memory_space<semaphore_mem>>) src(%arg7 : memref<128x128xf32, #tpu.memory_space<vmem>>) dst(%dma_wait3A_660 : memref<10112x128xf32, #tpu.memory_space<vmem_shared>>)
        tpu.yield
      }) : () -> ()
      %add3A_503 = arith.constant 3 : i32
      %add3A_504 = arith.addi %mul3A_341, %add3A_503 : i32
      %get3A_505 = arith.index_cast %add3A_504 : i32 to index
      %get3A_506 = arith.constant 0 : index
      %get3A_507 = tpu.vector_load %arg5[%get3A_505, %get3A_506] {strides = array<i32>} : memref<80x128xi32, #tpu.memory_space<vmem>>, vector<16xi32>,
      %and3A_508 = arith.constant 65535 : i32
      %and3A_509 = vector.broadcast %and3A_508 : i32 to vector<16xi32>
      %and3A_510 = arith.andi %get3A_507, %and3A_509 : vector<16xi32>
      %swap3A_511 = arith.constant 1 : i32
      %swap3A_512 = arith.index_cast %swap3A_511 : i32 to index
      %swap3A_513 = arith.constant 0 : index
      %swap3A_514 = tpu.vector_load %arg8[%swap3A_512, %swap3A_513] {strides = array<i32>} : memref<2x128xi32, #tpu.memory_space<vmem>>, vector<16xi32>,
      tpu.vector_store %arg8[%swap3A_512, %swap3A_513], %and3A_510 {strides = array<i32>} : memref<2x128xi32, #tpu.memory_space<vmem>>, vector<16xi32>,
      %shift_right_logical3A_515 = arith.constant 16 : i32
      %shift_right_logical3A_516 = vector.broadcast %shift_right_logical3A_515 : i32 to vector<16xi32>
      %shift_right_logical3A_517 = arith.shrui %get3A_507, %shift_right_logical3A_516 : vector<16xi32>
      %swap3A_518 = arith.constant 1 : i32
      %swap3A_519 = arith.index_cast %swap3A_518 : i32 to index
      %swap3A_520 = arith.constant 0 : index
      %swap3A_521 = tpu.vector_load %arg9[%swap3A_519, %swap3A_520] {strides = array<i32>} : memref<2x128xi32, #tpu.memory_space<vmem>>, vector<16xi32>,
      tpu.vector_store %arg9[%swap3A_519, %swap3A_520], %shift_right_logical3A_517 {strides = array<i32>} : memref<2x128xi32, #tpu.memory_space<vmem>>, vector<16xi32>,
      %get3A_522 = arith.index_cast %add3A_504 : i32 to index
      %get3A_523 = arith.constant 16 : index
      %get3A_524 = tpu.vector_load %arg5[%get3A_522, %get3A_523] {strides = array<i32>} : memref<80x128xi32, #tpu.memory_space<vmem>>, vector<16xi32>,
      %and3A_525 = arith.constant 65535 : i32
      %and3A_526 = vector.broadcast %and3A_525 : i32 to vector<16xi32>
      %and3A_527 = arith.andi %get3A_524, %and3A_526 : vector<16xi32>
      %swap3A_528 = arith.constant 1 : i32
      %swap3A_529 = arith.index_cast %swap3A_528 : i32 to index
      %swap3A_530 = arith.constant 16 : index
      %swap3A_531 = tpu.vector_load %arg8[%swap3A_529, %swap3A_530] {strides = array<i32>} : memref<2x128xi32, #tpu.memory_space<vmem>>, vector<16xi32>,
      tpu.vector_store %arg8[%swap3A_529, %swap3A_530], %and3A_527 {strides = array<i32>} : memref<2x128xi32, #tpu.memory_space<vmem>>, vector<16xi32>,
      %shift_right_logical3A_532 = arith.constant 16 : i32
      %shift_right_logical3A_533 = vector.broadcast %shift_right_logical3A_532 : i32 to vector<16xi32>
      %shift_right_logical3A_534 = arith.shrui %get3A_524, %shift_right_logical3A_533 : vector<16xi32>
      %swap3A_535 = arith.constant 1 : i32
      %swap3A_536 = arith.index_cast %swap3A_535 : i32 to index
      %swap3A_537 = arith.constant 16 : index
      %swap3A_538 = tpu.vector_load %arg9[%swap3A_536, %swap3A_537] {strides = array<i32>} : memref<2x128xi32, #tpu.memory_space<vmem>>, vector<16xi32>,
      tpu.vector_store %arg9[%swap3A_536, %swap3A_537], %shift_right_logical3A_534 {strides = array<i32>} : memref<2x128xi32, #tpu.memory_space<vmem>>, vector<16xi32>,
      %get3A_539 = arith.index_cast %add3A_504 : i32 to index
      %get3A_540 = arith.constant 32 : index
      %get3A_541 = tpu.vector_load %arg5[%get3A_539, %get3A_540] {strides = array<i32>} : memref<80x128xi32, #tpu.memory_space<vmem>>, vector<16xi32>,
      %and3A_542 = arith.constant 65535 : i32
      %and3A_543 = vector.broadcast %and3A_542 : i32 to vector<16xi32>
      %and3A_544 = arith.andi %get3A_541, %and3A_543 : vector<16xi32>
      %swap3A_545 = arith.constant 1 : i32
      %swap3A_546 = arith.index_cast %swap3A_545 : i32 to index
      %swap3A_547 = arith.constant 32 : index
      %swap3A_548 = tpu.vector_load %arg8[%swap3A_546, %swap3A_547] {strides = array<i32>} : memref<2x128xi32, #tpu.memory_space<vmem>>, vector<16xi32>,
      tpu.vector_store %arg8[%swap3A_546, %swap3A_547], %and3A_544 {strides = array<i32>} : memref<2x128xi32, #tpu.memory_space<vmem>>, vector<16xi32>,
      %shift_right_logical3A_549 = arith.constant 16 : i32
      %shift_right_logical3A_550 = vector.broadcast %shift_right_logical3A_549 : i32 to vector<16xi32>
      %shift_right_logical3A_551 = arith.shrui %get3A_541, %shift_right_logical3A_550 : vector<16xi32>
      %swap3A_552 = arith.constant 1 : i32
      %swap3A_553 = arith.index_cast %swap3A_552 : i32 to index
      %swap3A_554 = arith.constant 32 : index
      %swap3A_555 = tpu.vector_load %arg9[%swap3A_553, %swap3A_554] {strides = array<i32>} : memref<2x128xi32, #tpu.memory_space<vmem>>, vector<16xi32>,
      tpu.vector_store %arg9[%swap3A_553, %swap3A_554], %shift_right_logical3A_551 {strides = array<i32>} : memref<2x128xi32, #tpu.memory_space<vmem>>, vector<16xi32>,
      %get3A_556 = arith.index_cast %add3A_504 : i32 to index
      %get3A_557 = arith.constant 48 : index
      %get3A_558 = tpu.vector_load %arg5[%get3A_556, %get3A_557] {strides = array<i32>} : memref<80x128xi32, #tpu.memory_space<vmem>>, vector<16xi32>,
      %and3A_559 = arith.constant 65535 : i32
      %and3A_560 = vector.broadcast %and3A_559 : i32 to vector<16xi32>
      %and3A_561 = arith.andi %get3A_558, %and3A_560 : vector<16xi32>
      %swap3A_562 = arith.constant 1 : i32
      %swap3A_563 = arith.index_cast %swap3A_562 : i32 to index
      %swap3A_564 = arith.constant 48 : index
      %swap3A_565 = tpu.vector_load %arg8[%swap3A_563, %swap3A_564] {strides = array<i32>} : memref<2x128xi32, #tpu.memory_space<vmem>>, vector<16xi32>,
      tpu.vector_store %arg8[%swap3A_563, %swap3A_564], %and3A_561 {strides = array<i32>} : memref<2x128xi32, #tpu.memory_space<vmem>>, vector<16xi32>,
      %shift_right_logical3A_566 = arith.constant 16 : i32
      %shift_right_logical3A_567 = vector.broadcast %shift_right_logical3A_566 : i32 to vector<16xi32>
      %shift_right_logical3A_568 = arith.shrui %get3A_558, %shift_right_logical3A_567 : vector<16xi32>
      %swap3A_569 = arith.constant 1 : i32
      %swap3A_570 = arith.index_cast %swap3A_569 : i32 to index
      %swap3A_571 = arith.constant 48 : index
      %swap3A_572 = tpu.vector_load %arg9[%swap3A_570, %swap3A_571] {strides = array<i32>} : memref<2x128xi32, #tpu.memory_space<vmem>>, vector<16xi32>,
      tpu.vector_store %arg9[%swap3A_570, %swap3A_571], %shift_right_logical3A_568 {strides = array<i32>} : memref<2x128xi32, #tpu.memory_space<vmem>>, vector<16xi32>,
      %get3A_573 = arith.index_cast %add3A_504 : i32 to index
      %get3A_574 = arith.constant 64 : index
      %get3A_575 = tpu.vector_load %arg5[%get3A_573, %get3A_574] {strides = array<i32>} : memref<80x128xi32, #tpu.memory_space<vmem>>, vector<16xi32>,
      %and3A_576 = arith.constant 65535 : i32
      %and3A_577 = vector.broadcast %and3A_576 : i32 to vector<16xi32>
      %and3A_578 = arith.andi %get3A_575, %and3A_577 : vector<16xi32>
      %swap3A_579 = arith.constant 1 : i32
      %swap3A_580 = arith.index_cast %swap3A_579 : i32 to index
      %swap3A_581 = arith.constant 64 : index
      %swap3A_582 = tpu.vector_load %arg8[%swap3A_580, %swap3A_581] {strides = array<i32>} : memref<2x128xi32, #tpu.memory_space<vmem>>, vector<16xi32>,
      tpu.vector_store %arg8[%swap3A_580, %swap3A_581], %and3A_578 {strides = array<i32>} : memref<2x128xi32, #tpu.memory_space<vmem>>, vector<16xi32>,
      %shift_right_logical3A_583 = arith.constant 16 : i32
      %shift_right_logical3A_584 = vector.broadcast %shift_right_logical3A_583 : i32 to vector<16xi32>
      %shift_right_logical3A_585 = arith.shrui %get3A_575, %shift_right_logical3A_584 : vector<16xi32>
      %swap3A_586 = arith.constant 1 : i32
      %swap3A_587 = arith.index_cast %swap3A_586 : i32 to index
      %swap3A_588 = arith.constant 64 : index
      %swap3A_589 = tpu.vector_load %arg9[%swap3A_587, %swap3A_588] {strides = array<i32>} : memref<2x128xi32, #tpu.memory_space<vmem>>, vector<16xi32>,
      tpu.vector_store %arg9[%swap3A_587, %swap3A_588], %shift_right_logical3A_585 {strides = array<i32>} : memref<2x128xi32, #tpu.memory_space<vmem>>, vector<16xi32>,
      %get3A_590 = arith.index_cast %add3A_504 : i32 to index
      %get3A_591 = arith.constant 80 : index
      %get3A_592 = tpu.vector_load %arg5[%get3A_590, %get3A_591] {strides = array<i32>} : memref<80x128xi32, #tpu.memory_space<vmem>>, vector<16xi32>,
      %and3A_593 = arith.constant 65535 : i32
      %and3A_594 = vector.broadcast %and3A_593 : i32 to vector<16xi32>
      %and3A_595 = arith.andi %get3A_592, %and3A_594 : vector<16xi32>
      %swap3A_596 = arith.constant 1 : i32
      %swap3A_597 = arith.index_cast %swap3A_596 : i32 to index
      %swap3A_598 = arith.constant 80 : index
      %swap3A_599 = tpu.vector_load %arg8[%swap3A_597, %swap3A_598] {strides = array<i32>} : memref<2x128xi32, #tpu.memory_space<vmem>>, vector<16xi32>,
      tpu.vector_store %arg8[%swap3A_597, %swap3A_598], %and3A_595 {strides = array<i32>} : memref<2x128xi32, #tpu.memory_space<vmem>>, vector<16xi32>,
      %shift_right_logical3A_600 = arith.constant 16 : i32
      %shift_right_logical3A_601 = vector.broadcast %shift_right_logical3A_600 : i32 to vector<16xi32>
      %shift_right_logical3A_602 = arith.shrui %get3A_592, %shift_right_logical3A_601 : vector<16xi32>
      %swap3A_603 = arith.constant 1 : i32
      %swap3A_604 = arith.index_cast %swap3A_603 : i32 to index
      %swap3A_605 = arith.constant 80 : index
      %swap3A_606 = tpu.vector_load %arg9[%swap3A_604, %swap3A_605] {strides = array<i32>} : memref<2x128xi32, #tpu.memory_space<vmem>>, vector<16xi32>,
      tpu.vector_store %arg9[%swap3A_604, %swap3A_605], %shift_right_logical3A_602 {strides = array<i32>} : memref<2x128xi32, #tpu.memory_space<vmem>>, vector<16xi32>,
      %get3A_607 = arith.index_cast %add3A_504 : i32 to index
      %get3A_608 = arith.constant 96 : index
      %get3A_609 = tpu.vector_load %arg5[%get3A_607, %get3A_608] {strides = array<i32>} : memref<80x128xi32, #tpu.memory_space<vmem>>, vector<16xi32>,
      %and3A_610 = arith.constant 65535 : i32
      %and3A_611 = vector.broadcast %and3A_610 : i32 to vector<16xi32>
      %and3A_612 = arith.andi %get3A_609, %and3A_611 : vector<16xi32>
      %swap3A_613 = arith.constant 1 : i32
      %swap3A_614 = arith.index_cast %swap3A_613 : i32 to index
      %swap3A_615 = arith.constant 96 : index
      %swap3A_616 = tpu.vector_load %arg8[%swap3A_614, %swap3A_615] {strides = array<i32>} : memref<2x128xi32, #tpu.memory_space<vmem>>, vector<16xi32>,
      tpu.vector_store %arg8[%swap3A_614, %swap3A_615], %and3A_612 {strides = array<i32>} : memref<2x128xi32, #tpu.memory_space<vmem>>, vector<16xi32>,
      %shift_right_logical3A_617 = arith.constant 16 : i32
      %shift_right_logical3A_618 = vector.broadcast %shift_right_logical3A_617 : i32 to vector<16xi32>
      %shift_right_logical3A_619 = arith.shrui %get3A_609, %shift_right_logical3A_618 : vector<16xi32>
      %swap3A_620 = arith.constant 1 : i32
      %swap3A_621 = arith.index_cast %swap3A_620 : i32 to index
      %swap3A_622 = arith.constant 96 : index
      %swap3A_623 = tpu.vector_load %arg9[%swap3A_621, %swap3A_622] {strides = array<i32>} : memref<2x128xi32, #tpu.memory_space<vmem>>, vector<16xi32>,
      tpu.vector_store %arg9[%swap3A_621, %swap3A_622], %shift_right_logical3A_619 {strides = array<i32>} : memref<2x128xi32, #tpu.memory_space<vmem>>, vector<16xi32>,
      %get3A_624 = arith.index_cast %add3A_504 : i32 to index
      %get3A_625 = arith.constant 112 : index
      %get3A_626 = tpu.vector_load %arg5[%get3A_624, %get3A_625] {strides = array<i32>} : memref<80x128xi32, #tpu.memory_space<vmem>>, vector<16xi32>,
      %and3A_627 = arith.constant 65535 : i32
      %and3A_628 = vector.broadcast %and3A_627 : i32 to vector<16xi32>
      %and3A_629 = arith.andi %get3A_626, %and3A_628 : vector<16xi32>
      %swap3A_630 = arith.constant 1 : i32
      %swap3A_631 = arith.index_cast %swap3A_630 : i32 to index
      %swap3A_632 = arith.constant 112 : index
      %swap3A_633 = tpu.vector_load %arg8[%swap3A_631, %swap3A_632] {strides = array<i32>} : memref<2x128xi32, #tpu.memory_space<vmem>>, vector<16xi32>,
      tpu.vector_store %arg8[%swap3A_631, %swap3A_632], %and3A_629 {strides = array<i32>} : memref<2x128xi32, #tpu.memory_space<vmem>>, vector<16xi32>,
      %shift_right_logical3A_634 = arith.constant 16 : i32
      %shift_right_logical3A_635 = vector.broadcast %shift_right_logical3A_634 : i32 to vector<16xi32>
      %shift_right_logical3A_636 = arith.shrui %get3A_626, %shift_right_logical3A_635 : vector<16xi32>
      %swap3A_637 = arith.constant 1 : i32
      %swap3A_638 = arith.index_cast %swap3A_637 : i32 to index
      %swap3A_639 = arith.constant 112 : index
      %swap3A_640 = tpu.vector_load %arg9[%swap3A_638, %swap3A_639] {strides = array<i32>} : memref<2x128xi32, #tpu.memory_space<vmem>>, vector<16xi32>,
      tpu.vector_store %arg9[%swap3A_638, %swap3A_639], %shift_right_logical3A_636 {strides = array<i32>} : memref<2x128xi32, #tpu.memory_space<vmem>>, vector<16xi32>,
      %dma_start3A_641 = arith.constant 1 : i32
      %dma_start3A_642 = arith.constant 0 : i32
      %dma_start3A_643 = tpu.memref_slice %arg8[%dma_start3A_641, %dma_start3A_642] : memref<2x128xi32, #tpu.memory_space<vmem>> -> memref<1x128xi32, #tpu.memory_space<vmem>>
      %dma_start3A_644 = tpu.memref_squeeze %dma_start3A_643 : memref<1x128xi32, #tpu.memory_space<vmem>> -> memref<128xi32, #tpu.memory_space<vmem>>
      %dma_start3A_645 = arith.constant 0 : i32
      %dma_start3A_646 = arith.constant 0 : i32
      %dma_start3A_647 = tpu.memref_slice %arg2[%dma_start3A_645, %dma_start3A_646] : memref<10000x128xf32, #tpu.memory_space<hbm>> -> memref<10000x128xf32, #tpu.memory_space<hbm>>
      tpu.enqueue_indirect_dma source(%dma_start3A_647 : memref<10000x128xf32, #tpu.memory_space<hbm>>) target(%arg7 : memref<128x128xf32, #tpu.memory_space<vmem>>) offsets(%dma_start3A_644 : memref<128xi32, #tpu.memory_space<vmem>>) semaphore(%arg11 : memref<!tpu.dma_semaphore, #tpu.memory_space<semaphore_mem>>)
    }
    %scan3A_323 = arith.constant 39 : i32
    %dma_wait3A = arith.constant 0 : i32
    %dma_wait3A_324 = arith.constant 0 : i32
    %dma_wait3A_325 = tpu.memref_slice %arg8[%dma_wait3A, %dma_wait3A_324] : memref<2x128xi32, #tpu.memory_space<vmem>> -> memref<1x128xi32, #tpu.memory_space<vmem>>
    %dma_wait3A_326 = tpu.memref_squeeze %dma_wait3A_325 : memref<1x128xi32, #tpu.memory_space<vmem>> -> memref<128xi32, #tpu.memory_space<vmem>>
    %dma_wait3A_327 = arith.constant 0 : i32
    %dma_wait3A_328 = arith.constant 0 : i32
    %dma_wait3A_329 = tpu.memref_slice %arg2[%dma_wait3A_327, %dma_wait3A_328] : memref<10000x128xf32, #tpu.memory_space<hbm>> -> memref<10000x128xf32, #tpu.memory_space<hbm>>
    tpu.wait_indirect_dma semaphore(%arg10 : memref<!tpu.dma_semaphore, #tpu.memory_space<semaphore_mem>>) src(%dma_wait3A_329 : memref<10000x128xf32, #tpu.memory_space<hbm>>) dst(%arg6 : memref<128x128xf32, #tpu.memory_space<vmem>>)
    %run_scoped3A = arith.constant 0 : i32
    "tpu.region"() ({
      %run_scoped3A_339 = tpu.sem_alloc : memref<!tpu.dma_semaphore, #tpu.memory_space<semaphore_mem>>
      %dma_start3A_340 = arith.constant 0 : i32
      %dma_start3A_341 = tpu.memref_slice %arg9[%run_scoped3A, %dma_start3A_340] : memref<2x128xi32, #tpu.memory_space<vmem>> -> memref<1x128xi32, #tpu.memory_space<vmem>>
      %dma_start3A_342 = tpu.memref_squeeze %dma_start3A_341 : memref<1x128xi32, #tpu.memory_space<vmem>> -> memref<128xi32, #tpu.memory_space<vmem>>
      %dma_start3A_343 = arith.constant 0 : i32
      %dma_start3A_344 = arith.constant 0 : i32
      %dma_start3A_345 = tpu.memref_slice %arg12[%dma_start3A_343, %dma_start3A_344] : memref<10112x128xf32, #tpu.memory_space<vmem_shared>> -> memref<10112x128xf32, #tpu.memory_space<vmem_shared>>
      tpu.enqueue_indirect_dma source(%arg6 : memref<128x128xf32, #tpu.memory_space<vmem>>) target(%dma_start3A_345 : memref<10112x128xf32, #tpu.memory_space<vmem_shared>>) offsets(%dma_start3A_342 : memref<128xi32, #tpu.memory_space<vmem>>) semaphore(%run_scoped3A_339 : memref<!tpu.dma_semaphore, #tpu.memory_space<semaphore_mem>>) {add = true}
      %dma_wait3A_346 = arith.constant 0 : i32
      %dma_wait3A_347 = tpu.memref_slice %arg9[%run_scoped3A, %dma_wait3A_346] : memref<2x128xi32, #tpu.memory_space<vmem>> -> memref<1x128xi32, #tpu.memory_space<vmem>>
      %dma_wait3A_348 = tpu.memref_squeeze %dma_wait3A_347 : memref<1x128xi32, #tpu.memory_space<vmem>> -> memref<128xi32, #tpu.memory_space<vmem>>
      %dma_wait3A_349 = arith.constant 0 : i32
      %dma_wait3A_350 = arith.constant 0 : i32
      %dma_wait3A_351 = tpu.memref_slice %arg12[%dma_wait3A_349, %dma_wait3A_350] : memref<10112x128xf32, #tpu.memory_space<vmem_shared>> -> memref<10112x128xf32, #tpu.memory_space<vmem_shared>>
      tpu.wait_indirect_dma semaphore(%run_scoped3A_339 : memref<!tpu.dma_semaphore, #tpu.memory_space<semaphore_mem>>) src(%arg6 : memref<128x128xf32, #tpu.memory_space<vmem>>) dst(%dma_wait3A_351 : memref<10112x128xf32, #tpu.memory_space<vmem_shared>>)
      tpu.yield
    }) : () -> ()
    %dma_wait3A_330 = arith.constant 1 : i32
    %dma_wait3A_331 = arith.constant 0 : i32
    %dma_wait3A_332 = tpu.memref_slice %arg8[%dma_wait3A_330, %dma_wait3A_331] : memref<2x128xi32, #tpu.memory_space<vmem>> -> memref<1x128xi32, #tpu.memory_space<vmem>>
    %dma_wait3A_333 = tpu.memref_squeeze %dma_wait3A_332 : memref<1x128xi32, #tpu.memory_space<vmem>> -> memref<128xi32, #tpu.memory_space<vmem>>
    %dma_wait3A_334 = arith.constant 0 : i32
    %dma_wait3A_335 = arith.constant 0 : i32
    %dma_wait3A_336 = tpu.memref_slice %arg2[%dma_wait3A_334, %dma_wait3A_335] : memref<10000x128xf32, #tpu.memory_space<hbm>> -> memref<10000x128xf32, #tpu.memory_space<hbm>>
    tpu.wait_indirect_dma semaphore(%arg11 : memref<!tpu.dma_semaphore, #tpu.memory_space<semaphore_mem>>) src(%dma_wait3A_336 : memref<10000x128xf32, #tpu.memory_space<hbm>>) dst(%arg7 : memref<128x128xf32, #tpu.memory_space<vmem>>)
    %run_scoped3A_337 = arith.constant 1 : i32
    "tpu.region"() ({
      %run_scoped3A_339 = tpu.sem_alloc : memref<!tpu.dma_semaphore, #tpu.memory_space<semaphore_mem>>
      %dma_start3A_340 = arith.constant 0 : i32
      %dma_start3A_341 = tpu.memref_slice %arg9[%run_scoped3A_337, %dma_start3A_340] : memref<2x128xi32, #tpu.memory_space<vmem>> -> memref<1x128xi32, #tpu.memory_space<vmem>>
      %dma_start3A_342 = tpu.memref_squeeze %dma_start3A_341 : memref<1x128xi32, #tpu.memory_space<vmem>> -> memref<128xi32, #tpu.memory_space<vmem>>
      %dma_start3A_343 = arith.constant 0 : i32
      %dma_start3A_344 = arith.constant 0 : i32
      %dma_start3A_345 = tpu.memref_slice %arg12[%dma_start3A_343, %dma_start3A_344] : memref<10112x128xf32, #tpu.memory_space<vmem_shared>> -> memref<10112x128xf32, #tpu.memory_space<vmem_shared>>
      tpu.enqueue_indirect_dma source(%arg7 : memref<128x128xf32, #tpu.memory_space<vmem>>) target(%dma_start3A_345 : memref<10112x128xf32, #tpu.memory_space<vmem_shared>>) offsets(%dma_start3A_342 : memref<128xi32, #tpu.memory_space<vmem>>) semaphore(%run_scoped3A_339 : memref<!tpu.dma_semaphore, #tpu.memory_space<semaphore_mem>>) {add = true}
      %dma_wait3A_346 = arith.constant 0 : i32
      %dma_wait3A_347 = tpu.memref_slice %arg9[%run_scoped3A_337, %dma_wait3A_346] : memref<2x128xi32, #tpu.memory_space<vmem>> -> memref<1x128xi32, #tpu.memory_space<vmem>>
      %dma_wait3A_348 = tpu.memref_squeeze %dma_wait3A_347 : memref<1x128xi32, #tpu.memory_space<vmem>> -> memref<128xi32, #tpu.memory_space<vmem>>
      %dma_wait3A_349 = arith.constant 0 : i32
      %dma_wait3A_350 = arith.constant 0 : i32
      %dma_wait3A_351 = tpu.memref_slice %arg12[%dma_wait3A_349, %dma_wait3A_350] : memref<10112x128xf32, #tpu.memory_space<vmem_shared>> -> memref<10112x128xf32, #tpu.memory_space<vmem_shared>>
      tpu.wait_indirect_dma semaphore(%run_scoped3A_339 : memref<!tpu.dma_semaphore, #tpu.memory_space<semaphore_mem>>) src(%arg7 : memref<128x128xf32, #tpu.memory_space<vmem>>) dst(%dma_wait3A_351 : memref<10112x128xf32, #tpu.memory_space<vmem_shared>>)
      tpu.yield
    }) : () -> ()
    %barrier3A_338 = arith.constant 0 : index
    tpu.barrier barrier_id(%barrier3A_338)
    "tpu.region"() ({
      %run_scoped3A_339 = tpu.sem_alloc : memref<!tpu.dma_semaphore, #tpu.memory_space<semaphore_mem>>
      %dma_start3A_340 = arith.constant 0 : i32
      %dma_start3A_341 = arith.constant 0 : i32
      %dma_start3A_342 = tpu.memref_slice %arg4[%arg0, %dma_start3A_340, %dma_start3A_341] : memref<2x10112x128xf32, #tpu.memory_space<hbm>> -> memref<1x10112x128xf32, #tpu.memory_space<hbm>>
      %dma_start3A_343 = tpu.memref_squeeze %dma_start3A_342 : memref<1x10112x128xf32, #tpu.memory_space<hbm>> -> memref<10112x128xf32, #tpu.memory_space<hbm>>
      %dma_start3A_344 = arith.constant 0 : i32
      %dma_start3A_345 = tpu.memref_slice %dma_start3A_343[%mul3A_8, %dma_start3A_344] : memref<10112x128xf32, #tpu.memory_space<hbm>> -> memref<632x128xf32, #tpu.memory_space<hbm>>
      %dma_start3A_346 = arith.constant 0 : i32
      %dma_start3A_347 = tpu.memref_slice %arg12[%mul3A_8, %dma_start3A_346] : memref<10112x128xf32, #tpu.memory_space<vmem_shared>> -> memref<632x128xf32, #tpu.memory_space<vmem_shared>>
      tpu.enqueue_dma source(%dma_start3A_347 : memref<632x128xf32, #tpu.memory_space<vmem_shared>>) target(%dma_start3A_345 : memref<632x128xf32, #tpu.memory_space<hbm>>) target_semaphore(%run_scoped3A_339 : memref<!tpu.dma_semaphore, #tpu.memory_space<semaphore_mem>>)
      %dma_wait3A_348 = arith.constant 0 : i32
      %dma_wait3A_349 = arith.constant 0 : i32
      %dma_wait3A_350 = tpu.memref_slice %arg4[%arg0, %dma_wait3A_348, %dma_wait3A_349] : memref<2x10112x128xf32, #tpu.memory_space<hbm>> -> memref<1x10112x128xf32, #tpu.memory_space<hbm>>
      %dma_wait3A_351 = tpu.memref_squeeze %dma_wait3A_350 : memref<1x10112x128xf32, #tpu.memory_space<hbm>> -> memref<10112x128xf32, #tpu.memory_space<hbm>>
      %dma_wait3A_352 = arith.constant 0 : i32
      %dma_wait3A_353 = tpu.memref_slice %dma_wait3A_351[%mul3A_8, %dma_wait3A_352] : memref<10112x128xf32, #tpu.memory_space<hbm>> -> memref<632x128xf32, #tpu.memory_space<hbm>>
      %dma_wait3A_354 = arith.constant 0 : i32
      %dma_wait3A_355 = tpu.memref_slice %arg12[%mul3A_8, %dma_wait3A_354] : memref<10112x128xf32, #tpu.memory_space<vmem_shared>> -> memref<632x128xf32, #tpu.memory_space<vmem_shared>>
      tpu.wait_dma2 semaphore(%run_scoped3A_339 : memref<!tpu.dma_semaphore, #tpu.memory_space<semaphore_mem>>) src(%dma_wait3A_355 : memref<632x128xf32, #tpu.memory_space<vmem_shared>>) dst(%dma_wait3A_353 : memref<632x128xf32, #tpu.memory_space<hbm>>)
      tpu.yield
    }) : () -> ()
    return
  }
}

#map = affine_map<(d0, d1) -> (0, 0)>
#map1 = affine_map<(d0, d1) -> (0, 0, 0)>
module attributes {stable_mosaic.version = 14 : i64} {
  func.func @_deg_body(%arg0: i32, %arg1: i32, %arg2: memref<2560x128xi32, #tpu.memory_space<hbm>>, %arg3: memref<2x80x128xf32, #tpu.memory_space<hbm>>, %arg4: memref<80x128xi32, #tpu.memory_space<vmem>>, %arg5: memref<10240xf32, #tpu.memory_space<vmem>>, %arg6: memref<80x128xf32, #tpu.memory_space<vmem>>, %arg7: memref<1x80xi32, #tpu.memory_space<vmem>>, %arg8: memref<80x128xf32, #tpu.memory_space<vmem_shared>>) attributes {dimension_semantics = [#tpu.dimension_semantics<core_parallel>, #tpu.dimension_semantics<subcore_parallel>], iteration_bounds = array<i64: 2, 16>, scalar_prefetch = 0 : i64, scratch_operands = 5 : i64, tpu.core_type = #tpu.core_type<sc_vector_subcore>, window_params = [{transform_indices = #map}, {transform_indices = #map1}]} {
    %mul3A = arith.constant 16 : i32
    %mul3A_0 = arith.muli %arg0, %mul3A : i32
    %add3A = arith.addi %mul3A_0, %arg1 : i32
    %broadcast_in_dim3A = arith.constant 0.000000e+00 : f32
    %broadcast_in_dim3A_1 = vector.broadcast %broadcast_in_dim3A : f32 to vector<16xf32>
    %scan3A = arith.constant 0 : i32
    %scan3A_2 = arith.constant 0 : i32
    %scan3A_3 = arith.constant 640 : i32
    %scan3A_4 = arith.addi %scan3A_2, %scan3A_3 : i32
    %scan3A_5 = arith.constant 1 : i32
    scf.for %scan3A_76 = %scan3A_2 to %scan3A_4 step %scan3A_5  : i32 {
      %mul3A_77 = arith.constant 16 : i32
      %mul3A_78 = arith.muli %scan3A_76, %mul3A_77 : i32
      %swap3A_79 = arith.index_cast %mul3A_78 : i32 to index
      %swap3A_80 = tpu.vector_load %arg5[%swap3A_79] {strides = array<i32>} : memref<10240xf32, #tpu.memory_space<vmem>>, vector<16xf32>,
      tpu.vector_store %arg5[%swap3A_79], %broadcast_in_dim3A_1 {strides = array<i32>} : memref<10240xf32, #tpu.memory_space<vmem>>, vector<16xf32>,
    }
    %scan3A_6 = arith.constant 640 : i32
    %broadcast_in_dim3A_7 = arith.constant 0.000000e+00 : f32
    %broadcast_in_dim3A_8 = vector.broadcast %broadcast_in_dim3A_7 : f32 to vector<16xf32>
    %scan3A_9 = arith.constant 0 : i32
    %scan3A_10 = arith.constant 0 : i32
    %scan3A_11 = arith.constant 80 : i32
    %scan3A_12 = arith.addi %scan3A_10, %scan3A_11 : i32
    %scan3A_13 = arith.constant 1 : i32
    scf.for %scan3A_76 = %scan3A_10 to %scan3A_12 step %scan3A_13  : i32 {
      %swap3A_77 = arith.index_cast %scan3A_76 : i32 to index
      %swap3A_78 = arith.constant 0 : index
      %swap3A_79 = tpu.vector_load %arg6[%swap3A_77, %swap3A_78] {strides = array<i32>} : memref<80x128xf32, #tpu.memory_space<vmem>>, vector<16xf32>,
      tpu.vector_store %arg6[%swap3A_77, %swap3A_78], %broadcast_in_dim3A_8 {strides = array<i32>} : memref<80x128xf32, #tpu.memory_space<vmem>>, vector<16xf32>,
      %swap3A_80 = arith.index_cast %scan3A_76 : i32 to index
      %swap3A_81 = arith.constant 16 : index
      %swap3A_82 = tpu.vector_load %arg6[%swap3A_80, %swap3A_81] {strides = array<i32>} : memref<80x128xf32, #tpu.memory_space<vmem>>, vector<16xf32>,
      tpu.vector_store %arg6[%swap3A_80, %swap3A_81], %broadcast_in_dim3A_8 {strides = array<i32>} : memref<80x128xf32, #tpu.memory_space<vmem>>, vector<16xf32>,
      %swap3A_83 = arith.index_cast %scan3A_76 : i32 to index
      %swap3A_84 = arith.constant 32 : index
      %swap3A_85 = tpu.vector_load %arg6[%swap3A_83, %swap3A_84] {strides = array<i32>} : memref<80x128xf32, #tpu.memory_space<vmem>>, vector<16xf32>,
      tpu.vector_store %arg6[%swap3A_83, %swap3A_84], %broadcast_in_dim3A_8 {strides = array<i32>} : memref<80x128xf32, #tpu.memory_space<vmem>>, vector<16xf32>,
      %swap3A_86 = arith.index_cast %scan3A_76 : i32 to index
      %swap3A_87 = arith.constant 48 : index
      %swap3A_88 = tpu.vector_load %arg6[%swap3A_86, %swap3A_87] {strides = array<i32>} : memref<80x128xf32, #tpu.memory_space<vmem>>, vector<16xf32>,
      tpu.vector_store %arg6[%swap3A_86, %swap3A_87], %broadcast_in_dim3A_8 {strides = array<i32>} : memref<80x128xf32, #tpu.memory_space<vmem>>, vector<16xf32>,
      %swap3A_89 = arith.index_cast %scan3A_76 : i32 to index
      %swap3A_90 = arith.constant 64 : index
      %swap3A_91 = tpu.vector_load %arg6[%swap3A_89, %swap3A_90] {strides = array<i32>} : memref<80x128xf32, #tpu.memory_space<vmem>>, vector<16xf32>,
      tpu.vector_store %arg6[%swap3A_89, %swap3A_90], %broadcast_in_dim3A_8 {strides = array<i32>} : memref<80x128xf32, #tpu.memory_space<vmem>>, vector<16xf32>,
      %swap3A_92 = arith.index_cast %scan3A_76 : i32 to index
      %swap3A_93 = arith.constant 80 : index
      %swap3A_94 = tpu.vector_load %arg6[%swap3A_92, %swap3A_93] {strides = array<i32>} : memref<80x128xf32, #tpu.memory_space<vmem>>, vector<16xf32>,
      tpu.vector_store %arg6[%swap3A_92, %swap3A_93], %broadcast_in_dim3A_8 {strides = array<i32>} : memref<80x128xf32, #tpu.memory_space<vmem>>, vector<16xf32>,
      %swap3A_95 = arith.index_cast %scan3A_76 : i32 to index
      %swap3A_96 = arith.constant 96 : index
      %swap3A_97 = tpu.vector_load %arg6[%swap3A_95, %swap3A_96] {strides = array<i32>} : memref<80x128xf32, #tpu.memory_space<vmem>>, vector<16xf32>,
      tpu.vector_store %arg6[%swap3A_95, %swap3A_96], %broadcast_in_dim3A_8 {strides = array<i32>} : memref<80x128xf32, #tpu.memory_space<vmem>>, vector<16xf32>,
      %swap3A_98 = arith.index_cast %scan3A_76 : i32 to index
      %swap3A_99 = arith.constant 112 : index
      %swap3A_100 = tpu.vector_load %arg6[%swap3A_98, %swap3A_99] {strides = array<i32>} : memref<80x128xf32, #tpu.memory_space<vmem>>, vector<16xf32>,
      tpu.vector_store %arg6[%swap3A_98, %swap3A_99], %broadcast_in_dim3A_8 {strides = array<i32>} : memref<80x128xf32, #tpu.memory_space<vmem>>, vector<16xf32>,
    }
    %scan3A_14 = arith.constant 80 : i32
    %eq3A = arith.constant 0 : i32
    %eq3A_15 = arith.cmpi eq, %arg1, %eq3A : i32
    %convert_element_type3A = arith.extui %eq3A_15 : i1 to i32
    %cond3A = arith.constant 0 : i32
    %cond3A_16 = arith.cmpi ne, %convert_element_type3A, %cond3A : i32
    scf.if %cond3A_16 {
      "tpu.region"() ({
        %run_scoped3A_76 = tpu.sem_alloc : memref<!tpu.dma_semaphore, #tpu.memory_space<semaphore_mem>>
        tpu.enqueue_dma source(%arg6 : memref<80x128xf32, #tpu.memory_space<vmem>>) target(%arg8 : memref<80x128xf32, #tpu.memory_space<vmem_shared>>) target_semaphore(%run_scoped3A_76 : memref<!tpu.dma_semaphore, #tpu.memory_space<semaphore_mem>>)
        tpu.wait_dma2 semaphore(%run_scoped3A_76 : memref<!tpu.dma_semaphore, #tpu.memory_space<semaphore_mem>>) src(%arg6 : memref<80x128xf32, #tpu.memory_space<vmem>>) dst(%arg8 : memref<80x128xf32, #tpu.memory_space<vmem_shared>>)
        tpu.yield
      }) : () -> ()
    } else {
    }
    %iota3A = tpu.iota {dimensions = array<i32: 0>} : vector<16xi32>
    %add3A_17 = arith.constant 0 : i32
    %add3A_18 = vector.broadcast %add3A_17 : i32 to vector<16xi32>
    %add3A_19 = arith.addi %iota3A, %add3A_18 : vector<16xi32>
    %swap3A = arith.constant 0 : i32
    %swap3A_20 = arith.index_cast %swap3A : i32 to index
    %swap3A_21 = arith.constant 0 : index
    %swap3A_22 = tpu.vector_load %arg7[%swap3A_20, %swap3A_21] {strides = array<i32>} : memref<1x80xi32, #tpu.memory_space<vmem>>, vector<16xi32>,
    tpu.vector_store %arg7[%swap3A_20, %swap3A_21], %add3A_19 {strides = array<i32>} : memref<1x80xi32, #tpu.memory_space<vmem>>, vector<16xi32>,
    %iota3A_23 = tpu.iota {dimensions = array<i32: 0>} : vector<16xi32>
    %add3A_24 = arith.constant 16 : i32
    %add3A_25 = vector.broadcast %add3A_24 : i32 to vector<16xi32>
    %add3A_26 = arith.addi %iota3A_23, %add3A_25 : vector<16xi32>
    %swap3A_27 = arith.constant 0 : i32
    %swap3A_28 = arith.index_cast %swap3A_27 : i32 to index
    %swap3A_29 = arith.constant 16 : index
    %swap3A_30 = tpu.vector_load %arg7[%swap3A_28, %swap3A_29] {strides = array<i32>} : memref<1x80xi32, #tpu.memory_space<vmem>>, vector<16xi32>,
    tpu.vector_store %arg7[%swap3A_28, %swap3A_29], %add3A_26 {strides = array<i32>} : memref<1x80xi32, #tpu.memory_space<vmem>>, vector<16xi32>,
    %iota3A_31 = tpu.iota {dimensions = array<i32: 0>} : vector<16xi32>
    %add3A_32 = arith.constant 32 : i32
    %add3A_33 = vector.broadcast %add3A_32 : i32 to vector<16xi32>
    %add3A_34 = arith.addi %iota3A_31, %add3A_33 : vector<16xi32>
    %swap3A_35 = arith.constant 0 : i32
    %swap3A_36 = arith.index_cast %swap3A_35 : i32 to index
    %swap3A_37 = arith.constant 32 : index
    %swap3A_38 = tpu.vector_load %arg7[%swap3A_36, %swap3A_37] {strides = array<i32>} : memref<1x80xi32, #tpu.memory_space<vmem>>, vector<16xi32>,
    tpu.vector_store %arg7[%swap3A_36, %swap3A_37], %add3A_34 {strides = array<i32>} : memref<1x80xi32, #tpu.memory_space<vmem>>, vector<16xi32>,
    %iota3A_39 = tpu.iota {dimensions = array<i32: 0>} : vector<16xi32>
    %add3A_40 = arith.constant 48 : i32
    %add3A_41 = vector.broadcast %add3A_40 : i32 to vector<16xi32>
    %add3A_42 = arith.addi %iota3A_39, %add3A_41 : vector<16xi32>
    %swap3A_43 = arith.constant 0 : i32
    %swap3A_44 = arith.index_cast %swap3A_43 : i32 to index
    %swap3A_45 = arith.constant 48 : index
    %swap3A_46 = tpu.vector_load %arg7[%swap3A_44, %swap3A_45] {strides = array<i32>} : memref<1x80xi32, #tpu.memory_space<vmem>>, vector<16xi32>,
    tpu.vector_store %arg7[%swap3A_44, %swap3A_45], %add3A_42 {strides = array<i32>} : memref<1x80xi32, #tpu.memory_space<vmem>>, vector<16xi32>,
    %iota3A_47 = tpu.iota {dimensions = array<i32: 0>} : vector<16xi32>
    %add3A_48 = arith.constant 64 : i32
    %add3A_49 = vector.broadcast %add3A_48 : i32 to vector<16xi32>
    %add3A_50 = arith.addi %iota3A_47, %add3A_49 : vector<16xi32>
    %swap3A_51 = arith.constant 0 : i32
    %swap3A_52 = arith.index_cast %swap3A_51 : i32 to index
    %swap3A_53 = arith.constant 64 : index
    %swap3A_54 = tpu.vector_load %arg7[%swap3A_52, %swap3A_53] {strides = array<i32>} : memref<1x80xi32, #tpu.memory_space<vmem>>, vector<16xi32>,
    tpu.vector_store %arg7[%swap3A_52, %swap3A_53], %add3A_50 {strides = array<i32>} : memref<1x80xi32, #tpu.memory_space<vmem>>, vector<16xi32>,
    %mul3A_55 = arith.constant 80 : i32
    %mul3A_56 = arith.muli %add3A, %mul3A_55 : i32
    "tpu.region"() ({
      %run_scoped3A_76 = tpu.sem_alloc : memref<!tpu.dma_semaphore, #tpu.memory_space<semaphore_mem>>
      %dma_start3A = arith.constant 0 : i32
      %dma_start3A_77 = tpu.memref_slice %arg2[%mul3A_56, %dma_start3A] : memref<2560x128xi32, #tpu.memory_space<hbm>> -> memref<80x128xi32, #tpu.memory_space<hbm>>
      %dma_start3A_78 = arith.constant 0 : i32
      %dma_start3A_79 = tpu.memref_slice %arg2[%mul3A_56, %dma_start3A_78] : memref<2560x128xi32, #tpu.memory_space<hbm>> -> memref<80x128xi32, #tpu.memory_space<hbm>>
      tpu.enqueue_dma source(%dma_start3A_79 : memref<80x128xi32, #tpu.memory_space<hbm>>) target(%arg4 : memref<80x128xi32, #tpu.memory_space<vmem>>) target_semaphore(%run_scoped3A_76 : memref<!tpu.dma_semaphore, #tpu.memory_space<semaphore_mem>>)
      %dma_wait3A = arith.constant 0 : i32
      %dma_wait3A_80 = tpu.memref_slice %arg2[%mul3A_56, %dma_wait3A] : memref<2560x128xi32, #tpu.memory_space<hbm>> -> memref<80x128xi32, #tpu.memory_space<hbm>>
      %dma_wait3A_81 = arith.constant 0 : i32
      %dma_wait3A_82 = tpu.memref_slice %arg2[%mul3A_56, %dma_wait3A_81] : memref<2560x128xi32, #tpu.memory_space<hbm>> -> memref<80x128xi32, #tpu.memory_space<hbm>>
      tpu.wait_dma2 semaphore(%run_scoped3A_76 : memref<!tpu.dma_semaphore, #tpu.memory_space<semaphore_mem>>) src(%dma_wait3A_82 : memref<80x128xi32, #tpu.memory_space<hbm>>) dst(%arg4 : memref<80x128xi32, #tpu.memory_space<vmem>>)
      tpu.yield
    }) : () -> ()
    %barrier3A = arith.constant 0 : index
    tpu.barrier barrier_id(%barrier3A)
    %broadcast_in_dim3A_57 = arith.constant 1.000000e+00 : f32
    %broadcast_in_dim3A_58 = vector.broadcast %broadcast_in_dim3A_57 : f32 to vector<16xf32>
    %scan3A_59 = arith.constant 0 : i32
    %scan3A_60 = arith.constant 0 : i32
    %scan3A_61 = arith.constant 80 : i32
    %scan3A_62 = arith.addi %scan3A_60, %scan3A_61 : i32
    %scan3A_63 = arith.constant 1 : i32
    scf.for %scan3A_76 = %scan3A_60 to %scan3A_62 step %scan3A_63  : i32 {
      %get3A = arith.index_cast %scan3A_76 : i32 to index
      %get3A_77 = arith.constant 0 : index
      %get3A_78 = tpu.vector_load %arg4[%get3A, %get3A_77] {strides = array<i32>} : memref<80x128xi32, #tpu.memory_space<vmem>>, vector<16xi32>,
      %shift_right_logical3A = arith.constant 16 : i32
      %shift_right_logical3A_79 = vector.broadcast %shift_right_logical3A : i32 to vector<16xi32>
      %shift_right_logical3A_80 = arith.shrui %get3A_78, %shift_right_logical3A_79 : vector<16xi32>
      tpu.vector_store_idx %arg5[%shift_right_logical3A_80], %broadcast_in_dim3A_58 {add = true} : memref<10240xf32, #tpu.memory_space<vmem>>[vector<16xi32>], vector<16xf32>,
      %get3A_81 = arith.index_cast %scan3A_76 : i32 to index
      %get3A_82 = arith.constant 16 : index
      %get3A_83 = tpu.vector_load %arg4[%get3A_81, %get3A_82] {strides = array<i32>} : memref<80x128xi32, #tpu.memory_space<vmem>>, vector<16xi32>,
      %shift_right_logical3A_84 = arith.constant 16 : i32
      %shift_right_logical3A_85 = vector.broadcast %shift_right_logical3A_84 : i32 to vector<16xi32>
      %shift_right_logical3A_86 = arith.shrui %get3A_83, %shift_right_logical3A_85 : vector<16xi32>
      tpu.vector_store_idx %arg5[%shift_right_logical3A_86], %broadcast_in_dim3A_58 {add = true} : memref<10240xf32, #tpu.memory_space<vmem>>[vector<16xi32>], vector<16xf32>,
      %get3A_87 = arith.index_cast %scan3A_76 : i32 to index
      %get3A_88 = arith.constant 32 : index
      %get3A_89 = tpu.vector_load %arg4[%get3A_87, %get3A_88] {strides = array<i32>} : memref<80x128xi32, #tpu.memory_space<vmem>>, vector<16xi32>,
      %shift_right_logical3A_90 = arith.constant 16 : i32
      %shift_right_logical3A_91 = vector.broadcast %shift_right_logical3A_90 : i32 to vector<16xi32>
      %shift_right_logical3A_92 = arith.shrui %get3A_89, %shift_right_logical3A_91 : vector<16xi32>
      tpu.vector_store_idx %arg5[%shift_right_logical3A_92], %broadcast_in_dim3A_58 {add = true} : memref<10240xf32, #tpu.memory_space<vmem>>[vector<16xi32>], vector<16xf32>,
      %get3A_93 = arith.index_cast %scan3A_76 : i32 to index
      %get3A_94 = arith.constant 48 : index
      %get3A_95 = tpu.vector_load %arg4[%get3A_93, %get3A_94] {strides = array<i32>} : memref<80x128xi32, #tpu.memory_space<vmem>>, vector<16xi32>,
      %shift_right_logical3A_96 = arith.constant 16 : i32
      %shift_right_logical3A_97 = vector.broadcast %shift_right_logical3A_96 : i32 to vector<16xi32>
      %shift_right_logical3A_98 = arith.shrui %get3A_95, %shift_right_logical3A_97 : vector<16xi32>
      tpu.vector_store_idx %arg5[%shift_right_logical3A_98], %broadcast_in_dim3A_58 {add = true} : memref<10240xf32, #tpu.memory_space<vmem>>[vector<16xi32>], vector<16xf32>,
      %get3A_99 = arith.index_cast %scan3A_76 : i32 to index
      %get3A_100 = arith.constant 64 : index
      %get3A_101 = tpu.vector_load %arg4[%get3A_99, %get3A_100] {strides = array<i32>} : memref<80x128xi32, #tpu.memory_space<vmem>>, vector<16xi32>,
      %shift_right_logical3A_102 = arith.constant 16 : i32
      %shift_right_logical3A_103 = vector.broadcast %shift_right_logical3A_102 : i32 to vector<16xi32>
      %shift_right_logical3A_104 = arith.shrui %get3A_101, %shift_right_logical3A_103 : vector<16xi32>
      tpu.vector_store_idx %arg5[%shift_right_logical3A_104], %broadcast_in_dim3A_58 {add = true} : memref<10240xf32, #tpu.memory_space<vmem>>[vector<16xi32>], vector<16xf32>,
      %get3A_105 = arith.index_cast %scan3A_76 : i32 to index
      %get3A_106 = arith.constant 80 : index
      %get3A_107 = tpu.vector_load %arg4[%get3A_105, %get3A_106] {strides = array<i32>} : memref<80x128xi32, #tpu.memory_space<vmem>>, vector<16xi32>,
      %shift_right_logical3A_108 = arith.constant 16 : i32
      %shift_right_logical3A_109 = vector.broadcast %shift_right_logical3A_108 : i32 to vector<16xi32>
      %shift_right_logical3A_110 = arith.shrui %get3A_107, %shift_right_logical3A_109 : vector<16xi32>
      tpu.vector_store_idx %arg5[%shift_right_logical3A_110], %broadcast_in_dim3A_58 {add = true} : memref<10240xf32, #tpu.memory_space<vmem>>[vector<16xi32>], vector<16xf32>,
      %get3A_111 = arith.index_cast %scan3A_76 : i32 to index
      %get3A_112 = arith.constant 96 : index
      %get3A_113 = tpu.vector_load %arg4[%get3A_111, %get3A_112] {strides = array<i32>} : memref<80x128xi32, #tpu.memory_space<vmem>>, vector<16xi32>,
      %shift_right_logical3A_114 = arith.constant 16 : i32
      %shift_right_logical3A_115 = vector.broadcast %shift_right_logical3A_114 : i32 to vector<16xi32>
      %shift_right_logical3A_116 = arith.shrui %get3A_113, %shift_right_logical3A_115 : vector<16xi32>
      tpu.vector_store_idx %arg5[%shift_right_logical3A_116], %broadcast_in_dim3A_58 {add = true} : memref<10240xf32, #tpu.memory_space<vmem>>[vector<16xi32>], vector<16xf32>,
      %get3A_117 = arith.index_cast %scan3A_76 : i32 to index
      %get3A_118 = arith.constant 112 : index
      %get3A_119 = tpu.vector_load %arg4[%get3A_117, %get3A_118] {strides = array<i32>} : memref<80x128xi32, #tpu.memory_space<vmem>>, vector<16xi32>,
      %shift_right_logical3A_120 = arith.constant 16 : i32
      %shift_right_logical3A_121 = vector.broadcast %shift_right_logical3A_120 : i32 to vector<16xi32>
      %shift_right_logical3A_122 = arith.shrui %get3A_119, %shift_right_logical3A_121 : vector<16xi32>
      tpu.vector_store_idx %arg5[%shift_right_logical3A_122], %broadcast_in_dim3A_58 {add = true} : memref<10240xf32, #tpu.memory_space<vmem>>[vector<16xi32>], vector<16xf32>,
    }
    %scan3A_64 = arith.constant 80 : i32
    %scan3A_65 = arith.constant 0 : i32
    %scan3A_66 = arith.constant 0 : i32
    %scan3A_67 = arith.constant 80 : i32
    %scan3A_68 = arith.addi %scan3A_66, %scan3A_67 : i32
    %scan3A_69 = arith.constant 1 : i32
    scf.for %scan3A_76 = %scan3A_66 to %scan3A_68 step %scan3A_69  : i32 {
      %mul3A_77 = arith.constant 128 : i32
      %mul3A_78 = arith.muli %scan3A_76, %mul3A_77 : i32
      %add3A_79 = arith.constant 0 : i32
      %add3A_80 = arith.addi %mul3A_78, %add3A_79 : i32
      %get3A = arith.index_cast %add3A_80 : i32 to index
      %get3A_81 = tpu.vector_load %arg5[%get3A] {strides = array<i32>} : memref<10240xf32, #tpu.memory_space<vmem>>, vector<16xf32>,
      %swap3A_82 = arith.index_cast %scan3A_76 : i32 to index
      %swap3A_83 = arith.constant 0 : index
      %swap3A_84 = tpu.vector_load %arg6[%swap3A_82, %swap3A_83] {strides = array<i32>} : memref<80x128xf32, #tpu.memory_space<vmem>>, vector<16xf32>,
      tpu.vector_store %arg6[%swap3A_82, %swap3A_83], %get3A_81 {strides = array<i32>} : memref<80x128xf32, #tpu.memory_space<vmem>>, vector<16xf32>,
      %mul3A_85 = arith.constant 128 : i32
      %mul3A_86 = arith.muli %scan3A_76, %mul3A_85 : i32
      %add3A_87 = arith.constant 16 : i32
      %add3A_88 = arith.addi %mul3A_86, %add3A_87 : i32
      %get3A_89 = arith.index_cast %add3A_88 : i32 to index
      %get3A_90 = tpu.vector_load %arg5[%get3A_89] {strides = array<i32>} : memref<10240xf32, #tpu.memory_space<vmem>>, vector<16xf32>,
      %swap3A_91 = arith.index_cast %scan3A_76 : i32 to index
      %swap3A_92 = arith.constant 16 : index
      %swap3A_93 = tpu.vector_load %arg6[%swap3A_91, %swap3A_92] {strides = array<i32>} : memref<80x128xf32, #tpu.memory_space<vmem>>, vector<16xf32>,
      tpu.vector_store %arg6[%swap3A_91, %swap3A_92], %get3A_90 {strides = array<i32>} : memref<80x128xf32, #tpu.memory_space<vmem>>, vector<16xf32>,
      %mul3A_94 = arith.constant 128 : i32
      %mul3A_95 = arith.muli %scan3A_76, %mul3A_94 : i32
      %add3A_96 = arith.constant 32 : i32
      %add3A_97 = arith.addi %mul3A_95, %add3A_96 : i32
      %get3A_98 = arith.index_cast %add3A_97 : i32 to index
      %get3A_99 = tpu.vector_load %arg5[%get3A_98] {strides = array<i32>} : memref<10240xf32, #tpu.memory_space<vmem>>, vector<16xf32>,
      %swap3A_100 = arith.index_cast %scan3A_76 : i32 to index
      %swap3A_101 = arith.constant 32 : index
      %swap3A_102 = tpu.vector_load %arg6[%swap3A_100, %swap3A_101] {strides = array<i32>} : memref<80x128xf32, #tpu.memory_space<vmem>>, vector<16xf32>,
      tpu.vector_store %arg6[%swap3A_100, %swap3A_101], %get3A_99 {strides = array<i32>} : memref<80x128xf32, #tpu.memory_space<vmem>>, vector<16xf32>,
      %mul3A_103 = arith.constant 128 : i32
      %mul3A_104 = arith.muli %scan3A_76, %mul3A_103 : i32
      %add3A_105 = arith.constant 48 : i32
      %add3A_106 = arith.addi %mul3A_104, %add3A_105 : i32
      %get3A_107 = arith.index_cast %add3A_106 : i32 to index
      %get3A_108 = tpu.vector_load %arg5[%get3A_107] {strides = array<i32>} : memref<10240xf32, #tpu.memory_space<vmem>>, vector<16xf32>,
      %swap3A_109 = arith.index_cast %scan3A_76 : i32 to index
      %swap3A_110 = arith.constant 48 : index
      %swap3A_111 = tpu.vector_load %arg6[%swap3A_109, %swap3A_110] {strides = array<i32>} : memref<80x128xf32, #tpu.memory_space<vmem>>, vector<16xf32>,
      tpu.vector_store %arg6[%swap3A_109, %swap3A_110], %get3A_108 {strides = array<i32>} : memref<80x128xf32, #tpu.memory_space<vmem>>, vector<16xf32>,
      %mul3A_112 = arith.constant 128 : i32
      %mul3A_113 = arith.muli %scan3A_76, %mul3A_112 : i32
      %add3A_114 = arith.constant 64 : i32
      %add3A_115 = arith.addi %mul3A_113, %add3A_114 : i32
      %get3A_116 = arith.index_cast %add3A_115 : i32 to index
      %get3A_117 = tpu.vector_load %arg5[%get3A_116] {strides = array<i32>} : memref<10240xf32, #tpu.memory_space<vmem>>, vector<16xf32>,
      %swap3A_118 = arith.index_cast %scan3A_76 : i32 to index
      %swap3A_119 = arith.constant 64 : index
      %swap3A_120 = tpu.vector_load %arg6[%swap3A_118, %swap3A_119] {strides = array<i32>} : memref<80x128xf32, #tpu.memory_space<vmem>>, vector<16xf32>,
      tpu.vector_store %arg6[%swap3A_118, %swap3A_119], %get3A_117 {strides = array<i32>} : memref<80x128xf32, #tpu.memory_space<vmem>>, vector<16xf32>,
      %mul3A_121 = arith.constant 128 : i32
      %mul3A_122 = arith.muli %scan3A_76, %mul3A_121 : i32
      %add3A_123 = arith.constant 80 : i32
      %add3A_124 = arith.addi %mul3A_122, %add3A_123 : i32
      %get3A_125 = arith.index_cast %add3A_124 : i32 to index
      %get3A_126 = tpu.vector_load %arg5[%get3A_125] {strides = array<i32>} : memref<10240xf32, #tpu.memory_space<vmem>>, vector<16xf32>,
      %swap3A_127 = arith.index_cast %scan3A_76 : i32 to index
      %swap3A_128 = arith.constant 80 : index
      %swap3A_129 = tpu.vector_load %arg6[%swap3A_127, %swap3A_128] {strides = array<i32>} : memref<80x128xf32, #tpu.memory_space<vmem>>, vector<16xf32>,
      tpu.vector_store %arg6[%swap3A_127, %swap3A_128], %get3A_126 {strides = array<i32>} : memref<80x128xf32, #tpu.memory_space<vmem>>, vector<16xf32>,
      %mul3A_130 = arith.constant 128 : i32
      %mul3A_131 = arith.muli %scan3A_76, %mul3A_130 : i32
      %add3A_132 = arith.constant 96 : i32
      %add3A_133 = arith.addi %mul3A_131, %add3A_132 : i32
      %get3A_134 = arith.index_cast %add3A_133 : i32 to index
      %get3A_135 = tpu.vector_load %arg5[%get3A_134] {strides = array<i32>} : memref<10240xf32, #tpu.memory_space<vmem>>, vector<16xf32>,
      %swap3A_136 = arith.index_cast %scan3A_76 : i32 to index
      %swap3A_137 = arith.constant 96 : index
      %swap3A_138 = tpu.vector_load %arg6[%swap3A_136, %swap3A_137] {strides = array<i32>} : memref<80x128xf32, #tpu.memory_space<vmem>>, vector<16xf32>,
      tpu.vector_store %arg6[%swap3A_136, %swap3A_137], %get3A_135 {strides = array<i32>} : memref<80x128xf32, #tpu.memory_space<vmem>>, vector<16xf32>,
      %mul3A_139 = arith.constant 128 : i32
      %mul3A_140 = arith.muli %scan3A_76, %mul3A_139 : i32
      %add3A_141 = arith.constant 112 : i32
      %add3A_142 = arith.addi %mul3A_140, %add3A_141 : i32
      %get3A_143 = arith.index_cast %add3A_142 : i32 to index
      %get3A_144 = tpu.vector_load %arg5[%get3A_143] {strides = array<i32>} : memref<10240xf32, #tpu.memory_space<vmem>>, vector<16xf32>,
      %swap3A_145 = arith.index_cast %scan3A_76 : i32 to index
      %swap3A_146 = arith.constant 112 : index
      %swap3A_147 = tpu.vector_load %arg6[%swap3A_145, %swap3A_146] {strides = array<i32>} : memref<80x128xf32, #tpu.memory_space<vmem>>, vector<16xf32>,
      tpu.vector_store %arg6[%swap3A_145, %swap3A_146], %get3A_144 {strides = array<i32>} : memref<80x128xf32, #tpu.memory_space<vmem>>, vector<16xf32>,
    }
    %scan3A_70 = arith.constant 80 : i32
    %run_scoped3A = arith.constant 0 : i32
    "tpu.region"() ({
      %run_scoped3A_76 = tpu.sem_alloc : memref<!tpu.dma_semaphore, #tpu.memory_space<semaphore_mem>>
      %dma_start3A = arith.constant 0 : i32
      %dma_start3A_77 = tpu.memref_slice %arg7[%run_scoped3A, %dma_start3A] : memref<1x80xi32, #tpu.memory_space<vmem>> -> memref<1x80xi32, #tpu.memory_space<vmem>>
      %dma_start3A_78 = tpu.memref_squeeze %dma_start3A_77 : memref<1x80xi32, #tpu.memory_space<vmem>> -> memref<80xi32, #tpu.memory_space<vmem>>
      %dma_start3A_79 = arith.constant 0 : i32
      %dma_start3A_80 = arith.constant 0 : i32
      %dma_start3A_81 = tpu.memref_slice %arg8[%dma_start3A_79, %dma_start3A_80] : memref<80x128xf32, #tpu.memory_space<vmem_shared>> -> memref<80x128xf32, #tpu.memory_space<vmem_shared>>
      tpu.enqueue_indirect_dma source(%arg6 : memref<80x128xf32, #tpu.memory_space<vmem>>) target(%dma_start3A_81 : memref<80x128xf32, #tpu.memory_space<vmem_shared>>) offsets(%dma_start3A_78 : memref<80xi32, #tpu.memory_space<vmem>>) semaphore(%run_scoped3A_76 : memref<!tpu.dma_semaphore, #tpu.memory_space<semaphore_mem>>) {add = true}
      %dma_wait3A = arith.constant 0 : i32
      %dma_wait3A_82 = tpu.memref_slice %arg7[%run_scoped3A, %dma_wait3A] : memref<1x80xi32, #tpu.memory_space<vmem>> -> memref<1x80xi32, #tpu.memory_space<vmem>>
      %dma_wait3A_83 = tpu.memref_squeeze %dma_wait3A_82 : memref<1x80xi32, #tpu.memory_space<vmem>> -> memref<80xi32, #tpu.memory_space<vmem>>
      %dma_wait3A_84 = arith.constant 0 : i32
      %dma_wait3A_85 = arith.constant 0 : i32
      %dma_wait3A_86 = tpu.memref_slice %arg8[%dma_wait3A_84, %dma_wait3A_85] : memref<80x128xf32, #tpu.memory_space<vmem_shared>> -> memref<80x128xf32, #tpu.memory_space<vmem_shared>>
      tpu.wait_indirect_dma semaphore(%run_scoped3A_76 : memref<!tpu.dma_semaphore, #tpu.memory_space<semaphore_mem>>) src(%arg6 : memref<80x128xf32, #tpu.memory_space<vmem>>) dst(%dma_wait3A_86 : memref<80x128xf32, #tpu.memory_space<vmem_shared>>)
      tpu.yield
    }) : () -> ()
    %barrier3A_71 = arith.constant 0 : index
    tpu.barrier barrier_id(%barrier3A_71)
    %lt3A = arith.constant 10 : i32
    %lt3A_72 = arith.cmpi slt, %arg1, %lt3A : i32
    %convert_element_type3A_73 = arith.extui %lt3A_72 : i1 to i32
    %cond3A_74 = arith.constant 0 : i32
    %cond3A_75 = arith.cmpi ne, %convert_element_type3A_73, %cond3A_74 : i32
    scf.if %cond3A_75 {
      %mul3A_76 = arith.constant 8 : i32
      %mul3A_77 = arith.muli %arg1, %mul3A_76 : i32
      "tpu.region"() ({
        %run_scoped3A_78 = tpu.sem_alloc : memref<!tpu.dma_semaphore, #tpu.memory_space<semaphore_mem>>
        %dma_start3A = arith.constant 0 : i32
        %dma_start3A_79 = arith.constant 0 : i32
        %dma_start3A_80 = tpu.memref_slice %arg3[%arg0, %dma_start3A, %dma_start3A_79] : memref<2x80x128xf32, #tpu.memory_space<hbm>> -> memref<1x80x128xf32, #tpu.memory_space<hbm>>
        %dma_start3A_81 = tpu.memref_squeeze %dma_start3A_80 : memref<1x80x128xf32, #tpu.memory_space<hbm>> -> memref<80x128xf32, #tpu.memory_space<hbm>>
        %dma_start3A_82 = arith.constant 0 : i32
        %dma_start3A_83 = tpu.memref_slice %dma_start3A_81[%mul3A_77, %dma_start3A_82] : memref<80x128xf32, #tpu.memory_space<hbm>> -> memref<8x128xf32, #tpu.memory_space<hbm>>
        %dma_start3A_84 = arith.constant 0 : i32
        %dma_start3A_85 = tpu.memref_slice %arg8[%mul3A_77, %dma_start3A_84] : memref<80x128xf32, #tpu.memory_space<vmem_shared>> -> memref<8x128xf32, #tpu.memory_space<vmem_shared>>
        tpu.enqueue_dma source(%dma_start3A_85 : memref<8x128xf32, #tpu.memory_space<vmem_shared>>) target(%dma_start3A_83 : memref<8x128xf32, #tpu.memory_space<hbm>>) target_semaphore(%run_scoped3A_78 : memref<!tpu.dma_semaphore, #tpu.memory_space<semaphore_mem>>)
        %dma_wait3A = arith.constant 0 : i32
        %dma_wait3A_86 = arith.constant 0 : i32
        %dma_wait3A_87 = tpu.memref_slice %arg3[%arg0, %dma_wait3A, %dma_wait3A_86] : memref<2x80x128xf32, #tpu.memory_space<hbm>> -> memref<1x80x128xf32, #tpu.memory_space<hbm>>
        %dma_wait3A_88 = tpu.memref_squeeze %dma_wait3A_87 : memref<1x80x128xf32, #tpu.memory_space<hbm>> -> memref<80x128xf32, #tpu.memory_space<hbm>>
        %dma_wait3A_89 = arith.constant 0 : i32
        %dma_wait3A_90 = tpu.memref_slice %dma_wait3A_88[%mul3A_77, %dma_wait3A_89] : memref<80x128xf32, #tpu.memory_space<hbm>> -> memref<8x128xf32, #tpu.memory_space<hbm>>
        %dma_wait3A_91 = arith.constant 0 : i32
        %dma_wait3A_92 = tpu.memref_slice %arg8[%mul3A_77, %dma_wait3A_91] : memref<80x128xf32, #tpu.memory_space<vmem_shared>> -> memref<8x128xf32, #tpu.memory_space<vmem_shared>>
        tpu.wait_dma2 semaphore(%run_scoped3A_78 : memref<!tpu.dma_semaphore, #tpu.memory_space<semaphore_mem>>) src(%dma_wait3A_92 : memref<8x128xf32, #tpu.memory_space<vmem_shared>>) dst(%dma_wait3A_90 : memref<8x128xf32, #tpu.memory_space<hbm>>)
        tpu.yield
      }) : () -> ()
    } else {
    }
    return
  }
}

#map = affine_map<(d0, d1) -> (0, 0)>
#map1 = affine_map<(d0, d1) -> (0, 0, 0)>
module attributes {stable_mosaic.version = 14 : i64} {
  func.func @_agg_body(%arg0: i32, %arg1: i32, %arg2: memref<10000x128xf32, #tpu.memory_space<hbm>>, %arg3: memref<2560x128xi32, #tpu.memory_space<hbm>>, %arg4: memref<2x10112x128xf32, #tpu.memory_space<hbm>>, %arg5: memref<80x128xi32, #tpu.memory_space<vmem>>, %arg6: memref<128x128xf32, #tpu.memory_space<vmem>>, %arg7: memref<128x128xf32, #tpu.memory_space<vmem>>, %arg8: memref<2x128xi32, #tpu.memory_space<vmem>>, %arg9: memref<2x128xi32, #tpu.memory_space<vmem>>, %arg10: memref<!tpu.dma_semaphore, #tpu.memory_space<semaphore_mem>>, %arg11: memref<!tpu.dma_semaphore, #tpu.memory_space<semaphore_mem>>, %arg12: memref<10112x128xf32, #tpu.memory_space<vmem_shared>>) attributes {dimension_semantics = [#tpu.dimension_semantics<core_parallel>, #tpu.dimension_semantics<subcore_parallel>], iteration_bounds = array<i64: 2, 16>, scalar_prefetch = 0 : i64, scratch_operands = 8 : i64, tpu.core_type = #tpu.core_type<sc_vector_subcore>, window_params = [{transform_indices = #map}, {transform_indices = #map}, {transform_indices = #map1}]} {
    %mul3A = arith.constant 16 : i32
    %mul3A_0 = arith.muli %arg0, %mul3A : i32
    %add3A = arith.addi %mul3A_0, %arg1 : i32
    %broadcast_in_dim3A = arith.constant 0.000000e+00 : f32
    %broadcast_in_dim3A_1 = vector.broadcast %broadcast_in_dim3A : f32 to vector<16xf32>
    %scan3A = arith.constant 0 : i32
    %scan3A_2 = arith.constant 0 : i32
    %scan3A_3 = arith.constant 128 : i32
    %scan3A_4 = arith.addi %scan3A_2, %scan3A_3 : i32
    %scan3A_5 = arith.constant 1 : i32
    scf.for %scan3A_339 = %scan3A_2 to %scan3A_4 step %scan3A_5  : i32 {
      %swap3A_340 = arith.index_cast %scan3A_339 : i32 to index
      %swap3A_341 = arith.constant 0 : index
      %swap3A_342 = tpu.vector_load %arg6[%swap3A_340, %swap3A_341] {strides = array<i32>} : memref<128x128xf32, #tpu.memory_space<vmem>>, vector<16xf32>,
      tpu.vector_store %arg6[%swap3A_340, %swap3A_341], %broadcast_in_dim3A_1 {strides = array<i32>} : memref<128x128xf32, #tpu.memory_space<vmem>>, vector<16xf32>,
      %swap3A_343 = arith.index_cast %scan3A_339 : i32 to index
      %swap3A_344 = arith.constant 16 : index
      %swap3A_345 = tpu.vector_load %arg6[%swap3A_343, %swap3A_344] {strides = array<i32>} : memref<128x128xf32, #tpu.memory_space<vmem>>, vector<16xf32>,
      tpu.vector_store %arg6[%swap3A_343, %swap3A_344], %broadcast_in_dim3A_1 {strides = array<i32>} : memref<128x128xf32, #tpu.memory_space<vmem>>, vector<16xf32>,
      %swap3A_346 = arith.index_cast %scan3A_339 : i32 to index
      %swap3A_347 = arith.constant 32 : index
      %swap3A_348 = tpu.vector_load %arg6[%swap3A_346, %swap3A_347] {strides = array<i32>} : memref<128x128xf32, #tpu.memory_space<vmem>>, vector<16xf32>,
      tpu.vector_store %arg6[%swap3A_346, %swap3A_347], %broadcast_in_dim3A_1 {strides = array<i32>} : memref<128x128xf32, #tpu.memory_space<vmem>>, vector<16xf32>,
      %swap3A_349 = arith.index_cast %scan3A_339 : i32 to index
      %swap3A_350 = arith.constant 48 : index
      %swap3A_351 = tpu.vector_load %arg6[%swap3A_349, %swap3A_350] {strides = array<i32>} : memref<128x128xf32, #tpu.memory_space<vmem>>, vector<16xf32>,
      tpu.vector_store %arg6[%swap3A_349, %swap3A_350], %broadcast_in_dim3A_1 {strides = array<i32>} : memref<128x128xf32, #tpu.memory_space<vmem>>, vector<16xf32>,
      %swap3A_352 = arith.index_cast %scan3A_339 : i32 to index
      %swap3A_353 = arith.constant 64 : index
      %swap3A_354 = tpu.vector_load %arg6[%swap3A_352, %swap3A_353] {strides = array<i32>} : memref<128x128xf32, #tpu.memory_space<vmem>>, vector<16xf32>,
      tpu.vector_store %arg6[%swap3A_352, %swap3A_353], %broadcast_in_dim3A_1 {strides = array<i32>} : memref<128x128xf32, #tpu.memory_space<vmem>>, vector<16xf32>,
      %swap3A_355 = arith.index_cast %scan3A_339 : i32 to index
      %swap3A_356 = arith.constant 80 : index
      %swap3A_357 = tpu.vector_load %arg6[%swap3A_355, %swap3A_356] {strides = array<i32>} : memref<128x128xf32, #tpu.memory_space<vmem>>, vector<16xf32>,
      tpu.vector_store %arg6[%swap3A_355, %swap3A_356], %broadcast_in_dim3A_1 {strides = array<i32>} : memref<128x128xf32, #tpu.memory_space<vmem>>, vector<16xf32>,
      %swap3A_358 = arith.index_cast %scan3A_339 : i32 to index
      %swap3A_359 = arith.constant 96 : index
      %swap3A_360 = tpu.vector_load %arg6[%swap3A_358, %swap3A_359] {strides = array<i32>} : memref<128x128xf32, #tpu.memory_space<vmem>>, vector<16xf32>,
      tpu.vector_store %arg6[%swap3A_358, %swap3A_359], %broadcast_in_dim3A_1 {strides = array<i32>} : memref<128x128xf32, #tpu.memory_space<vmem>>, vector<16xf32>,
      %swap3A_361 = arith.index_cast %scan3A_339 : i32 to index
      %swap3A_362 = arith.constant 112 : index
      %swap3A_363 = tpu.vector_load %arg6[%swap3A_361, %swap3A_362] {strides = array<i32>} : memref<128x128xf32, #tpu.memory_space<vmem>>, vector<16xf32>,
      tpu.vector_store %arg6[%swap3A_361, %swap3A_362], %broadcast_in_dim3A_1 {strides = array<i32>} : memref<128x128xf32, #tpu.memory_space<vmem>>, vector<16xf32>,
    }
    %scan3A_6 = arith.constant 128 : i32
    %mul3A_7 = arith.constant 632 : i32
    %mul3A_8 = arith.muli %arg1, %mul3A_7 : i32
    %add3A_9 = arith.constant 0 : i32
    %add3A_10 = arith.addi %mul3A_8, %add3A_9 : i32
    "tpu.region"() ({
      %run_scoped3A_339 = tpu.sem_alloc : memref<!tpu.dma_semaphore, #tpu.memory_space<semaphore_mem>>
      %dma_start3A_340 = arith.constant 0 : i32
      %dma_start3A_341 = tpu.memref_slice %arg12[%add3A_10, %dma_start3A_340] : memref<10112x128xf32, #tpu.memory_space<vmem_shared>> -> memref<128x128xf32, #tpu.memory_space<vmem_shared>>
      %dma_start3A_342 = arith.constant 0 : i32
      %dma_start3A_343 = tpu.memref_slice %arg12[%add3A_10, %dma_start3A_342] : memref<10112x128xf32, #tpu.memory_space<vmem_shared>> -> memref<128x128xf32, #tpu.memory_space<vmem_shared>>
      tpu.enqueue_dma source(%arg6 : memref<128x128xf32, #tpu.memory_space<vmem>>) target(%dma_start3A_343 : memref<128x128xf32, #tpu.memory_space<vmem_shared>>) target_semaphore(%run_scoped3A_339 : memref<!tpu.dma_semaphore, #tpu.memory_space<semaphore_mem>>)
      %dma_wait3A_344 = arith.constant 0 : i32
      %dma_wait3A_345 = tpu.memref_slice %arg12[%add3A_10, %dma_wait3A_344] : memref<10112x128xf32, #tpu.memory_space<vmem_shared>> -> memref<128x128xf32, #tpu.memory_space<vmem_shared>>
      %dma_wait3A_346 = arith.constant 0 : i32
      %dma_wait3A_347 = tpu.memref_slice %arg12[%add3A_10, %dma_wait3A_346] : memref<10112x128xf32, #tpu.memory_space<vmem_shared>> -> memref<128x128xf32, #tpu.memory_space<vmem_shared>>
      tpu.wait_dma2 semaphore(%run_scoped3A_339 : memref<!tpu.dma_semaphore, #tpu.memory_space<semaphore_mem>>) src(%arg6 : memref<128x128xf32, #tpu.memory_space<vmem>>) dst(%dma_wait3A_347 : memref<128x128xf32, #tpu.memory_space<vmem_shared>>)
      tpu.yield
    }) : () -> ()
    %add3A_11 = arith.constant 128 : i32
    %add3A_12 = arith.addi %mul3A_8, %add3A_11 : i32
    "tpu.region"() ({
      %run_scoped3A_339 = tpu.sem_alloc : memref<!tpu.dma_semaphore, #tpu.memory_space<semaphore_mem>>
      %dma_start3A_340 = arith.constant 0 : i32
      %dma_start3A_341 = tpu.memref_slice %arg12[%add3A_12, %dma_start3A_340] : memref<10112x128xf32, #tpu.memory_space<vmem_shared>> -> memref<128x128xf32, #tpu.memory_space<vmem_shared>>
      %dma_start3A_342 = arith.constant 0 : i32
      %dma_start3A_343 = tpu.memref_slice %arg12[%add3A_12, %dma_start3A_342] : memref<10112x128xf32, #tpu.memory_space<vmem_shared>> -> memref<128x128xf32, #tpu.memory_space<vmem_shared>>
      tpu.enqueue_dma source(%arg6 : memref<128x128xf32, #tpu.memory_space<vmem>>) target(%dma_start3A_343 : memref<128x128xf32, #tpu.memory_space<vmem_shared>>) target_semaphore(%run_scoped3A_339 : memref<!tpu.dma_semaphore, #tpu.memory_space<semaphore_mem>>)
      %dma_wait3A_344 = arith.constant 0 : i32
      %dma_wait3A_345 = tpu.memref_slice %arg12[%add3A_12, %dma_wait3A_344] : memref<10112x128xf32, #tpu.memory_space<vmem_shared>> -> memref<128x128xf32, #tpu.memory_space<vmem_shared>>
      %dma_wait3A_346 = arith.constant 0 : i32
      %dma_wait3A_347 = tpu.memref_slice %arg12[%add3A_12, %dma_wait3A_346] : memref<10112x128xf32, #tpu.memory_space<vmem_shared>> -> memref<128x128xf32, #tpu.memory_space<vmem_shared>>
      tpu.wait_dma2 semaphore(%run_scoped3A_339 : memref<!tpu.dma_semaphore, #tpu.memory_space<semaphore_mem>>) src(%arg6 : memref<128x128xf32, #tpu.memory_space<vmem>>) dst(%dma_wait3A_347 : memref<128x128xf32, #tpu.memory_space<vmem_shared>>)
      tpu.yield
    }) : () -> ()
    %add3A_13 = arith.constant 256 : i32
    %add3A_14 = arith.addi %mul3A_8, %add3A_13 : i32
    "tpu.region"() ({
      %run_scoped3A_339 = tpu.sem_alloc : memref<!tpu.dma_semaphore, #tpu.memory_space<semaphore_mem>>
      %dma_start3A_340 = arith.constant 0 : i32
      %dma_start3A_341 = tpu.memref_slice %arg12[%add3A_14, %dma_start3A_340] : memref<10112x128xf32, #tpu.memory_space<vmem_shared>> -> memref<128x128xf32, #tpu.memory_space<vmem_shared>>
      %dma_start3A_342 = arith.constant 0 : i32
      %dma_start3A_343 = tpu.memref_slice %arg12[%add3A_14, %dma_start3A_342] : memref<10112x128xf32, #tpu.memory_space<vmem_shared>> -> memref<128x128xf32, #tpu.memory_space<vmem_shared>>
      tpu.enqueue_dma source(%arg6 : memref<128x128xf32, #tpu.memory_space<vmem>>) target(%dma_start3A_343 : memref<128x128xf32, #tpu.memory_space<vmem_shared>>) target_semaphore(%run_scoped3A_339 : memref<!tpu.dma_semaphore, #tpu.memory_space<semaphore_mem>>)
      %dma_wait3A_344 = arith.constant 0 : i32
      %dma_wait3A_345 = tpu.memref_slice %arg12[%add3A_14, %dma_wait3A_344] : memref<10112x128xf32, #tpu.memory_space<vmem_shared>> -> memref<128x128xf32, #tpu.memory_space<vmem_shared>>
      %dma_wait3A_346 = arith.constant 0 : i32
      %dma_wait3A_347 = tpu.memref_slice %arg12[%add3A_14, %dma_wait3A_346] : memref<10112x128xf32, #tpu.memory_space<vmem_shared>> -> memref<128x128xf32, #tpu.memory_space<vmem_shared>>
      tpu.wait_dma2 semaphore(%run_scoped3A_339 : memref<!tpu.dma_semaphore, #tpu.memory_space<semaphore_mem>>) src(%arg6 : memref<128x128xf32, #tpu.memory_space<vmem>>) dst(%dma_wait3A_347 : memref<128x128xf32, #tpu.memory_space<vmem_shared>>)
      tpu.yield
    }) : () -> ()
    %add3A_15 = arith.constant 384 : i32
    %add3A_16 = arith.addi %mul3A_8, %add3A_15 : i32
    "tpu.region"() ({
      %run_scoped3A_339 = tpu.sem_alloc : memref<!tpu.dma_semaphore, #tpu.memory_space<semaphore_mem>>
      %dma_start3A_340 = arith.constant 0 : i32
      %dma_start3A_341 = tpu.memref_slice %arg12[%add3A_16, %dma_start3A_340] : memref<10112x128xf32, #tpu.memory_space<vmem_shared>> -> memref<128x128xf32, #tpu.memory_space<vmem_shared>>
      %dma_start3A_342 = arith.constant 0 : i32
      %dma_start3A_343 = tpu.memref_slice %arg12[%add3A_16, %dma_start3A_342] : memref<10112x128xf32, #tpu.memory_space<vmem_shared>> -> memref<128x128xf32, #tpu.memory_space<vmem_shared>>
      tpu.enqueue_dma source(%arg6 : memref<128x128xf32, #tpu.memory_space<vmem>>) target(%dma_start3A_343 : memref<128x128xf32, #tpu.memory_space<vmem_shared>>) target_semaphore(%run_scoped3A_339 : memref<!tpu.dma_semaphore, #tpu.memory_space<semaphore_mem>>)
      %dma_wait3A_344 = arith.constant 0 : i32
      %dma_wait3A_345 = tpu.memref_slice %arg12[%add3A_16, %dma_wait3A_344] : memref<10112x128xf32, #tpu.memory_space<vmem_shared>> -> memref<128x128xf32, #tpu.memory_space<vmem_shared>>
      %dma_wait3A_346 = arith.constant 0 : i32
      %dma_wait3A_347 = tpu.memref_slice %arg12[%add3A_16, %dma_wait3A_346] : memref<10112x128xf32, #tpu.memory_space<vmem_shared>> -> memref<128x128xf32, #tpu.memory_space<vmem_shared>>
      tpu.wait_dma2 semaphore(%run_scoped3A_339 : memref<!tpu.dma_semaphore, #tpu.memory_space<semaphore_mem>>) src(%arg6 : memref<128x128xf32, #tpu.memory_space<vmem>>) dst(%dma_wait3A_347 : memref<128x128xf32, #tpu.memory_space<vmem_shared>>)
      tpu.yield
    }) : () -> ()
    %add3A_17 = arith.constant 512 : i32
    %add3A_18 = arith.addi %mul3A_8, %add3A_17 : i32
    "tpu.region"() ({
      %run_scoped3A_339 = tpu.sem_alloc : memref<!tpu.dma_semaphore, #tpu.memory_space<semaphore_mem>>
      %dma_start3A_340 = arith.constant 0 : i32
      %dma_start3A_341 = arith.constant 0 : i32
      %dma_start3A_342 = tpu.memref_slice %arg6[%dma_start3A_340, %dma_start3A_341] : memref<128x128xf32, #tpu.memory_space<vmem>> -> memref<120x128xf32, #tpu.memory_space<vmem>>
      %dma_start3A_343 = arith.constant 0 : i32
      %dma_start3A_344 = tpu.memref_slice %arg12[%add3A_18, %dma_start3A_343] : memref<10112x128xf32, #tpu.memory_space<vmem_shared>> -> memref<120x128xf32, #tpu.memory_space<vmem_shared>>
      %dma_start3A_345 = arith.constant 0 : i32
      %dma_start3A_346 = tpu.memref_slice %arg12[%add3A_18, %dma_start3A_345] : memref<10112x128xf32, #tpu.memory_space<vmem_shared>> -> memref<120x128xf32, #tpu.memory_space<vmem_shared>>
      %dma_start3A_347 = arith.constant 0 : i32
      %dma_start3A_348 = arith.constant 0 : i32
      %dma_start3A_349 = tpu.memref_slice %arg6[%dma_start3A_347, %dma_start3A_348] : memref<128x128xf32, #tpu.memory_space<vmem>> -> memref<120x128xf32, #tpu.memory_space<vmem>>
      tpu.enqueue_dma source(%dma_start3A_349 : memref<120x128xf32, #tpu.memory_space<vmem>>) target(%dma_start3A_346 : memref<120x128xf32, #tpu.memory_space<vmem_shared>>) target_semaphore(%run_scoped3A_339 : memref<!tpu.dma_semaphore, #tpu.memory_space<semaphore_mem>>)
      %dma_wait3A_350 = arith.constant 0 : i32
      %dma_wait3A_351 = arith.constant 0 : i32
      %dma_wait3A_352 = tpu.memref_slice %arg6[%dma_wait3A_350, %dma_wait3A_351] : memref<128x128xf32, #tpu.memory_space<vmem>> -> memref<120x128xf32, #tpu.memory_space<vmem>>
      %dma_wait3A_353 = arith.constant 0 : i32
      %dma_wait3A_354 = tpu.memref_slice %arg12[%add3A_18, %dma_wait3A_353] : memref<10112x128xf32, #tpu.memory_space<vmem_shared>> -> memref<120x128xf32, #tpu.memory_space<vmem_shared>>
      %dma_wait3A_355 = arith.constant 0 : i32
      %dma_wait3A_356 = tpu.memref_slice %arg12[%add3A_18, %dma_wait3A_355] : memref<10112x128xf32, #tpu.memory_space<vmem_shared>> -> memref<120x128xf32, #tpu.memory_space<vmem_shared>>
      %dma_wait3A_357 = arith.constant 0 : i32
      %dma_wait3A_358 = arith.constant 0 : i32
      %dma_wait3A_359 = tpu.memref_slice %arg6[%dma_wait3A_357, %dma_wait3A_358] : memref<128x128xf32, #tpu.memory_space<vmem>> -> memref<120x128xf32, #tpu.memory_space<vmem>>
      tpu.wait_dma2 semaphore(%run_scoped3A_339 : memref<!tpu.dma_semaphore, #tpu.memory_space<semaphore_mem>>) src(%dma_wait3A_359 : memref<120x128xf32, #tpu.memory_space<vmem>>) dst(%dma_wait3A_356 : memref<120x128xf32, #tpu.memory_space<vmem_shared>>)
      tpu.yield
    }) : () -> ()
    %barrier3A = arith.constant 0 : index
    tpu.barrier barrier_id(%barrier3A)
    %mul3A_19 = arith.constant 80 : i32
    %mul3A_20 = arith.muli %add3A, %mul3A_19 : i32
    "tpu.region"() ({
      %run_scoped3A_339 = tpu.sem_alloc : memref<!tpu.dma_semaphore, #tpu.memory_space<semaphore_mem>>
      %dma_start3A_340 = arith.constant 0 : i32
      %dma_start3A_341 = arith.constant 0 : i32
      %dma_start3A_342 = tpu.memref_slice %arg5[%dma_start3A_340, %dma_start3A_341] : memref<80x128xi32, #tpu.memory_space<vmem>> -> memref<80x128xi32, #tpu.memory_space<vmem>>
      %dma_start3A_343 = arith.constant 0 : i32
      %dma_start3A_344 = tpu.memref_slice %arg3[%mul3A_20, %dma_start3A_343] : memref<2560x128xi32, #tpu.memory_space<hbm>> -> memref<80x128xi32, #tpu.memory_space<hbm>>
      %dma_start3A_345 = arith.constant 0 : i32
      %dma_start3A_346 = arith.constant 0 : i32
      %dma_start3A_347 = tpu.memref_slice %arg5[%dma_start3A_345, %dma_start3A_346] : memref<80x128xi32, #tpu.memory_space<vmem>> -> memref<80x128xi32, #tpu.memory_space<vmem>>
      %dma_start3A_348 = arith.constant 0 : i32
      %dma_start3A_349 = tpu.memref_slice %arg3[%mul3A_20, %dma_start3A_348] : memref<2560x128xi32, #tpu.memory_space<hbm>> -> memref<80x128xi32, #tpu.memory_space<hbm>>
      tpu.enqueue_dma source(%dma_start3A_349 : memref<80x128xi32, #tpu.memory_space<hbm>>) target(%dma_start3A_347 : memref<80x128xi32, #tpu.memory_space<vmem>>) target_semaphore(%run_scoped3A_339 : memref<!tpu.dma_semaphore, #tpu.memory_space<semaphore_mem>>)
      %dma_wait3A_350 = arith.constant 0 : i32
      %dma_wait3A_351 = arith.constant 0 : i32
      %dma_wait3A_352 = tpu.memref_slice %arg5[%dma_wait3A_350, %dma_wait3A_351] : memref<80x128xi32, #tpu.memory_space<vmem>> -> memref<80x128xi32, #tpu.memory_space<vmem>>
      %dma_wait3A_353 = arith.constant 0 : i32
      %dma_wait3A_354 = tpu.memref_slice %arg3[%mul3A_20, %dma_wait3A_353] : memref<2560x128xi32, #tpu.memory_space<hbm>> -> memref<80x128xi32, #tpu.memory_space<hbm>>
      %dma_wait3A_355 = arith.constant 0 : i32
      %dma_wait3A_356 = arith.constant 0 : i32
      %dma_wait3A_357 = tpu.memref_slice %arg5[%dma_wait3A_355, %dma_wait3A_356] : memref<80x128xi32, #tpu.memory_space<vmem>> -> memref<80x128xi32, #tpu.memory_space<vmem>>
      %dma_wait3A_358 = arith.constant 0 : i32
      %dma_wait3A_359 = tpu.memref_slice %arg3[%mul3A_20, %dma_wait3A_358] : memref<2560x128xi32, #tpu.memory_space<hbm>> -> memref<80x128xi32, #tpu.memory_space<hbm>>
      tpu.wait_dma2 semaphore(%run_scoped3A_339 : memref<!tpu.dma_semaphore, #tpu.memory_space<semaphore_mem>>) src(%dma_wait3A_359 : memref<80x128xi32, #tpu.memory_space<hbm>>) dst(%dma_wait3A_357 : memref<80x128xi32, #tpu.memory_space<vmem>>)
      tpu.yield
    }) : () -> ()
    %get3A = arith.constant 0 : i32
    %get3A_21 = arith.index_cast %get3A : i32 to index
    %get3A_22 = arith.constant 0 : index
    %get3A_23 = tpu.vector_load %arg5[%get3A_21, %get3A_22] {strides = array<i32>} : memref<80x128xi32, #tpu.memory_space<vmem>>, vector<16xi32>,
    %and3A = arith.constant 65535 : i32
    %and3A_24 = vector.broadcast %and3A : i32 to vector<16xi32>
    %and3A_25 = arith.andi %get3A_23, %and3A_24 : vector<16xi32>
    %swap3A = arith.constant 0 : i32
    %swap3A_26 = arith.index_cast %swap3A : i32 to index
    %swap3A_27 = arith.constant 0 : index
    %swap3A_28 = tpu.vector_load %arg8[%swap3A_26, %swap3A_27] {strides = array<i32>} : memref<2x128xi32, #tpu.memory_space<vmem>>, vector<16xi32>,
    tpu.vector_store %arg8[%swap3A_26, %swap3A_27], %and3A_25 {strides = array<i32>} : memref<2x128xi32, #tpu.memory_space<vmem>>, vector<16xi32>,
    %shift_right_logical3A = arith.constant 16 : i32
    %shift_right_logical3A_29 = vector.broadcast %shift_right_logical3A : i32 to vector<16xi32>
    %shift_right_logical3A_30 = arith.shrui %get3A_23, %shift_right_logical3A_29 : vector<16xi32>
    %swap3A_31 = arith.constant 0 : i32
    %swap3A_32 = arith.index_cast %swap3A_31 : i32 to index
    %swap3A_33 = arith.constant 0 : index
    %swap3A_34 = tpu.vector_load %arg9[%swap3A_32, %swap3A_33] {strides = array<i32>} : memref<2x128xi32, #tpu.memory_space<vmem>>, vector<16xi32>,
    tpu.vector_store %arg9[%swap3A_32, %swap3A_33], %shift_right_logical3A_30 {strides = array<i32>} : memref<2x128xi32, #tpu.memory_space<vmem>>, vector<16xi32>,
    %get3A_35 = arith.constant 0 : i32
    %get3A_36 = arith.index_cast %get3A_35 : i32 to index
    %get3A_37 = arith.constant 16 : index
    %get3A_38 = tpu.vector_load %arg5[%get3A_36, %get3A_37] {strides = array<i32>} : memref<80x128xi32, #tpu.memory_space<vmem>>, vector<16xi32>,
    %and3A_39 = arith.constant 65535 : i32
    %and3A_40 = vector.broadcast %and3A_39 : i32 to vector<16xi32>
    %and3A_41 = arith.andi %get3A_38, %and3A_40 : vector<16xi32>
    %swap3A_42 = arith.constant 0 : i32
    %swap3A_43 = arith.index_cast %swap3A_42 : i32 to index
    %swap3A_44 = arith.constant 16 : index
    %swap3A_45 = tpu.vector_load %arg8[%swap3A_43, %swap3A_44] {strides = array<i32>} : memref<2x128xi32, #tpu.memory_space<vmem>>, vector<16xi32>,
    tpu.vector_store %arg8[%swap3A_43, %swap3A_44], %and3A_41 {strides = array<i32>} : memref<2x128xi32, #tpu.memory_space<vmem>>, vector<16xi32>,
    %shift_right_logical3A_46 = arith.constant 16 : i32
    %shift_right_logical3A_47 = vector.broadcast %shift_right_logical3A_46 : i32 to vector<16xi32>
    %shift_right_logical3A_48 = arith.shrui %get3A_38, %shift_right_logical3A_47 : vector<16xi32>
    %swap3A_49 = arith.constant 0 : i32
    %swap3A_50 = arith.index_cast %swap3A_49 : i32 to index
    %swap3A_51 = arith.constant 16 : index
    %swap3A_52 = tpu.vector_load %arg9[%swap3A_50, %swap3A_51] {strides = array<i32>} : memref<2x128xi32, #tpu.memory_space<vmem>>, vector<16xi32>,
    tpu.vector_store %arg9[%swap3A_50, %swap3A_51], %shift_right_logical3A_48 {strides = array<i32>} : memref<2x128xi32, #tpu.memory_space<vmem>>, vector<16xi32>,
    %get3A_53 = arith.constant 0 : i32
    %get3A_54 = arith.index_cast %get3A_53 : i32 to index
    %get3A_55 = arith.constant 32 : index
    %get3A_56 = tpu.vector_load %arg5[%get3A_54, %get3A_55] {strides = array<i32>} : memref<80x128xi32, #tpu.memory_space<vmem>>, vector<16xi32>,
    %and3A_57 = arith.constant 65535 : i32
    %and3A_58 = vector.broadcast %and3A_57 : i32 to vector<16xi32>
    %and3A_59 = arith.andi %get3A_56, %and3A_58 : vector<16xi32>
    %swap3A_60 = arith.constant 0 : i32
    %swap3A_61 = arith.index_cast %swap3A_60 : i32 to index
    %swap3A_62 = arith.constant 32 : index
    %swap3A_63 = tpu.vector_load %arg8[%swap3A_61, %swap3A_62] {strides = array<i32>} : memref<2x128xi32, #tpu.memory_space<vmem>>, vector<16xi32>,
    tpu.vector_store %arg8[%swap3A_61, %swap3A_62], %and3A_59 {strides = array<i32>} : memref<2x128xi32, #tpu.memory_space<vmem>>, vector<16xi32>,
    %shift_right_logical3A_64 = arith.constant 16 : i32
    %shift_right_logical3A_65 = vector.broadcast %shift_right_logical3A_64 : i32 to vector<16xi32>
    %shift_right_logical3A_66 = arith.shrui %get3A_56, %shift_right_logical3A_65 : vector<16xi32>
    %swap3A_67 = arith.constant 0 : i32
    %swap3A_68 = arith.index_cast %swap3A_67 : i32 to index
    %swap3A_69 = arith.constant 32 : index
    %swap3A_70 = tpu.vector_load %arg9[%swap3A_68, %swap3A_69] {strides = array<i32>} : memref<2x128xi32, #tpu.memory_space<vmem>>, vector<16xi32>,
    tpu.vector_store %arg9[%swap3A_68, %swap3A_69], %shift_right_logical3A_66 {strides = array<i32>} : memref<2x128xi32, #tpu.memory_space<vmem>>, vector<16xi32>,
    %get3A_71 = arith.constant 0 : i32
    %get3A_72 = arith.index_cast %get3A_71 : i32 to index
    %get3A_73 = arith.constant 48 : index
    %get3A_74 = tpu.vector_load %arg5[%get3A_72, %get3A_73] {strides = array<i32>} : memref<80x128xi32, #tpu.memory_space<vmem>>, vector<16xi32>,
    %and3A_75 = arith.constant 65535 : i32
    %and3A_76 = vector.broadcast %and3A_75 : i32 to vector<16xi32>
    %and3A_77 = arith.andi %get3A_74, %and3A_76 : vector<16xi32>
    %swap3A_78 = arith.constant 0 : i32
    %swap3A_79 = arith.index_cast %swap3A_78 : i32 to index
    %swap3A_80 = arith.constant 48 : index
    %swap3A_81 = tpu.vector_load %arg8[%swap3A_79, %swap3A_80] {strides = array<i32>} : memref<2x128xi32, #tpu.memory_space<vmem>>, vector<16xi32>,
    tpu.vector_store %arg8[%swap3A_79, %swap3A_80], %and3A_77 {strides = array<i32>} : memref<2x128xi32, #tpu.memory_space<vmem>>, vector<16xi32>,
    %shift_right_logical3A_82 = arith.constant 16 : i32
    %shift_right_logical3A_83 = vector.broadcast %shift_right_logical3A_82 : i32 to vector<16xi32>
    %shift_right_logical3A_84 = arith.shrui %get3A_74, %shift_right_logical3A_83 : vector<16xi32>
    %swap3A_85 = arith.constant 0 : i32
    %swap3A_86 = arith.index_cast %swap3A_85 : i32 to index
    %swap3A_87 = arith.constant 48 : index
    %swap3A_88 = tpu.vector_load %arg9[%swap3A_86, %swap3A_87] {strides = array<i32>} : memref<2x128xi32, #tpu.memory_space<vmem>>, vector<16xi32>,
    tpu.vector_store %arg9[%swap3A_86, %swap3A_87], %shift_right_logical3A_84 {strides = array<i32>} : memref<2x128xi32, #tpu.memory_space<vmem>>, vector<16xi32>,
    %get3A_89 = arith.constant 0 : i32
    %get3A_90 = arith.index_cast %get3A_89 : i32 to index
    %get3A_91 = arith.constant 64 : index
    %get3A_92 = tpu.vector_load %arg5[%get3A_90, %get3A_91] {strides = array<i32>} : memref<80x128xi32, #tpu.memory_space<vmem>>, vector<16xi32>,
    %and3A_93 = arith.constant 65535 : i32
    %and3A_94 = vector.broadcast %and3A_93 : i32 to vector<16xi32>
    %and3A_95 = arith.andi %get3A_92, %and3A_94 : vector<16xi32>
    %swap3A_96 = arith.constant 0 : i32
    %swap3A_97 = arith.index_cast %swap3A_96 : i32 to index
    %swap3A_98 = arith.constant 64 : index
    %swap3A_99 = tpu.vector_load %arg8[%swap3A_97, %swap3A_98] {strides = array<i32>} : memref<2x128xi32, #tpu.memory_space<vmem>>, vector<16xi32>,
    tpu.vector_store %arg8[%swap3A_97, %swap3A_98], %and3A_95 {strides = array<i32>} : memref<2x128xi32, #tpu.memory_space<vmem>>, vector<16xi32>,
    %shift_right_logical3A_100 = arith.constant 16 : i32
    %shift_right_logical3A_101 = vector.broadcast %shift_right_logical3A_100 : i32 to vector<16xi32>
    %shift_right_logical3A_102 = arith.shrui %get3A_92, %shift_right_logical3A_101 : vector<16xi32>
    %swap3A_103 = arith.constant 0 : i32
    %swap3A_104 = arith.index_cast %swap3A_103 : i32 to index
    %swap3A_105 = arith.constant 64 : index
    %swap3A_106 = tpu.vector_load %arg9[%swap3A_104, %swap3A_105] {strides = array<i32>} : memref<2x128xi32, #tpu.memory_space<vmem>>, vector<16xi32>,
    tpu.vector_store %arg9[%swap3A_104, %swap3A_105], %shift_right_logical3A_102 {strides = array<i32>} : memref<2x128xi32, #tpu.memory_space<vmem>>, vector<16xi32>,
    %get3A_107 = arith.constant 0 : i32
    %get3A_108 = arith.index_cast %get3A_107 : i32 to index
    %get3A_109 = arith.constant 80 : index
    %get3A_110 = tpu.vector_load %arg5[%get3A_108, %get3A_109] {strides = array<i32>} : memref<80x128xi32, #tpu.memory_space<vmem>>, vector<16xi32>,
    %and3A_111 = arith.constant 65535 : i32
    %and3A_112 = vector.broadcast %and3A_111 : i32 to vector<16xi32>
    %and3A_113 = arith.andi %get3A_110, %and3A_112 : vector<16xi32>
    %swap3A_114 = arith.constant 0 : i32
    %swap3A_115 = arith.index_cast %swap3A_114 : i32 to index
    %swap3A_116 = arith.constant 80 : index
    %swap3A_117 = tpu.vector_load %arg8[%swap3A_115, %swap3A_116] {strides = array<i32>} : memref<2x128xi32, #tpu.memory_space<vmem>>, vector<16xi32>,
    tpu.vector_store %arg8[%swap3A_115, %swap3A_116], %and3A_113 {strides = array<i32>} : memref<2x128xi32, #tpu.memory_space<vmem>>, vector<16xi32>,
    %shift_right_logical3A_118 = arith.constant 16 : i32
    %shift_right_logical3A_119 = vector.broadcast %shift_right_logical3A_118 : i32 to vector<16xi32>
    %shift_right_logical3A_120 = arith.shrui %get3A_110, %shift_right_logical3A_119 : vector<16xi32>
    %swap3A_121 = arith.constant 0 : i32
    %swap3A_122 = arith.index_cast %swap3A_121 : i32 to index
    %swap3A_123 = arith.constant 80 : index
    %swap3A_124 = tpu.vector_load %arg9[%swap3A_122, %swap3A_123] {strides = array<i32>} : memref<2x128xi32, #tpu.memory_space<vmem>>, vector<16xi32>,
    tpu.vector_store %arg9[%swap3A_122, %swap3A_123], %shift_right_logical3A_120 {strides = array<i32>} : memref<2x128xi32, #tpu.memory_space<vmem>>, vector<16xi32>,
    %get3A_125 = arith.constant 0 : i32
    %get3A_126 = arith.index_cast %get3A_125 : i32 to index
    %get3A_127 = arith.constant 96 : index
    %get3A_128 = tpu.vector_load %arg5[%get3A_126, %get3A_127] {strides = array<i32>} : memref<80x128xi32, #tpu.memory_space<vmem>>, vector<16xi32>,
    %and3A_129 = arith.constant 65535 : i32
    %and3A_130 = vector.broadcast %and3A_129 : i32 to vector<16xi32>
    %and3A_131 = arith.andi %get3A_128, %and3A_130 : vector<16xi32>
    %swap3A_132 = arith.constant 0 : i32
    %swap3A_133 = arith.index_cast %swap3A_132 : i32 to index
    %swap3A_134 = arith.constant 96 : index
    %swap3A_135 = tpu.vector_load %arg8[%swap3A_133, %swap3A_134] {strides = array<i32>} : memref<2x128xi32, #tpu.memory_space<vmem>>, vector<16xi32>,
    tpu.vector_store %arg8[%swap3A_133, %swap3A_134], %and3A_131 {strides = array<i32>} : memref<2x128xi32, #tpu.memory_space<vmem>>, vector<16xi32>,
    %shift_right_logical3A_136 = arith.constant 16 : i32
    %shift_right_logical3A_137 = vector.broadcast %shift_right_logical3A_136 : i32 to vector<16xi32>
    %shift_right_logical3A_138 = arith.shrui %get3A_128, %shift_right_logical3A_137 : vector<16xi32>
    %swap3A_139 = arith.constant 0 : i32
    %swap3A_140 = arith.index_cast %swap3A_139 : i32 to index
    %swap3A_141 = arith.constant 96 : index
    %swap3A_142 = tpu.vector_load %arg9[%swap3A_140, %swap3A_141] {strides = array<i32>} : memref<2x128xi32, #tpu.memory_space<vmem>>, vector<16xi32>,
    tpu.vector_store %arg9[%swap3A_140, %swap3A_141], %shift_right_logical3A_138 {strides = array<i32>} : memref<2x128xi32, #tpu.memory_space<vmem>>, vector<16xi32>,
    %get3A_143 = arith.constant 0 : i32
    %get3A_144 = arith.index_cast %get3A_143 : i32 to index
    %get3A_145 = arith.constant 112 : index
    %get3A_146 = tpu.vector_load %arg5[%get3A_144, %get3A_145] {strides = array<i32>} : memref<80x128xi32, #tpu.memory_space<vmem>>, vector<16xi32>,
    %and3A_147 = arith.constant 65535 : i32
    %and3A_148 = vector.broadcast %and3A_147 : i32 to vector<16xi32>
    %and3A_149 = arith.andi %get3A_146, %and3A_148 : vector<16xi32>
    %swap3A_150 = arith.constant 0 : i32
    %swap3A_151 = arith.index_cast %swap3A_150 : i32 to index
    %swap3A_152 = arith.constant 112 : index
    %swap3A_153 = tpu.vector_load %arg8[%swap3A_151, %swap3A_152] {strides = array<i32>} : memref<2x128xi32, #tpu.memory_space<vmem>>, vector<16xi32>,
    tpu.vector_store %arg8[%swap3A_151, %swap3A_152], %and3A_149 {strides = array<i32>} : memref<2x128xi32, #tpu.memory_space<vmem>>, vector<16xi32>,
    %shift_right_logical3A_154 = arith.constant 16 : i32
    %shift_right_logical3A_155 = vector.broadcast %shift_right_logical3A_154 : i32 to vector<16xi32>
    %shift_right_logical3A_156 = arith.shrui %get3A_146, %shift_right_logical3A_155 : vector<16xi32>
    %swap3A_157 = arith.constant 0 : i32
    %swap3A_158 = arith.index_cast %swap3A_157 : i32 to index
    %swap3A_159 = arith.constant 112 : index
    %swap3A_160 = tpu.vector_load %arg9[%swap3A_158, %swap3A_159] {strides = array<i32>} : memref<2x128xi32, #tpu.memory_space<vmem>>, vector<16xi32>,
    tpu.vector_store %arg9[%swap3A_158, %swap3A_159], %shift_right_logical3A_156 {strides = array<i32>} : memref<2x128xi32, #tpu.memory_space<vmem>>, vector<16xi32>,
    %get3A_161 = arith.constant 1 : i32
    %get3A_162 = arith.index_cast %get3A_161 : i32 to index
    %get3A_163 = arith.constant 0 : index
    %get3A_164 = tpu.vector_load %arg5[%get3A_162, %get3A_163] {strides = array<i32>} : memref<80x128xi32, #tpu.memory_space<vmem>>, vector<16xi32>,
    %and3A_165 = arith.constant 65535 : i32
    %and3A_166 = vector.broadcast %and3A_165 : i32 to vector<16xi32>
    %and3A_167 = arith.andi %get3A_164, %and3A_166 : vector<16xi32>
    %swap3A_168 = arith.constant 1 : i32
    %swap3A_169 = arith.index_cast %swap3A_168 : i32 to index
    %swap3A_170 = arith.constant 0 : index
    %swap3A_171 = tpu.vector_load %arg8[%swap3A_169, %swap3A_170] {strides = array<i32>} : memref<2x128xi32, #tpu.memory_space<vmem>>, vector<16xi32>,
    tpu.vector_store %arg8[%swap3A_169, %swap3A_170], %and3A_167 {strides = array<i32>} : memref<2x128xi32, #tpu.memory_space<vmem>>, vector<16xi32>,
    %shift_right_logical3A_172 = arith.constant 16 : i32
    %shift_right_logical3A_173 = vector.broadcast %shift_right_logical3A_172 : i32 to vector<16xi32>
    %shift_right_logical3A_174 = arith.shrui %get3A_164, %shift_right_logical3A_173 : vector<16xi32>
    %swap3A_175 = arith.constant 1 : i32
    %swap3A_176 = arith.index_cast %swap3A_175 : i32 to index
    %swap3A_177 = arith.constant 0 : index
    %swap3A_178 = tpu.vector_load %arg9[%swap3A_176, %swap3A_177] {strides = array<i32>} : memref<2x128xi32, #tpu.memory_space<vmem>>, vector<16xi32>,
    tpu.vector_store %arg9[%swap3A_176, %swap3A_177], %shift_right_logical3A_174 {strides = array<i32>} : memref<2x128xi32, #tpu.memory_space<vmem>>, vector<16xi32>,
    %get3A_179 = arith.constant 1 : i32
    %get3A_180 = arith.index_cast %get3A_179 : i32 to index
    %get3A_181 = arith.constant 16 : index
    %get3A_182 = tpu.vector_load %arg5[%get3A_180, %get3A_181] {strides = array<i32>} : memref<80x128xi32, #tpu.memory_space<vmem>>, vector<16xi32>,
    %and3A_183 = arith.constant 65535 : i32
    %and3A_184 = vector.broadcast %and3A_183 : i32 to vector<16xi32>
    %and3A_185 = arith.andi %get3A_182, %and3A_184 : vector<16xi32>
    %swap3A_186 = arith.constant 1 : i32
    %swap3A_187 = arith.index_cast %swap3A_186 : i32 to index
    %swap3A_188 = arith.constant 16 : index
    %swap3A_189 = tpu.vector_load %arg8[%swap3A_187, %swap3A_188] {strides = array<i32>} : memref<2x128xi32, #tpu.memory_space<vmem>>, vector<16xi32>,
    tpu.vector_store %arg8[%swap3A_187, %swap3A_188], %and3A_185 {strides = array<i32>} : memref<2x128xi32, #tpu.memory_space<vmem>>, vector<16xi32>,
    %shift_right_logical3A_190 = arith.constant 16 : i32
    %shift_right_logical3A_191 = vector.broadcast %shift_right_logical3A_190 : i32 to vector<16xi32>
    %shift_right_logical3A_192 = arith.shrui %get3A_182, %shift_right_logical3A_191 : vector<16xi32>
    %swap3A_193 = arith.constant 1 : i32
    %swap3A_194 = arith.index_cast %swap3A_193 : i32 to index
    %swap3A_195 = arith.constant 16 : index
    %swap3A_196 = tpu.vector_load %arg9[%swap3A_194, %swap3A_195] {strides = array<i32>} : memref<2x128xi32, #tpu.memory_space<vmem>>, vector<16xi32>,
    tpu.vector_store %arg9[%swap3A_194, %swap3A_195], %shift_right_logical3A_192 {strides = array<i32>} : memref<2x128xi32, #tpu.memory_space<vmem>>, vector<16xi32>,
    %get3A_197 = arith.constant 1 : i32
    %get3A_198 = arith.index_cast %get3A_197 : i32 to index
    %get3A_199 = arith.constant 32 : index
    %get3A_200 = tpu.vector_load %arg5[%get3A_198, %get3A_199] {strides = array<i32>} : memref<80x128xi32, #tpu.memory_space<vmem>>, vector<16xi32>,
    %and3A_201 = arith.constant 65535 : i32
    %and3A_202 = vector.broadcast %and3A_201 : i32 to vector<16xi32>
    %and3A_203 = arith.andi %get3A_200, %and3A_202 : vector<16xi32>
    %swap3A_204 = arith.constant 1 : i32
    %swap3A_205 = arith.index_cast %swap3A_204 : i32 to index
    %swap3A_206 = arith.constant 32 : index
    %swap3A_207 = tpu.vector_load %arg8[%swap3A_205, %swap3A_206] {strides = array<i32>} : memref<2x128xi32, #tpu.memory_space<vmem>>, vector<16xi32>,
    tpu.vector_store %arg8[%swap3A_205, %swap3A_206], %and3A_203 {strides = array<i32>} : memref<2x128xi32, #tpu.memory_space<vmem>>, vector<16xi32>,
    %shift_right_logical3A_208 = arith.constant 16 : i32
    %shift_right_logical3A_209 = vector.broadcast %shift_right_logical3A_208 : i32 to vector<16xi32>
    %shift_right_logical3A_210 = arith.shrui %get3A_200, %shift_right_logical3A_209 : vector<16xi32>
    %swap3A_211 = arith.constant 1 : i32
    %swap3A_212 = arith.index_cast %swap3A_211 : i32 to index
    %swap3A_213 = arith.constant 32 : index
    %swap3A_214 = tpu.vector_load %arg9[%swap3A_212, %swap3A_213] {strides = array<i32>} : memref<2x128xi32, #tpu.memory_space<vmem>>, vector<16xi32>,
    tpu.vector_store %arg9[%swap3A_212, %swap3A_213], %shift_right_logical3A_210 {strides = array<i32>} : memref<2x128xi32, #tpu.memory_space<vmem>>, vector<16xi32>,
    %get3A_215 = arith.constant 1 : i32
    %get3A_216 = arith.index_cast %get3A_215 : i32 to index
    %get3A_217 = arith.constant 48 : index
    %get3A_218 = tpu.vector_load %arg5[%get3A_216, %get3A_217] {strides = array<i32>} : memref<80x128xi32, #tpu.memory_space<vmem>>, vector<16xi32>,
    %and3A_219 = arith.constant 65535 : i32
    %and3A_220 = vector.broadcast %and3A_219 : i32 to vector<16xi32>
    %and3A_221 = arith.andi %get3A_218, %and3A_220 : vector<16xi32>
    %swap3A_222 = arith.constant 1 : i32
    %swap3A_223 = arith.index_cast %swap3A_222 : i32 to index
    %swap3A_224 = arith.constant 48 : index
    %swap3A_225 = tpu.vector_load %arg8[%swap3A_223, %swap3A_224] {strides = array<i32>} : memref<2x128xi32, #tpu.memory_space<vmem>>, vector<16xi32>,
    tpu.vector_store %arg8[%swap3A_223, %swap3A_224], %and3A_221 {strides = array<i32>} : memref<2x128xi32, #tpu.memory_space<vmem>>, vector<16xi32>,
    %shift_right_logical3A_226 = arith.constant 16 : i32
    %shift_right_logical3A_227 = vector.broadcast %shift_right_logical3A_226 : i32 to vector<16xi32>
    %shift_right_logical3A_228 = arith.shrui %get3A_218, %shift_right_logical3A_227 : vector<16xi32>
    %swap3A_229 = arith.constant 1 : i32
    %swap3A_230 = arith.index_cast %swap3A_229 : i32 to index
    %swap3A_231 = arith.constant 48 : index
    %swap3A_232 = tpu.vector_load %arg9[%swap3A_230, %swap3A_231] {strides = array<i32>} : memref<2x128xi32, #tpu.memory_space<vmem>>, vector<16xi32>,
    tpu.vector_store %arg9[%swap3A_230, %swap3A_231], %shift_right_logical3A_228 {strides = array<i32>} : memref<2x128xi32, #tpu.memory_space<vmem>>, vector<16xi32>,
    %get3A_233 = arith.constant 1 : i32
    %get3A_234 = arith.index_cast %get3A_233 : i32 to index
    %get3A_235 = arith.constant 64 : index
    %get3A_236 = tpu.vector_load %arg5[%get3A_234, %get3A_235] {strides = array<i32>} : memref<80x128xi32, #tpu.memory_space<vmem>>, vector<16xi32>,
    %and3A_237 = arith.constant 65535 : i32
    %and3A_238 = vector.broadcast %and3A_237 : i32 to vector<16xi32>
    %and3A_239 = arith.andi %get3A_236, %and3A_238 : vector<16xi32>
    %swap3A_240 = arith.constant 1 : i32
    %swap3A_241 = arith.index_cast %swap3A_240 : i32 to index
    %swap3A_242 = arith.constant 64 : index
    %swap3A_243 = tpu.vector_load %arg8[%swap3A_241, %swap3A_242] {strides = array<i32>} : memref<2x128xi32, #tpu.memory_space<vmem>>, vector<16xi32>,
    tpu.vector_store %arg8[%swap3A_241, %swap3A_242], %and3A_239 {strides = array<i32>} : memref<2x128xi32, #tpu.memory_space<vmem>>, vector<16xi32>,
    %shift_right_logical3A_244 = arith.constant 16 : i32
    %shift_right_logical3A_245 = vector.broadcast %shift_right_logical3A_244 : i32 to vector<16xi32>
    %shift_right_logical3A_246 = arith.shrui %get3A_236, %shift_right_logical3A_245 : vector<16xi32>
    %swap3A_247 = arith.constant 1 : i32
    %swap3A_248 = arith.index_cast %swap3A_247 : i32 to index
    %swap3A_249 = arith.constant 64 : index
    %swap3A_250 = tpu.vector_load %arg9[%swap3A_248, %swap3A_249] {strides = array<i32>} : memref<2x128xi32, #tpu.memory_space<vmem>>, vector<16xi32>,
    tpu.vector_store %arg9[%swap3A_248, %swap3A_249], %shift_right_logical3A_246 {strides = array<i32>} : memref<2x128xi32, #tpu.memory_space<vmem>>, vector<16xi32>,
    %get3A_251 = arith.constant 1 : i32
    %get3A_252 = arith.index_cast %get3A_251 : i32 to index
    %get3A_253 = arith.constant 80 : index
    %get3A_254 = tpu.vector_load %arg5[%get3A_252, %get3A_253] {strides = array<i32>} : memref<80x128xi32, #tpu.memory_space<vmem>>, vector<16xi32>,
    %and3A_255 = arith.constant 65535 : i32
    %and3A_256 = vector.broadcast %and3A_255 : i32 to vector<16xi32>
    %and3A_257 = arith.andi %get3A_254, %and3A_256 : vector<16xi32>
    %swap3A_258 = arith.constant 1 : i32
    %swap3A_259 = arith.index_cast %swap3A_258 : i32 to index
    %swap3A_260 = arith.constant 80 : index
    %swap3A_261 = tpu.vector_load %arg8[%swap3A_259, %swap3A_260] {strides = array<i32>} : memref<2x128xi32, #tpu.memory_space<vmem>>, vector<16xi32>,
    tpu.vector_store %arg8[%swap3A_259, %swap3A_260], %and3A_257 {strides = array<i32>} : memref<2x128xi32, #tpu.memory_space<vmem>>, vector<16xi32>,
    %shift_right_logical3A_262 = arith.constant 16 : i32
    %shift_right_logical3A_263 = vector.broadcast %shift_right_logical3A_262 : i32 to vector<16xi32>
    %shift_right_logical3A_264 = arith.shrui %get3A_254, %shift_right_logical3A_263 : vector<16xi32>
    %swap3A_265 = arith.constant 1 : i32
    %swap3A_266 = arith.index_cast %swap3A_265 : i32 to index
    %swap3A_267 = arith.constant 80 : index
    %swap3A_268 = tpu.vector_load %arg9[%swap3A_266, %swap3A_267] {strides = array<i32>} : memref<2x128xi32, #tpu.memory_space<vmem>>, vector<16xi32>,
    tpu.vector_store %arg9[%swap3A_266, %swap3A_267], %shift_right_logical3A_264 {strides = array<i32>} : memref<2x128xi32, #tpu.memory_space<vmem>>, vector<16xi32>,
    %get3A_269 = arith.constant 1 : i32
    %get3A_270 = arith.index_cast %get3A_269 : i32 to index
    %get3A_271 = arith.constant 96 : index
    %get3A_272 = tpu.vector_load %arg5[%get3A_270, %get3A_271] {strides = array<i32>} : memref<80x128xi32, #tpu.memory_space<vmem>>, vector<16xi32>,
    %and3A_273 = arith.constant 65535 : i32
    %and3A_274 = vector.broadcast %and3A_273 : i32 to vector<16xi32>
    %and3A_275 = arith.andi %get3A_272, %and3A_274 : vector<16xi32>
    %swap3A_276 = arith.constant 1 : i32
    %swap3A_277 = arith.index_cast %swap3A_276 : i32 to index
    %swap3A_278 = arith.constant 96 : index
    %swap3A_279 = tpu.vector_load %arg8[%swap3A_277, %swap3A_278] {strides = array<i32>} : memref<2x128xi32, #tpu.memory_space<vmem>>, vector<16xi32>,
    tpu.vector_store %arg8[%swap3A_277, %swap3A_278], %and3A_275 {strides = array<i32>} : memref<2x128xi32, #tpu.memory_space<vmem>>, vector<16xi32>,
    %shift_right_logical3A_280 = arith.constant 16 : i32
    %shift_right_logical3A_281 = vector.broadcast %shift_right_logical3A_280 : i32 to vector<16xi32>
    %shift_right_logical3A_282 = arith.shrui %get3A_272, %shift_right_logical3A_281 : vector<16xi32>
    %swap3A_283 = arith.constant 1 : i32
    %swap3A_284 = arith.index_cast %swap3A_283 : i32 to index
    %swap3A_285 = arith.constant 96 : index
    %swap3A_286 = tpu.vector_load %arg9[%swap3A_284, %swap3A_285] {strides = array<i32>} : memref<2x128xi32, #tpu.memory_space<vmem>>, vector<16xi32>,
    tpu.vector_store %arg9[%swap3A_284, %swap3A_285], %shift_right_logical3A_282 {strides = array<i32>} : memref<2x128xi32, #tpu.memory_space<vmem>>, vector<16xi32>,
    %get3A_287 = arith.constant 1 : i32
    %get3A_288 = arith.index_cast %get3A_287 : i32 to index
    %get3A_289 = arith.constant 112 : index
    %get3A_290 = tpu.vector_load %arg5[%get3A_288, %get3A_289] {strides = array<i32>} : memref<80x128xi32, #tpu.memory_space<vmem>>, vector<16xi32>,
    %and3A_291 = arith.constant 65535 : i32
    %and3A_292 = vector.broadcast %and3A_291 : i32 to vector<16xi32>
    %and3A_293 = arith.andi %get3A_290, %and3A_292 : vector<16xi32>
    %swap3A_294 = arith.constant 1 : i32
    %swap3A_295 = arith.index_cast %swap3A_294 : i32 to index
    %swap3A_296 = arith.constant 112 : index
    %swap3A_297 = tpu.vector_load %arg8[%swap3A_295, %swap3A_296] {strides = array<i32>} : memref<2x128xi32, #tpu.memory_space<vmem>>, vector<16xi32>,
    tpu.vector_store %arg8[%swap3A_295, %swap3A_296], %and3A_293 {strides = array<i32>} : memref<2x128xi32, #tpu.memory_space<vmem>>, vector<16xi32>,
    %shift_right_logical3A_298 = arith.constant 16 : i32
    %shift_right_logical3A_299 = vector.broadcast %shift_right_logical3A_298 : i32 to vector<16xi32>
    %shift_right_logical3A_300 = arith.shrui %get3A_290, %shift_right_logical3A_299 : vector<16xi32>
    %swap3A_301 = arith.constant 1 : i32
    %swap3A_302 = arith.index_cast %swap3A_301 : i32 to index
    %swap3A_303 = arith.constant 112 : index
    %swap3A_304 = tpu.vector_load %arg9[%swap3A_302, %swap3A_303] {strides = array<i32>} : memref<2x128xi32, #tpu.memory_space<vmem>>, vector<16xi32>,
    tpu.vector_store %arg9[%swap3A_302, %swap3A_303], %shift_right_logical3A_300 {strides = array<i32>} : memref<2x128xi32, #tpu.memory_space<vmem>>, vector<16xi32>,
    %dma_start3A = arith.constant 0 : i32
    %dma_start3A_305 = arith.constant 0 : i32
    %dma_start3A_306 = tpu.memref_slice %arg8[%dma_start3A, %dma_start3A_305] : memref<2x128xi32, #tpu.memory_space<vmem>> -> memref<1x128xi32, #tpu.memory_space<vmem>>
    %dma_start3A_307 = tpu.memref_squeeze %dma_start3A_306 : memref<1x128xi32, #tpu.memory_space<vmem>> -> memref<128xi32, #tpu.memory_space<vmem>>
    %dma_start3A_308 = arith.constant 0 : i32
    %dma_start3A_309 = arith.constant 0 : i32
    %dma_start3A_310 = tpu.memref_slice %arg2[%dma_start3A_308, %dma_start3A_309] : memref<10000x128xf32, #tpu.memory_space<hbm>> -> memref<10000x128xf32, #tpu.memory_space<hbm>>
    tpu.enqueue_indirect_dma source(%dma_start3A_310 : memref<10000x128xf32, #tpu.memory_space<hbm>>) target(%arg6 : memref<128x128xf32, #tpu.memory_space<vmem>>) offsets(%dma_start3A_307 : memref<128xi32, #tpu.memory_space<vmem>>) semaphore(%arg10 : memref<!tpu.dma_semaphore, #tpu.memory_space<semaphore_mem>>)
    %dma_start3A_311 = arith.constant 1 : i32
    %dma_start3A_312 = arith.constant 0 : i32
    %dma_start3A_313 = tpu.memref_slice %arg8[%dma_start3A_311, %dma_start3A_312] : memref<2x128xi32, #tpu.memory_space<vmem>> -> memref<1x128xi32, #tpu.memory_space<vmem>>
    %dma_start3A_314 = tpu.memref_squeeze %dma_start3A_313 : memref<1x128xi32, #tpu.memory_space<vmem>> -> memref<128xi32, #tpu.memory_space<vmem>>
    %dma_start3A_315 = arith.constant 0 : i32
    %dma_start3A_316 = arith.constant 0 : i32
    %dma_start3A_317 = tpu.memref_slice %arg2[%dma_start3A_315, %dma_start3A_316] : memref<10000x128xf32, #tpu.memory_space<hbm>> -> memref<10000x128xf32, #tpu.memory_space<hbm>>
    tpu.enqueue_indirect_dma source(%dma_start3A_317 : memref<10000x128xf32, #tpu.memory_space<hbm>>) target(%arg7 : memref<128x128xf32, #tpu.memory_space<vmem>>) offsets(%dma_start3A_314 : memref<128xi32, #tpu.memory_space<vmem>>) semaphore(%arg11 : memref<!tpu.dma_semaphore, #tpu.memory_space<semaphore_mem>>)
    %scan3A_318 = arith.constant 0 : i32
    %scan3A_319 = arith.constant 0 : i32
    %scan3A_320 = arith.constant 39 : i32
    %scan3A_321 = arith.addi %scan3A_319, %scan3A_320 : i32
    %scan3A_322 = arith.constant 1 : i32
    scf.for %scan3A_339 = %scan3A_319 to %scan3A_321 step %scan3A_322  : i32 {
      %mul3A_340 = arith.constant 2 : i32
      %mul3A_341 = arith.muli %mul3A_340, %scan3A_339 : i32
      %dma_wait3A_342 = arith.constant 0 : i32
      %dma_wait3A_343 = arith.constant 0 : i32
      %dma_wait3A_344 = tpu.memref_slice %arg8[%dma_wait3A_342, %dma_wait3A_343] : memref<2x128xi32, #tpu.memory_space<vmem>> -> memref<1x128xi32, #tpu.memory_space<vmem>>
      %dma_wait3A_345 = tpu.memref_squeeze %dma_wait3A_344 : memref<1x128xi32, #tpu.memory_space<vmem>> -> memref<128xi32, #tpu.memory_space<vmem>>
      %dma_wait3A_346 = arith.constant 0 : i32
      %dma_wait3A_347 = arith.constant 0 : i32
      %dma_wait3A_348 = tpu.memref_slice %arg2[%dma_wait3A_346, %dma_wait3A_347] : memref<10000x128xf32, #tpu.memory_space<hbm>> -> memref<10000x128xf32, #tpu.memory_space<hbm>>
      tpu.wait_indirect_dma semaphore(%arg10 : memref<!tpu.dma_semaphore, #tpu.memory_space<semaphore_mem>>) src(%dma_wait3A_348 : memref<10000x128xf32, #tpu.memory_space<hbm>>) dst(%arg6 : memref<128x128xf32, #tpu.memory_space<vmem>>)
      %run_scoped3A_349 = arith.constant 0 : i32
      "tpu.region"() ({
        %run_scoped3A_648 = tpu.sem_alloc : memref<!tpu.dma_semaphore, #tpu.memory_space<semaphore_mem>>
        %dma_start3A_649 = arith.constant 0 : i32
        %dma_start3A_650 = tpu.memref_slice %arg9[%run_scoped3A_349, %dma_start3A_649] : memref<2x128xi32, #tpu.memory_space<vmem>> -> memref<1x128xi32, #tpu.memory_space<vmem>>
        %dma_start3A_651 = tpu.memref_squeeze %dma_start3A_650 : memref<1x128xi32, #tpu.memory_space<vmem>> -> memref<128xi32, #tpu.memory_space<vmem>>
        %dma_start3A_652 = arith.constant 0 : i32
        %dma_start3A_653 = arith.constant 0 : i32
        %dma_start3A_654 = tpu.memref_slice %arg12[%dma_start3A_652, %dma_start3A_653] : memref<10112x128xf32, #tpu.memory_space<vmem_shared>> -> memref<10112x128xf32, #tpu.memory_space<vmem_shared>>
        tpu.enqueue_indirect_dma source(%arg6 : memref<128x128xf32, #tpu.memory_space<vmem>>) target(%dma_start3A_654 : memref<10112x128xf32, #tpu.memory_space<vmem_shared>>) offsets(%dma_start3A_651 : memref<128xi32, #tpu.memory_space<vmem>>) semaphore(%run_scoped3A_648 : memref<!tpu.dma_semaphore, #tpu.memory_space<semaphore_mem>>) {add = true}
        %dma_wait3A_655 = arith.constant 0 : i32
        %dma_wait3A_656 = tpu.memref_slice %arg9[%run_scoped3A_349, %dma_wait3A_655] : memref<2x128xi32, #tpu.memory_space<vmem>> -> memref<1x128xi32, #tpu.memory_space<vmem>>
        %dma_wait3A_657 = tpu.memref_squeeze %dma_wait3A_656 : memref<1x128xi32, #tpu.memory_space<vmem>> -> memref<128xi32, #tpu.memory_space<vmem>>
        %dma_wait3A_658 = arith.constant 0 : i32
        %dma_wait3A_659 = arith.constant 0 : i32
        %dma_wait3A_660 = tpu.memref_slice %arg12[%dma_wait3A_658, %dma_wait3A_659] : memref<10112x128xf32, #tpu.memory_space<vmem_shared>> -> memref<10112x128xf32, #tpu.memory_space<vmem_shared>>
        tpu.wait_indirect_dma semaphore(%run_scoped3A_648 : memref<!tpu.dma_semaphore, #tpu.memory_space<semaphore_mem>>) src(%arg6 : memref<128x128xf32, #tpu.memory_space<vmem>>) dst(%dma_wait3A_660 : memref<10112x128xf32, #tpu.memory_space<vmem_shared>>)
        tpu.yield
      }) : () -> ()
      %add3A_350 = arith.constant 2 : i32
      %add3A_351 = arith.addi %mul3A_341, %add3A_350 : i32
      %get3A_352 = arith.index_cast %add3A_351 : i32 to index
      %get3A_353 = arith.constant 0 : index
      %get3A_354 = tpu.vector_load %arg5[%get3A_352, %get3A_353] {strides = array<i32>} : memref<80x128xi32, #tpu.memory_space<vmem>>, vector<16xi32>,
      %and3A_355 = arith.constant 65535 : i32
      %and3A_356 = vector.broadcast %and3A_355 : i32 to vector<16xi32>
      %and3A_357 = arith.andi %get3A_354, %and3A_356 : vector<16xi32>
      %swap3A_358 = arith.constant 0 : i32
      %swap3A_359 = arith.index_cast %swap3A_358 : i32 to index
      %swap3A_360 = arith.constant 0 : index
      %swap3A_361 = tpu.vector_load %arg8[%swap3A_359, %swap3A_360] {strides = array<i32>} : memref<2x128xi32, #tpu.memory_space<vmem>>, vector<16xi32>,
      tpu.vector_store %arg8[%swap3A_359, %swap3A_360], %and3A_357 {strides = array<i32>} : memref<2x128xi32, #tpu.memory_space<vmem>>, vector<16xi32>,
      %shift_right_logical3A_362 = arith.constant 16 : i32
      %shift_right_logical3A_363 = vector.broadcast %shift_right_logical3A_362 : i32 to vector<16xi32>
      %shift_right_logical3A_364 = arith.shrui %get3A_354, %shift_right_logical3A_363 : vector<16xi32>
      %swap3A_365 = arith.constant 0 : i32
      %swap3A_366 = arith.index_cast %swap3A_365 : i32 to index
      %swap3A_367 = arith.constant 0 : index
      %swap3A_368 = tpu.vector_load %arg9[%swap3A_366, %swap3A_367] {strides = array<i32>} : memref<2x128xi32, #tpu.memory_space<vmem>>, vector<16xi32>,
      tpu.vector_store %arg9[%swap3A_366, %swap3A_367], %shift_right_logical3A_364 {strides = array<i32>} : memref<2x128xi32, #tpu.memory_space<vmem>>, vector<16xi32>,
      %get3A_369 = arith.index_cast %add3A_351 : i32 to index
      %get3A_370 = arith.constant 16 : index
      %get3A_371 = tpu.vector_load %arg5[%get3A_369, %get3A_370] {strides = array<i32>} : memref<80x128xi32, #tpu.memory_space<vmem>>, vector<16xi32>,
      %and3A_372 = arith.constant 65535 : i32
      %and3A_373 = vector.broadcast %and3A_372 : i32 to vector<16xi32>
      %and3A_374 = arith.andi %get3A_371, %and3A_373 : vector<16xi32>
      %swap3A_375 = arith.constant 0 : i32
      %swap3A_376 = arith.index_cast %swap3A_375 : i32 to index
      %swap3A_377 = arith.constant 16 : index
      %swap3A_378 = tpu.vector_load %arg8[%swap3A_376, %swap3A_377] {strides = array<i32>} : memref<2x128xi32, #tpu.memory_space<vmem>>, vector<16xi32>,
      tpu.vector_store %arg8[%swap3A_376, %swap3A_377], %and3A_374 {strides = array<i32>} : memref<2x128xi32, #tpu.memory_space<vmem>>, vector<16xi32>,
      %shift_right_logical3A_379 = arith.constant 16 : i32
      %shift_right_logical3A_380 = vector.broadcast %shift_right_logical3A_379 : i32 to vector<16xi32>
      %shift_right_logical3A_381 = arith.shrui %get3A_371, %shift_right_logical3A_380 : vector<16xi32>
      %swap3A_382 = arith.constant 0 : i32
      %swap3A_383 = arith.index_cast %swap3A_382 : i32 to index
      %swap3A_384 = arith.constant 16 : index
      %swap3A_385 = tpu.vector_load %arg9[%swap3A_383, %swap3A_384] {strides = array<i32>} : memref<2x128xi32, #tpu.memory_space<vmem>>, vector<16xi32>,
      tpu.vector_store %arg9[%swap3A_383, %swap3A_384], %shift_right_logical3A_381 {strides = array<i32>} : memref<2x128xi32, #tpu.memory_space<vmem>>, vector<16xi32>,
      %get3A_386 = arith.index_cast %add3A_351 : i32 to index
      %get3A_387 = arith.constant 32 : index
      %get3A_388 = tpu.vector_load %arg5[%get3A_386, %get3A_387] {strides = array<i32>} : memref<80x128xi32, #tpu.memory_space<vmem>>, vector<16xi32>,
      %and3A_389 = arith.constant 65535 : i32
      %and3A_390 = vector.broadcast %and3A_389 : i32 to vector<16xi32>
      %and3A_391 = arith.andi %get3A_388, %and3A_390 : vector<16xi32>
      %swap3A_392 = arith.constant 0 : i32
      %swap3A_393 = arith.index_cast %swap3A_392 : i32 to index
      %swap3A_394 = arith.constant 32 : index
      %swap3A_395 = tpu.vector_load %arg8[%swap3A_393, %swap3A_394] {strides = array<i32>} : memref<2x128xi32, #tpu.memory_space<vmem>>, vector<16xi32>,
      tpu.vector_store %arg8[%swap3A_393, %swap3A_394], %and3A_391 {strides = array<i32>} : memref<2x128xi32, #tpu.memory_space<vmem>>, vector<16xi32>,
      %shift_right_logical3A_396 = arith.constant 16 : i32
      %shift_right_logical3A_397 = vector.broadcast %shift_right_logical3A_396 : i32 to vector<16xi32>
      %shift_right_logical3A_398 = arith.shrui %get3A_388, %shift_right_logical3A_397 : vector<16xi32>
      %swap3A_399 = arith.constant 0 : i32
      %swap3A_400 = arith.index_cast %swap3A_399 : i32 to index
      %swap3A_401 = arith.constant 32 : index
      %swap3A_402 = tpu.vector_load %arg9[%swap3A_400, %swap3A_401] {strides = array<i32>} : memref<2x128xi32, #tpu.memory_space<vmem>>, vector<16xi32>,
      tpu.vector_store %arg9[%swap3A_400, %swap3A_401], %shift_right_logical3A_398 {strides = array<i32>} : memref<2x128xi32, #tpu.memory_space<vmem>>, vector<16xi32>,
      %get3A_403 = arith.index_cast %add3A_351 : i32 to index
      %get3A_404 = arith.constant 48 : index
      %get3A_405 = tpu.vector_load %arg5[%get3A_403, %get3A_404] {strides = array<i32>} : memref<80x128xi32, #tpu.memory_space<vmem>>, vector<16xi32>,
      %and3A_406 = arith.constant 65535 : i32
      %and3A_407 = vector.broadcast %and3A_406 : i32 to vector<16xi32>
      %and3A_408 = arith.andi %get3A_405, %and3A_407 : vector<16xi32>
      %swap3A_409 = arith.constant 0 : i32
      %swap3A_410 = arith.index_cast %swap3A_409 : i32 to index
      %swap3A_411 = arith.constant 48 : index
      %swap3A_412 = tpu.vector_load %arg8[%swap3A_410, %swap3A_411] {strides = array<i32>} : memref<2x128xi32, #tpu.memory_space<vmem>>, vector<16xi32>,
      tpu.vector_store %arg8[%swap3A_410, %swap3A_411], %and3A_408 {strides = array<i32>} : memref<2x128xi32, #tpu.memory_space<vmem>>, vector<16xi32>,
      %shift_right_logical3A_413 = arith.constant 16 : i32
      %shift_right_logical3A_414 = vector.broadcast %shift_right_logical3A_413 : i32 to vector<16xi32>
      %shift_right_logical3A_415 = arith.shrui %get3A_405, %shift_right_logical3A_414 : vector<16xi32>
      %swap3A_416 = arith.constant 0 : i32
      %swap3A_417 = arith.index_cast %swap3A_416 : i32 to index
      %swap3A_418 = arith.constant 48 : index
      %swap3A_419 = tpu.vector_load %arg9[%swap3A_417, %swap3A_418] {strides = array<i32>} : memref<2x128xi32, #tpu.memory_space<vmem>>, vector<16xi32>,
      tpu.vector_store %arg9[%swap3A_417, %swap3A_418], %shift_right_logical3A_415 {strides = array<i32>} : memref<2x128xi32, #tpu.memory_space<vmem>>, vector<16xi32>,
      %get3A_420 = arith.index_cast %add3A_351 : i32 to index
      %get3A_421 = arith.constant 64 : index
      %get3A_422 = tpu.vector_load %arg5[%get3A_420, %get3A_421] {strides = array<i32>} : memref<80x128xi32, #tpu.memory_space<vmem>>, vector<16xi32>,
      %and3A_423 = arith.constant 65535 : i32
      %and3A_424 = vector.broadcast %and3A_423 : i32 to vector<16xi32>
      %and3A_425 = arith.andi %get3A_422, %and3A_424 : vector<16xi32>
      %swap3A_426 = arith.constant 0 : i32
      %swap3A_427 = arith.index_cast %swap3A_426 : i32 to index
      %swap3A_428 = arith.constant 64 : index
      %swap3A_429 = tpu.vector_load %arg8[%swap3A_427, %swap3A_428] {strides = array<i32>} : memref<2x128xi32, #tpu.memory_space<vmem>>, vector<16xi32>,
      tpu.vector_store %arg8[%swap3A_427, %swap3A_428], %and3A_425 {strides = array<i32>} : memref<2x128xi32, #tpu.memory_space<vmem>>, vector<16xi32>,
      %shift_right_logical3A_430 = arith.constant 16 : i32
      %shift_right_logical3A_431 = vector.broadcast %shift_right_logical3A_430 : i32 to vector<16xi32>
      %shift_right_logical3A_432 = arith.shrui %get3A_422, %shift_right_logical3A_431 : vector<16xi32>
      %swap3A_433 = arith.constant 0 : i32
      %swap3A_434 = arith.index_cast %swap3A_433 : i32 to index
      %swap3A_435 = arith.constant 64 : index
      %swap3A_436 = tpu.vector_load %arg9[%swap3A_434, %swap3A_435] {strides = array<i32>} : memref<2x128xi32, #tpu.memory_space<vmem>>, vector<16xi32>,
      tpu.vector_store %arg9[%swap3A_434, %swap3A_435], %shift_right_logical3A_432 {strides = array<i32>} : memref<2x128xi32, #tpu.memory_space<vmem>>, vector<16xi32>,
      %get3A_437 = arith.index_cast %add3A_351 : i32 to index
      %get3A_438 = arith.constant 80 : index
      %get3A_439 = tpu.vector_load %arg5[%get3A_437, %get3A_438] {strides = array<i32>} : memref<80x128xi32, #tpu.memory_space<vmem>>, vector<16xi32>,
      %and3A_440 = arith.constant 65535 : i32
      %and3A_441 = vector.broadcast %and3A_440 : i32 to vector<16xi32>
      %and3A_442 = arith.andi %get3A_439, %and3A_441 : vector<16xi32>
      %swap3A_443 = arith.constant 0 : i32
      %swap3A_444 = arith.index_cast %swap3A_443 : i32 to index
      %swap3A_445 = arith.constant 80 : index
      %swap3A_446 = tpu.vector_load %arg8[%swap3A_444, %swap3A_445] {strides = array<i32>} : memref<2x128xi32, #tpu.memory_space<vmem>>, vector<16xi32>,
      tpu.vector_store %arg8[%swap3A_444, %swap3A_445], %and3A_442 {strides = array<i32>} : memref<2x128xi32, #tpu.memory_space<vmem>>, vector<16xi32>,
      %shift_right_logical3A_447 = arith.constant 16 : i32
      %shift_right_logical3A_448 = vector.broadcast %shift_right_logical3A_447 : i32 to vector<16xi32>
      %shift_right_logical3A_449 = arith.shrui %get3A_439, %shift_right_logical3A_448 : vector<16xi32>
      %swap3A_450 = arith.constant 0 : i32
      %swap3A_451 = arith.index_cast %swap3A_450 : i32 to index
      %swap3A_452 = arith.constant 80 : index
      %swap3A_453 = tpu.vector_load %arg9[%swap3A_451, %swap3A_452] {strides = array<i32>} : memref<2x128xi32, #tpu.memory_space<vmem>>, vector<16xi32>,
      tpu.vector_store %arg9[%swap3A_451, %swap3A_452], %shift_right_logical3A_449 {strides = array<i32>} : memref<2x128xi32, #tpu.memory_space<vmem>>, vector<16xi32>,
      %get3A_454 = arith.index_cast %add3A_351 : i32 to index
      %get3A_455 = arith.constant 96 : index
      %get3A_456 = tpu.vector_load %arg5[%get3A_454, %get3A_455] {strides = array<i32>} : memref<80x128xi32, #tpu.memory_space<vmem>>, vector<16xi32>,
      %and3A_457 = arith.constant 65535 : i32
      %and3A_458 = vector.broadcast %and3A_457 : i32 to vector<16xi32>
      %and3A_459 = arith.andi %get3A_456, %and3A_458 : vector<16xi32>
      %swap3A_460 = arith.constant 0 : i32
      %swap3A_461 = arith.index_cast %swap3A_460 : i32 to index
      %swap3A_462 = arith.constant 96 : index
      %swap3A_463 = tpu.vector_load %arg8[%swap3A_461, %swap3A_462] {strides = array<i32>} : memref<2x128xi32, #tpu.memory_space<vmem>>, vector<16xi32>,
      tpu.vector_store %arg8[%swap3A_461, %swap3A_462], %and3A_459 {strides = array<i32>} : memref<2x128xi32, #tpu.memory_space<vmem>>, vector<16xi32>,
      %shift_right_logical3A_464 = arith.constant 16 : i32
      %shift_right_logical3A_465 = vector.broadcast %shift_right_logical3A_464 : i32 to vector<16xi32>
      %shift_right_logical3A_466 = arith.shrui %get3A_456, %shift_right_logical3A_465 : vector<16xi32>
      %swap3A_467 = arith.constant 0 : i32
      %swap3A_468 = arith.index_cast %swap3A_467 : i32 to index
      %swap3A_469 = arith.constant 96 : index
      %swap3A_470 = tpu.vector_load %arg9[%swap3A_468, %swap3A_469] {strides = array<i32>} : memref<2x128xi32, #tpu.memory_space<vmem>>, vector<16xi32>,
      tpu.vector_store %arg9[%swap3A_468, %swap3A_469], %shift_right_logical3A_466 {strides = array<i32>} : memref<2x128xi32, #tpu.memory_space<vmem>>, vector<16xi32>,
      %get3A_471 = arith.index_cast %add3A_351 : i32 to index
      %get3A_472 = arith.constant 112 : index
      %get3A_473 = tpu.vector_load %arg5[%get3A_471, %get3A_472] {strides = array<i32>} : memref<80x128xi32, #tpu.memory_space<vmem>>, vector<16xi32>,
      %and3A_474 = arith.constant 65535 : i32
      %and3A_475 = vector.broadcast %and3A_474 : i32 to vector<16xi32>
      %and3A_476 = arith.andi %get3A_473, %and3A_475 : vector<16xi32>
      %swap3A_477 = arith.constant 0 : i32
      %swap3A_478 = arith.index_cast %swap3A_477 : i32 to index
      %swap3A_479 = arith.constant 112 : index
      %swap3A_480 = tpu.vector_load %arg8[%swap3A_478, %swap3A_479] {strides = array<i32>} : memref<2x128xi32, #tpu.memory_space<vmem>>, vector<16xi32>,
      tpu.vector_store %arg8[%swap3A_478, %swap3A_479], %and3A_476 {strides = array<i32>} : memref<2x128xi32, #tpu.memory_space<vmem>>, vector<16xi32>,
      %shift_right_logical3A_481 = arith.constant 16 : i32
      %shift_right_logical3A_482 = vector.broadcast %shift_right_logical3A_481 : i32 to vector<16xi32>
      %shift_right_logical3A_483 = arith.shrui %get3A_473, %shift_right_logical3A_482 : vector<16xi32>
      %swap3A_484 = arith.constant 0 : i32
      %swap3A_485 = arith.index_cast %swap3A_484 : i32 to index
      %swap3A_486 = arith.constant 112 : index
      %swap3A_487 = tpu.vector_load %arg9[%swap3A_485, %swap3A_486] {strides = array<i32>} : memref<2x128xi32, #tpu.memory_space<vmem>>, vector<16xi32>,
      tpu.vector_store %arg9[%swap3A_485, %swap3A_486], %shift_right_logical3A_483 {strides = array<i32>} : memref<2x128xi32, #tpu.memory_space<vmem>>, vector<16xi32>,
      %dma_start3A_488 = arith.constant 0 : i32
      %dma_start3A_489 = arith.constant 0 : i32
      %dma_start3A_490 = tpu.memref_slice %arg8[%dma_start3A_488, %dma_start3A_489] : memref<2x128xi32, #tpu.memory_space<vmem>> -> memref<1x128xi32, #tpu.memory_space<vmem>>
      %dma_start3A_491 = tpu.memref_squeeze %dma_start3A_490 : memref<1x128xi32, #tpu.memory_space<vmem>> -> memref<128xi32, #tpu.memory_space<vmem>>
      %dma_start3A_492 = arith.constant 0 : i32
      %dma_start3A_493 = arith.constant 0 : i32
      %dma_start3A_494 = tpu.memref_slice %arg2[%dma_start3A_492, %dma_start3A_493] : memref<10000x128xf32, #tpu.memory_space<hbm>> -> memref<10000x128xf32, #tpu.memory_space<hbm>>
      tpu.enqueue_indirect_dma source(%dma_start3A_494 : memref<10000x128xf32, #tpu.memory_space<hbm>>) target(%arg6 : memref<128x128xf32, #tpu.memory_space<vmem>>) offsets(%dma_start3A_491 : memref<128xi32, #tpu.memory_space<vmem>>) semaphore(%arg10 : memref<!tpu.dma_semaphore, #tpu.memory_space<semaphore_mem>>)
      %dma_wait3A_495 = arith.constant 1 : i32
      %dma_wait3A_496 = arith.constant 0 : i32
      %dma_wait3A_497 = tpu.memref_slice %arg8[%dma_wait3A_495, %dma_wait3A_496] : memref<2x128xi32, #tpu.memory_space<vmem>> -> memref<1x128xi32, #tpu.memory_space<vmem>>
      %dma_wait3A_498 = tpu.memref_squeeze %dma_wait3A_497 : memref<1x128xi32, #tpu.memory_space<vmem>> -> memref<128xi32, #tpu.memory_space<vmem>>
      %dma_wait3A_499 = arith.constant 0 : i32
      %dma_wait3A_500 = arith.constant 0 : i32
      %dma_wait3A_501 = tpu.memref_slice %arg2[%dma_wait3A_499, %dma_wait3A_500] : memref<10000x128xf32, #tpu.memory_space<hbm>> -> memref<10000x128xf32, #tpu.memory_space<hbm>>
      tpu.wait_indirect_dma semaphore(%arg11 : memref<!tpu.dma_semaphore, #tpu.memory_space<semaphore_mem>>) src(%dma_wait3A_501 : memref<10000x128xf32, #tpu.memory_space<hbm>>) dst(%arg7 : memref<128x128xf32, #tpu.memory_space<vmem>>)
      %run_scoped3A_502 = arith.constant 1 : i32
      "tpu.region"() ({
        %run_scoped3A_648 = tpu.sem_alloc : memref<!tpu.dma_semaphore, #tpu.memory_space<semaphore_mem>>
        %dma_start3A_649 = arith.constant 0 : i32
        %dma_start3A_650 = tpu.memref_slice %arg9[%run_scoped3A_502, %dma_start3A_649] : memref<2x128xi32, #tpu.memory_space<vmem>> -> memref<1x128xi32, #tpu.memory_space<vmem>>
        %dma_start3A_651 = tpu.memref_squeeze %dma_start3A_650 : memref<1x128xi32, #tpu.memory_space<vmem>> -> memref<128xi32, #tpu.memory_space<vmem>>
        %dma_start3A_652 = arith.constant 0 : i32
        %dma_start3A_653 = arith.constant 0 : i32
        %dma_start3A_654 = tpu.memref_slice %arg12[%dma_start3A_652, %dma_start3A_653] : memref<10112x128xf32, #tpu.memory_space<vmem_shared>> -> memref<10112x128xf32, #tpu.memory_space<vmem_shared>>
        tpu.enqueue_indirect_dma source(%arg7 : memref<128x128xf32, #tpu.memory_space<vmem>>) target(%dma_start3A_654 : memref<10112x128xf32, #tpu.memory_space<vmem_shared>>) offsets(%dma_start3A_651 : memref<128xi32, #tpu.memory_space<vmem>>) semaphore(%run_scoped3A_648 : memref<!tpu.dma_semaphore, #tpu.memory_space<semaphore_mem>>) {add = true}
        %dma_wait3A_655 = arith.constant 0 : i32
        %dma_wait3A_656 = tpu.memref_slice %arg9[%run_scoped3A_502, %dma_wait3A_655] : memref<2x128xi32, #tpu.memory_space<vmem>> -> memref<1x128xi32, #tpu.memory_space<vmem>>
        %dma_wait3A_657 = tpu.memref_squeeze %dma_wait3A_656 : memref<1x128xi32, #tpu.memory_space<vmem>> -> memref<128xi32, #tpu.memory_space<vmem>>
        %dma_wait3A_658 = arith.constant 0 : i32
        %dma_wait3A_659 = arith.constant 0 : i32
        %dma_wait3A_660 = tpu.memref_slice %arg12[%dma_wait3A_658, %dma_wait3A_659] : memref<10112x128xf32, #tpu.memory_space<vmem_shared>> -> memref<10112x128xf32, #tpu.memory_space<vmem_shared>>
        tpu.wait_indirect_dma semaphore(%run_scoped3A_648 : memref<!tpu.dma_semaphore, #tpu.memory_space<semaphore_mem>>) src(%arg7 : memref<128x128xf32, #tpu.memory_space<vmem>>) dst(%dma_wait3A_660 : memref<10112x128xf32, #tpu.memory_space<vmem_shared>>)
        tpu.yield
      }) : () -> ()
      %add3A_503 = arith.constant 3 : i32
      %add3A_504 = arith.addi %mul3A_341, %add3A_503 : i32
      %get3A_505 = arith.index_cast %add3A_504 : i32 to index
      %get3A_506 = arith.constant 0 : index
      %get3A_507 = tpu.vector_load %arg5[%get3A_505, %get3A_506] {strides = array<i32>} : memref<80x128xi32, #tpu.memory_space<vmem>>, vector<16xi32>,
      %and3A_508 = arith.constant 65535 : i32
      %and3A_509 = vector.broadcast %and3A_508 : i32 to vector<16xi32>
      %and3A_510 = arith.andi %get3A_507, %and3A_509 : vector<16xi32>
      %swap3A_511 = arith.constant 1 : i32
      %swap3A_512 = arith.index_cast %swap3A_511 : i32 to index
      %swap3A_513 = arith.constant 0 : index
      %swap3A_514 = tpu.vector_load %arg8[%swap3A_512, %swap3A_513] {strides = array<i32>} : memref<2x128xi32, #tpu.memory_space<vmem>>, vector<16xi32>,
      tpu.vector_store %arg8[%swap3A_512, %swap3A_513], %and3A_510 {strides = array<i32>} : memref<2x128xi32, #tpu.memory_space<vmem>>, vector<16xi32>,
      %shift_right_logical3A_515 = arith.constant 16 : i32
      %shift_right_logical3A_516 = vector.broadcast %shift_right_logical3A_515 : i32 to vector<16xi32>
      %shift_right_logical3A_517 = arith.shrui %get3A_507, %shift_right_logical3A_516 : vector<16xi32>
      %swap3A_518 = arith.constant 1 : i32
      %swap3A_519 = arith.index_cast %swap3A_518 : i32 to index
      %swap3A_520 = arith.constant 0 : index
      %swap3A_521 = tpu.vector_load %arg9[%swap3A_519, %swap3A_520] {strides = array<i32>} : memref<2x128xi32, #tpu.memory_space<vmem>>, vector<16xi32>,
      tpu.vector_store %arg9[%swap3A_519, %swap3A_520], %shift_right_logical3A_517 {strides = array<i32>} : memref<2x128xi32, #tpu.memory_space<vmem>>, vector<16xi32>,
      %get3A_522 = arith.index_cast %add3A_504 : i32 to index
      %get3A_523 = arith.constant 16 : index
      %get3A_524 = tpu.vector_load %arg5[%get3A_522, %get3A_523] {strides = array<i32>} : memref<80x128xi32, #tpu.memory_space<vmem>>, vector<16xi32>,
      %and3A_525 = arith.constant 65535 : i32
      %and3A_526 = vector.broadcast %and3A_525 : i32 to vector<16xi32>
      %and3A_527 = arith.andi %get3A_524, %and3A_526 : vector<16xi32>
      %swap3A_528 = arith.constant 1 : i32
      %swap3A_529 = arith.index_cast %swap3A_528 : i32 to index
      %swap3A_530 = arith.constant 16 : index
      %swap3A_531 = tpu.vector_load %arg8[%swap3A_529, %swap3A_530] {strides = array<i32>} : memref<2x128xi32, #tpu.memory_space<vmem>>, vector<16xi32>,
      tpu.vector_store %arg8[%swap3A_529, %swap3A_530], %and3A_527 {strides = array<i32>} : memref<2x128xi32, #tpu.memory_space<vmem>>, vector<16xi32>,
      %shift_right_logical3A_532 = arith.constant 16 : i32
      %shift_right_logical3A_533 = vector.broadcast %shift_right_logical3A_532 : i32 to vector<16xi32>
      %shift_right_logical3A_534 = arith.shrui %get3A_524, %shift_right_logical3A_533 : vector<16xi32>
      %swap3A_535 = arith.constant 1 : i32
      %swap3A_536 = arith.index_cast %swap3A_535 : i32 to index
      %swap3A_537 = arith.constant 16 : index
      %swap3A_538 = tpu.vector_load %arg9[%swap3A_536, %swap3A_537] {strides = array<i32>} : memref<2x128xi32, #tpu.memory_space<vmem>>, vector<16xi32>,
      tpu.vector_store %arg9[%swap3A_536, %swap3A_537], %shift_right_logical3A_534 {strides = array<i32>} : memref<2x128xi32, #tpu.memory_space<vmem>>, vector<16xi32>,
      %get3A_539 = arith.index_cast %add3A_504 : i32 to index
      %get3A_540 = arith.constant 32 : index
      %get3A_541 = tpu.vector_load %arg5[%get3A_539, %get3A_540] {strides = array<i32>} : memref<80x128xi32, #tpu.memory_space<vmem>>, vector<16xi32>,
      %and3A_542 = arith.constant 65535 : i32
      %and3A_543 = vector.broadcast %and3A_542 : i32 to vector<16xi32>
      %and3A_544 = arith.andi %get3A_541, %and3A_543 : vector<16xi32>
      %swap3A_545 = arith.constant 1 : i32
      %swap3A_546 = arith.index_cast %swap3A_545 : i32 to index
      %swap3A_547 = arith.constant 32 : index
      %swap3A_548 = tpu.vector_load %arg8[%swap3A_546, %swap3A_547] {strides = array<i32>} : memref<2x128xi32, #tpu.memory_space<vmem>>, vector<16xi32>,
      tpu.vector_store %arg8[%swap3A_546, %swap3A_547], %and3A_544 {strides = array<i32>} : memref<2x128xi32, #tpu.memory_space<vmem>>, vector<16xi32>,
      %shift_right_logical3A_549 = arith.constant 16 : i32
      %shift_right_logical3A_550 = vector.broadcast %shift_right_logical3A_549 : i32 to vector<16xi32>
      %shift_right_logical3A_551 = arith.shrui %get3A_541, %shift_right_logical3A_550 : vector<16xi32>
      %swap3A_552 = arith.constant 1 : i32
      %swap3A_553 = arith.index_cast %swap3A_552 : i32 to index
      %swap3A_554 = arith.constant 32 : index
      %swap3A_555 = tpu.vector_load %arg9[%swap3A_553, %swap3A_554] {strides = array<i32>} : memref<2x128xi32, #tpu.memory_space<vmem>>, vector<16xi32>,
      tpu.vector_store %arg9[%swap3A_553, %swap3A_554], %shift_right_logical3A_551 {strides = array<i32>} : memref<2x128xi32, #tpu.memory_space<vmem>>, vector<16xi32>,
      %get3A_556 = arith.index_cast %add3A_504 : i32 to index
      %get3A_557 = arith.constant 48 : index
      %get3A_558 = tpu.vector_load %arg5[%get3A_556, %get3A_557] {strides = array<i32>} : memref<80x128xi32, #tpu.memory_space<vmem>>, vector<16xi32>,
      %and3A_559 = arith.constant 65535 : i32
      %and3A_560 = vector.broadcast %and3A_559 : i32 to vector<16xi32>
      %and3A_561 = arith.andi %get3A_558, %and3A_560 : vector<16xi32>
      %swap3A_562 = arith.constant 1 : i32
      %swap3A_563 = arith.index_cast %swap3A_562 : i32 to index
      %swap3A_564 = arith.constant 48 : index
      %swap3A_565 = tpu.vector_load %arg8[%swap3A_563, %swap3A_564] {strides = array<i32>} : memref<2x128xi32, #tpu.memory_space<vmem>>, vector<16xi32>,
      tpu.vector_store %arg8[%swap3A_563, %swap3A_564], %and3A_561 {strides = array<i32>} : memref<2x128xi32, #tpu.memory_space<vmem>>, vector<16xi32>,
      %shift_right_logical3A_566 = arith.constant 16 : i32
      %shift_right_logical3A_567 = vector.broadcast %shift_right_logical3A_566 : i32 to vector<16xi32>
      %shift_right_logical3A_568 = arith.shrui %get3A_558, %shift_right_logical3A_567 : vector<16xi32>
      %swap3A_569 = arith.constant 1 : i32
      %swap3A_570 = arith.index_cast %swap3A_569 : i32 to index
      %swap3A_571 = arith.constant 48 : index
      %swap3A_572 = tpu.vector_load %arg9[%swap3A_570, %swap3A_571] {strides = array<i32>} : memref<2x128xi32, #tpu.memory_space<vmem>>, vector<16xi32>,
      tpu.vector_store %arg9[%swap3A_570, %swap3A_571], %shift_right_logical3A_568 {strides = array<i32>} : memref<2x128xi32, #tpu.memory_space<vmem>>, vector<16xi32>,
      %get3A_573 = arith.index_cast %add3A_504 : i32 to index
      %get3A_574 = arith.constant 64 : index
      %get3A_575 = tpu.vector_load %arg5[%get3A_573, %get3A_574] {strides = array<i32>} : memref<80x128xi32, #tpu.memory_space<vmem>>, vector<16xi32>,
      %and3A_576 = arith.constant 65535 : i32
      %and3A_577 = vector.broadcast %and3A_576 : i32 to vector<16xi32>
      %and3A_578 = arith.andi %get3A_575, %and3A_577 : vector<16xi32>
      %swap3A_579 = arith.constant 1 : i32
      %swap3A_580 = arith.index_cast %swap3A_579 : i32 to index
      %swap3A_581 = arith.constant 64 : index
      %swap3A_582 = tpu.vector_load %arg8[%swap3A_580, %swap3A_581] {strides = array<i32>} : memref<2x128xi32, #tpu.memory_space<vmem>>, vector<16xi32>,
      tpu.vector_store %arg8[%swap3A_580, %swap3A_581], %and3A_578 {strides = array<i32>} : memref<2x128xi32, #tpu.memory_space<vmem>>, vector<16xi32>,
      %shift_right_logical3A_583 = arith.constant 16 : i32
      %shift_right_logical3A_584 = vector.broadcast %shift_right_logical3A_583 : i32 to vector<16xi32>
      %shift_right_logical3A_585 = arith.shrui %get3A_575, %shift_right_logical3A_584 : vector<16xi32>
      %swap3A_586 = arith.constant 1 : i32
      %swap3A_587 = arith.index_cast %swap3A_586 : i32 to index
      %swap3A_588 = arith.constant 64 : index
      %swap3A_589 = tpu.vector_load %arg9[%swap3A_587, %swap3A_588] {strides = array<i32>} : memref<2x128xi32, #tpu.memory_space<vmem>>, vector<16xi32>,
      tpu.vector_store %arg9[%swap3A_587, %swap3A_588], %shift_right_logical3A_585 {strides = array<i32>} : memref<2x128xi32, #tpu.memory_space<vmem>>, vector<16xi32>,
      %get3A_590 = arith.index_cast %add3A_504 : i32 to index
      %get3A_591 = arith.constant 80 : index
      %get3A_592 = tpu.vector_load %arg5[%get3A_590, %get3A_591] {strides = array<i32>} : memref<80x128xi32, #tpu.memory_space<vmem>>, vector<16xi32>,
      %and3A_593 = arith.constant 65535 : i32
      %and3A_594 = vector.broadcast %and3A_593 : i32 to vector<16xi32>
      %and3A_595 = arith.andi %get3A_592, %and3A_594 : vector<16xi32>
      %swap3A_596 = arith.constant 1 : i32
      %swap3A_597 = arith.index_cast %swap3A_596 : i32 to index
      %swap3A_598 = arith.constant 80 : index
      %swap3A_599 = tpu.vector_load %arg8[%swap3A_597, %swap3A_598] {strides = array<i32>} : memref<2x128xi32, #tpu.memory_space<vmem>>, vector<16xi32>,
      tpu.vector_store %arg8[%swap3A_597, %swap3A_598], %and3A_595 {strides = array<i32>} : memref<2x128xi32, #tpu.memory_space<vmem>>, vector<16xi32>,
      %shift_right_logical3A_600 = arith.constant 16 : i32
      %shift_right_logical3A_601 = vector.broadcast %shift_right_logical3A_600 : i32 to vector<16xi32>
      %shift_right_logical3A_602 = arith.shrui %get3A_592, %shift_right_logical3A_601 : vector<16xi32>
      %swap3A_603 = arith.constant 1 : i32
      %swap3A_604 = arith.index_cast %swap3A_603 : i32 to index
      %swap3A_605 = arith.constant 80 : index
      %swap3A_606 = tpu.vector_load %arg9[%swap3A_604, %swap3A_605] {strides = array<i32>} : memref<2x128xi32, #tpu.memory_space<vmem>>, vector<16xi32>,
      tpu.vector_store %arg9[%swap3A_604, %swap3A_605], %shift_right_logical3A_602 {strides = array<i32>} : memref<2x128xi32, #tpu.memory_space<vmem>>, vector<16xi32>,
      %get3A_607 = arith.index_cast %add3A_504 : i32 to index
      %get3A_608 = arith.constant 96 : index
      %get3A_609 = tpu.vector_load %arg5[%get3A_607, %get3A_608] {strides = array<i32>} : memref<80x128xi32, #tpu.memory_space<vmem>>, vector<16xi32>,
      %and3A_610 = arith.constant 65535 : i32
      %and3A_611 = vector.broadcast %and3A_610 : i32 to vector<16xi32>
      %and3A_612 = arith.andi %get3A_609, %and3A_611 : vector<16xi32>
      %swap3A_613 = arith.constant 1 : i32
      %swap3A_614 = arith.index_cast %swap3A_613 : i32 to index
      %swap3A_615 = arith.constant 96 : index
      %swap3A_616 = tpu.vector_load %arg8[%swap3A_614, %swap3A_615] {strides = array<i32>} : memref<2x128xi32, #tpu.memory_space<vmem>>, vector<16xi32>,
      tpu.vector_store %arg8[%swap3A_614, %swap3A_615], %and3A_612 {strides = array<i32>} : memref<2x128xi32, #tpu.memory_space<vmem>>, vector<16xi32>,
      %shift_right_logical3A_617 = arith.constant 16 : i32
      %shift_right_logical3A_618 = vector.broadcast %shift_right_logical3A_617 : i32 to vector<16xi32>
      %shift_right_logical3A_619 = arith.shrui %get3A_609, %shift_right_logical3A_618 : vector<16xi32>
      %swap3A_620 = arith.constant 1 : i32
      %swap3A_621 = arith.index_cast %swap3A_620 : i32 to index
      %swap3A_622 = arith.constant 96 : index
      %swap3A_623 = tpu.vector_load %arg9[%swap3A_621, %swap3A_622] {strides = array<i32>} : memref<2x128xi32, #tpu.memory_space<vmem>>, vector<16xi32>,
      tpu.vector_store %arg9[%swap3A_621, %swap3A_622], %shift_right_logical3A_619 {strides = array<i32>} : memref<2x128xi32, #tpu.memory_space<vmem>>, vector<16xi32>,
      %get3A_624 = arith.index_cast %add3A_504 : i32 to index
      %get3A_625 = arith.constant 112 : index
      %get3A_626 = tpu.vector_load %arg5[%get3A_624, %get3A_625] {strides = array<i32>} : memref<80x128xi32, #tpu.memory_space<vmem>>, vector<16xi32>,
      %and3A_627 = arith.constant 65535 : i32
      %and3A_628 = vector.broadcast %and3A_627 : i32 to vector<16xi32>
      %and3A_629 = arith.andi %get3A_626, %and3A_628 : vector<16xi32>
      %swap3A_630 = arith.constant 1 : i32
      %swap3A_631 = arith.index_cast %swap3A_630 : i32 to index
      %swap3A_632 = arith.constant 112 : index
      %swap3A_633 = tpu.vector_load %arg8[%swap3A_631, %swap3A_632] {strides = array<i32>} : memref<2x128xi32, #tpu.memory_space<vmem>>, vector<16xi32>,
      tpu.vector_store %arg8[%swap3A_631, %swap3A_632], %and3A_629 {strides = array<i32>} : memref<2x128xi32, #tpu.memory_space<vmem>>, vector<16xi32>,
      %shift_right_logical3A_634 = arith.constant 16 : i32
      %shift_right_logical3A_635 = vector.broadcast %shift_right_logical3A_634 : i32 to vector<16xi32>
      %shift_right_logical3A_636 = arith.shrui %get3A_626, %shift_right_logical3A_635 : vector<16xi32>
      %swap3A_637 = arith.constant 1 : i32
      %swap3A_638 = arith.index_cast %swap3A_637 : i32 to index
      %swap3A_639 = arith.constant 112 : index
      %swap3A_640 = tpu.vector_load %arg9[%swap3A_638, %swap3A_639] {strides = array<i32>} : memref<2x128xi32, #tpu.memory_space<vmem>>, vector<16xi32>,
      tpu.vector_store %arg9[%swap3A_638, %swap3A_639], %shift_right_logical3A_636 {strides = array<i32>} : memref<2x128xi32, #tpu.memory_space<vmem>>, vector<16xi32>,
      %dma_start3A_641 = arith.constant 1 : i32
      %dma_start3A_642 = arith.constant 0 : i32
      %dma_start3A_643 = tpu.memref_slice %arg8[%dma_start3A_641, %dma_start3A_642] : memref<2x128xi32, #tpu.memory_space<vmem>> -> memref<1x128xi32, #tpu.memory_space<vmem>>
      %dma_start3A_644 = tpu.memref_squeeze %dma_start3A_643 : memref<1x128xi32, #tpu.memory_space<vmem>> -> memref<128xi32, #tpu.memory_space<vmem>>
      %dma_start3A_645 = arith.constant 0 : i32
      %dma_start3A_646 = arith.constant 0 : i32
      %dma_start3A_647 = tpu.memref_slice %arg2[%dma_start3A_645, %dma_start3A_646] : memref<10000x128xf32, #tpu.memory_space<hbm>> -> memref<10000x128xf32, #tpu.memory_space<hbm>>
      tpu.enqueue_indirect_dma source(%dma_start3A_647 : memref<10000x128xf32, #tpu.memory_space<hbm>>) target(%arg7 : memref<128x128xf32, #tpu.memory_space<vmem>>) offsets(%dma_start3A_644 : memref<128xi32, #tpu.memory_space<vmem>>) semaphore(%arg11 : memref<!tpu.dma_semaphore, #tpu.memory_space<semaphore_mem>>)
    }
    %scan3A_323 = arith.constant 39 : i32
    %dma_wait3A = arith.constant 0 : i32
    %dma_wait3A_324 = arith.constant 0 : i32
    %dma_wait3A_325 = tpu.memref_slice %arg8[%dma_wait3A, %dma_wait3A_324] : memref<2x128xi32, #tpu.memory_space<vmem>> -> memref<1x128xi32, #tpu.memory_space<vmem>>
    %dma_wait3A_326 = tpu.memref_squeeze %dma_wait3A_325 : memref<1x128xi32, #tpu.memory_space<vmem>> -> memref<128xi32, #tpu.memory_space<vmem>>
    %dma_wait3A_327 = arith.constant 0 : i32
    %dma_wait3A_328 = arith.constant 0 : i32
    %dma_wait3A_329 = tpu.memref_slice %arg2[%dma_wait3A_327, %dma_wait3A_328] : memref<10000x128xf32, #tpu.memory_space<hbm>> -> memref<10000x128xf32, #tpu.memory_space<hbm>>
    tpu.wait_indirect_dma semaphore(%arg10 : memref<!tpu.dma_semaphore, #tpu.memory_space<semaphore_mem>>) src(%dma_wait3A_329 : memref<10000x128xf32, #tpu.memory_space<hbm>>) dst(%arg6 : memref<128x128xf32, #tpu.memory_space<vmem>>)
    %run_scoped3A = arith.constant 0 : i32
    "tpu.region"() ({
      %run_scoped3A_339 = tpu.sem_alloc : memref<!tpu.dma_semaphore, #tpu.memory_space<semaphore_mem>>
      %dma_start3A_340 = arith.constant 0 : i32
      %dma_start3A_341 = tpu.memref_slice %arg9[%run_scoped3A, %dma_start3A_340] : memref<2x128xi32, #tpu.memory_space<vmem>> -> memref<1x128xi32, #tpu.memory_space<vmem>>
      %dma_start3A_342 = tpu.memref_squeeze %dma_start3A_341 : memref<1x128xi32, #tpu.memory_space<vmem>> -> memref<128xi32, #tpu.memory_space<vmem>>
      %dma_start3A_343 = arith.constant 0 : i32
      %dma_start3A_344 = arith.constant 0 : i32
      %dma_start3A_345 = tpu.memref_slice %arg12[%dma_start3A_343, %dma_start3A_344] : memref<10112x128xf32, #tpu.memory_space<vmem_shared>> -> memref<10112x128xf32, #tpu.memory_space<vmem_shared>>
      tpu.enqueue_indirect_dma source(%arg6 : memref<128x128xf32, #tpu.memory_space<vmem>>) target(%dma_start3A_345 : memref<10112x128xf32, #tpu.memory_space<vmem_shared>>) offsets(%dma_start3A_342 : memref<128xi32, #tpu.memory_space<vmem>>) semaphore(%run_scoped3A_339 : memref<!tpu.dma_semaphore, #tpu.memory_space<semaphore_mem>>) {add = true}
      %dma_wait3A_346 = arith.constant 0 : i32
      %dma_wait3A_347 = tpu.memref_slice %arg9[%run_scoped3A, %dma_wait3A_346] : memref<2x128xi32, #tpu.memory_space<vmem>> -> memref<1x128xi32, #tpu.memory_space<vmem>>
      %dma_wait3A_348 = tpu.memref_squeeze %dma_wait3A_347 : memref<1x128xi32, #tpu.memory_space<vmem>> -> memref<128xi32, #tpu.memory_space<vmem>>
      %dma_wait3A_349 = arith.constant 0 : i32
      %dma_wait3A_350 = arith.constant 0 : i32
      %dma_wait3A_351 = tpu.memref_slice %arg12[%dma_wait3A_349, %dma_wait3A_350] : memref<10112x128xf32, #tpu.memory_space<vmem_shared>> -> memref<10112x128xf32, #tpu.memory_space<vmem_shared>>
      tpu.wait_indirect_dma semaphore(%run_scoped3A_339 : memref<!tpu.dma_semaphore, #tpu.memory_space<semaphore_mem>>) src(%arg6 : memref<128x128xf32, #tpu.memory_space<vmem>>) dst(%dma_wait3A_351 : memref<10112x128xf32, #tpu.memory_space<vmem_shared>>)
      tpu.yield
    }) : () -> ()
    %dma_wait3A_330 = arith.constant 1 : i32
    %dma_wait3A_331 = arith.constant 0 : i32
    %dma_wait3A_332 = tpu.memref_slice %arg8[%dma_wait3A_330, %dma_wait3A_331] : memref<2x128xi32, #tpu.memory_space<vmem>> -> memref<1x128xi32, #tpu.memory_space<vmem>>
    %dma_wait3A_333 = tpu.memref_squeeze %dma_wait3A_332 : memref<1x128xi32, #tpu.memory_space<vmem>> -> memref<128xi32, #tpu.memory_space<vmem>>
    %dma_wait3A_334 = arith.constant 0 : i32
    %dma_wait3A_335 = arith.constant 0 : i32
    %dma_wait3A_336 = tpu.memref_slice %arg2[%dma_wait3A_334, %dma_wait3A_335] : memref<10000x128xf32, #tpu.memory_space<hbm>> -> memref<10000x128xf32, #tpu.memory_space<hbm>>
    tpu.wait_indirect_dma semaphore(%arg11 : memref<!tpu.dma_semaphore, #tpu.memory_space<semaphore_mem>>) src(%dma_wait3A_336 : memref<10000x128xf32, #tpu.memory_space<hbm>>) dst(%arg7 : memref<128x128xf32, #tpu.memory_space<vmem>>)
    %run_scoped3A_337 = arith.constant 1 : i32
    "tpu.region"() ({
      %run_scoped3A_339 = tpu.sem_alloc : memref<!tpu.dma_semaphore, #tpu.memory_space<semaphore_mem>>
      %dma_start3A_340 = arith.constant 0 : i32
      %dma_start3A_341 = tpu.memref_slice %arg9[%run_scoped3A_337, %dma_start3A_340] : memref<2x128xi32, #tpu.memory_space<vmem>> -> memref<1x128xi32, #tpu.memory_space<vmem>>
      %dma_start3A_342 = tpu.memref_squeeze %dma_start3A_341 : memref<1x128xi32, #tpu.memory_space<vmem>> -> memref<128xi32, #tpu.memory_space<vmem>>
      %dma_start3A_343 = arith.constant 0 : i32
      %dma_start3A_344 = arith.constant 0 : i32
      %dma_start3A_345 = tpu.memref_slice %arg12[%dma_start3A_343, %dma_start3A_344] : memref<10112x128xf32, #tpu.memory_space<vmem_shared>> -> memref<10112x128xf32, #tpu.memory_space<vmem_shared>>
      tpu.enqueue_indirect_dma source(%arg7 : memref<128x128xf32, #tpu.memory_space<vmem>>) target(%dma_start3A_345 : memref<10112x128xf32, #tpu.memory_space<vmem_shared>>) offsets(%dma_start3A_342 : memref<128xi32, #tpu.memory_space<vmem>>) semaphore(%run_scoped3A_339 : memref<!tpu.dma_semaphore, #tpu.memory_space<semaphore_mem>>) {add = true}
      %dma_wait3A_346 = arith.constant 0 : i32
      %dma_wait3A_347 = tpu.memref_slice %arg9[%run_scoped3A_337, %dma_wait3A_346] : memref<2x128xi32, #tpu.memory_space<vmem>> -> memref<1x128xi32, #tpu.memory_space<vmem>>
      %dma_wait3A_348 = tpu.memref_squeeze %dma_wait3A_347 : memref<1x128xi32, #tpu.memory_space<vmem>> -> memref<128xi32, #tpu.memory_space<vmem>>
      %dma_wait3A_349 = arith.constant 0 : i32
      %dma_wait3A_350 = arith.constant 0 : i32
      %dma_wait3A_351 = tpu.memref_slice %arg12[%dma_wait3A_349, %dma_wait3A_350] : memref<10112x128xf32, #tpu.memory_space<vmem_shared>> -> memref<10112x128xf32, #tpu.memory_space<vmem_shared>>
      tpu.wait_indirect_dma semaphore(%run_scoped3A_339 : memref<!tpu.dma_semaphore, #tpu.memory_space<semaphore_mem>>) src(%arg7 : memref<128x128xf32, #tpu.memory_space<vmem>>) dst(%dma_wait3A_351 : memref<10112x128xf32, #tpu.memory_space<vmem_shared>>)
      tpu.yield
    }) : () -> ()
    %barrier3A_338 = arith.constant 0 : index
    tpu.barrier barrier_id(%barrier3A_338)
    "tpu.region"() ({
      %run_scoped3A_339 = tpu.sem_alloc : memref<!tpu.dma_semaphore, #tpu.memory_space<semaphore_mem>>
      %dma_start3A_340 = arith.constant 0 : i32
      %dma_start3A_341 = arith.constant 0 : i32
      %dma_start3A_342 = tpu.memref_slice %arg4[%arg0, %dma_start3A_340, %dma_start3A_341] : memref<2x10112x128xf32, #tpu.memory_space<hbm>> -> memref<1x10112x128xf32, #tpu.memory_space<hbm>>
      %dma_start3A_343 = tpu.memref_squeeze %dma_start3A_342 : memref<1x10112x128xf32, #tpu.memory_space<hbm>> -> memref<10112x128xf32, #tpu.memory_space<hbm>>
      %dma_start3A_344 = arith.constant 0 : i32
      %dma_start3A_345 = tpu.memref_slice %dma_start3A_343[%mul3A_8, %dma_start3A_344] : memref<10112x128xf32, #tpu.memory_space<hbm>> -> memref<632x128xf32, #tpu.memory_space<hbm>>
      %dma_start3A_346 = arith.constant 0 : i32
      %dma_start3A_347 = tpu.memref_slice %arg12[%mul3A_8, %dma_start3A_346] : memref<10112x128xf32, #tpu.memory_space<vmem_shared>> -> memref<632x128xf32, #tpu.memory_space<vmem_shared>>
      tpu.enqueue_dma source(%dma_start3A_347 : memref<632x128xf32, #tpu.memory_space<vmem_shared>>) target(%dma_start3A_345 : memref<632x128xf32, #tpu.memory_space<hbm>>) target_semaphore(%run_scoped3A_339 : memref<!tpu.dma_semaphore, #tpu.memory_space<semaphore_mem>>)
      %dma_wait3A_348 = arith.constant 0 : i32
      %dma_wait3A_349 = arith.constant 0 : i32
      %dma_wait3A_350 = tpu.memref_slice %arg4[%arg0, %dma_wait3A_348, %dma_wait3A_349] : memref<2x10112x128xf32, #tpu.memory_space<hbm>> -> memref<1x10112x128xf32, #tpu.memory_space<hbm>>
      %dma_wait3A_351 = tpu.memref_squeeze %dma_wait3A_350 : memref<1x10112x128xf32, #tpu.memory_space<hbm>> -> memref<10112x128xf32, #tpu.memory_space<hbm>>
      %dma_wait3A_352 = arith.constant 0 : i32
      %dma_wait3A_353 = tpu.memref_slice %dma_wait3A_351[%mul3A_8, %dma_wait3A_352] : memref<10112x128xf32, #tpu.memory_space<hbm>> -> memref<632x128xf32, #tpu.memory_space<hbm>>
      %dma_wait3A_354 = arith.constant 0 : i32
      %dma_wait3A_355 = tpu.memref_slice %arg12[%mul3A_8, %dma_wait3A_354] : memref<10112x128xf32, #tpu.memory_space<vmem_shared>> -> memref<632x128xf32, #tpu.memory_space<vmem_shared>>
      tpu.wait_dma2 semaphore(%run_scoped3A_339 : memref<!tpu.dma_semaphore, #tpu.memory_space<semaphore_mem>>) src(%dma_wait3A_355 : memref<632x128xf32, #tpu.memory_space<vmem_shared>>) dst(%dma_wait3A_353 : memref<632x128xf32, #tpu.memory_space<hbm>>)
      tpu.yield
    }) : () -> ()
    return
  }
}

module attributes {stable_mosaic.version = 14 : i64} {
  func.func @_dis_body(%arg0: memref<2x80x128xf32, #tpu.memory_space<vmem>>, %arg1: memref<80x128xf32, #tpu.memory_space<vmem>>) attributes {dimension_semantics = [], scalar_prefetch = 0 : i64, scratch_operands = 0 : i64, tpu.core_type = #tpu.core_type<tc>} {
    %get3A = arith.constant 0 : index
    %get3A_0 = arith.constant 0 : index
    %get3A_1 = arith.constant 0 : index
    %get3A_2 = vector.load %arg0[%get3A, %get3A_0, %get3A_1] : memref<2x80x128xf32, #tpu.memory_space<vmem>>, vector<1x80x128xf32>
    %get3A_3 = vector.shape_cast %get3A_2 : vector<1x80x128xf32> to vector<80x128xf32>
    %add3A = arith.constant 1.000000e+00 : f32
    %add3A_4 = vector.broadcast %add3A : f32 to vector<80x128xf32>
    %add3A_5 = arith.addf %add3A_4, %get3A_3 : vector<80x128xf32>
    %get3A_6 = arith.constant 1 : index
    %get3A_7 = arith.constant 0 : index
    %get3A_8 = arith.constant 0 : index
    %get3A_9 = vector.load %arg0[%get3A_6, %get3A_7, %get3A_8] : memref<2x80x128xf32, #tpu.memory_space<vmem>>, vector<1x80x128xf32>
    %get3A_10 = vector.shape_cast %get3A_9 : vector<1x80x128xf32> to vector<80x128xf32>
    %add3A_11 = arith.addf %add3A_5, %get3A_10 : vector<80x128xf32>
    %rsqrt3A = math.rsqrt %add3A_11 : vector<80x128xf32>
    %swap3A = arith.constant 0 : index
    %swap3A_12 = arith.constant 0 : index
    %swap3A_13 = vector.load %arg1[%swap3A, %swap3A_12] : memref<80x128xf32, #tpu.memory_space<vmem>>, vector<80x128xf32>
    tpu.vector_store %arg1[%swap3A, %swap3A_12], %rsqrt3A {strides = array<i32>} : memref<80x128xf32, #tpu.memory_space<vmem>>, vector<80x128xf32>,
    return
  }
}

module attributes {stable_mosaic.version = 14 : i64} {
  func.func @_lin1_body(%arg0: i32, %arg1: memref<400x128xf32, #tpu.memory_space<vmem>>, %arg2: memref<128x128xf32, #tpu.memory_space<vmem>>, %arg3: memref<1x128xf32, #tpu.memory_space<vmem>>, %arg4: memref<400x1xf32, #tpu.memory_space<vmem>>, %arg5: memref<400x128xf32, #tpu.memory_space<vmem>>) attributes {dimension_semantics = [#tpu.dimension_semantics<arbitrary>], iteration_bounds = array<i64: 25>, scalar_prefetch = 0 : i64, scratch_operands = 0 : i64, tpu.core_type = #tpu.core_type<tc>, window_params = [{transform_indices = @transform_0, window_bounds = array<i64: 400, 128>}, {pipeline_mode = #tpu.pipeline_mode<synchronous>, transform_indices = @transform_1, window_bounds = array<i64: 128, 128>}, {pipeline_mode = #tpu.pipeline_mode<synchronous>, transform_indices = @transform_2, window_bounds = array<i64: 1, 128>}, {transform_indices = @transform_3, window_bounds = array<i64: 400, 1>}, {transform_indices = @transform_4, window_bounds = array<i64: 400, 128>}]} {
    %get3A = arith.constant 0 : index
    %get3A_0 = arith.constant 0 : index
    %get3A_1 = vector.load %arg1[%get3A, %get3A_0] : memref<400x128xf32, #tpu.memory_space<vmem>>, vector<400x128xf32>
    %get3A_2 = arith.constant 0 : index
    %get3A_3 = arith.constant 0 : index
    %get3A_4 = vector.load %arg2[%get3A_2, %get3A_3] : memref<128x128xf32, #tpu.memory_space<vmem>>, vector<128x128xf32>
    %dot_general3A = arith.constant dense<0.000000e+00> : vector<400x128xf32>
    %dot_general3A_5 = tpu.matmul %get3A_1, %get3A_4, %dot_general3A {dimension_numbers = #tpu.dot_dimension_numbers<[1], [0], [0], [1], [0, 0, 1, 1], [], []>, transpose_lhs_hint = false} : vector<400x128xf32>, vector<128x128xf32>, vector<400x128xf32> -> vector<400x128xf32>
    %get3A_6 = arith.constant 0 : index
    %get3A_7 = arith.constant 0 : index
    %get3A_8 = vector.load %arg3[%get3A_6, %get3A_7] : memref<1x128xf32, #tpu.memory_space<vmem>>, vector<1x128xf32>
    %add3A = vector.broadcast %get3A_8 : vector<1x128xf32> to vector<400x128xf32>
    %add3A_9 = arith.addf %dot_general3A_5, %add3A : vector<400x128xf32>
    %get3A_10 = arith.constant 0 : index
    %get3A_11 = arith.constant 0 : index
    %get3A_12 = vector.load %arg4[%get3A_10, %get3A_11] : memref<400x1xf32, #tpu.memory_space<vmem>>, vector<400x1xf32>
    %mul3A = vector.broadcast %get3A_12 : vector<400x1xf32> to vector<400x128xf32>
    %mul3A_13 = arith.mulf %add3A_9, %mul3A : vector<400x128xf32>
    %swap3A = arith.constant 0 : index
    %swap3A_14 = arith.constant 0 : index
    %swap3A_15 = vector.load %arg5[%swap3A, %swap3A_14] : memref<400x128xf32, #tpu.memory_space<vmem>>, vector<400x128xf32>
    tpu.vector_store %arg5[%swap3A, %swap3A_14], %mul3A_13 {strides = array<i32>} : memref<400x128xf32, #tpu.memory_space<vmem>>, vector<400x128xf32>,
    return
  }
  func.func @transform_0(%arg0: i32) -> (i32, i32) {
    %c0_i32 = arith.constant 0 : i32
    %c0_i32_0 = arith.constant 0 : i32
    return %arg0, %c0_i32 : i32, i32
  }
  func.func @transform_1(%arg0: i32) -> (i32, i32) {
    %c0_i32 = arith.constant 0 : i32
    %c0_i32_0 = arith.constant 0 : i32
    %c0_i32_1 = arith.constant 0 : i32
    return %c0_i32, %c0_i32_0 : i32, i32
  }
  func.func @transform_2(%arg0: i32) -> (i32, i32) {
    %c0_i32 = arith.constant 0 : i32
    %c0_i32_0 = arith.constant 0 : i32
    %c0_i32_1 = arith.constant 0 : i32
    return %c0_i32, %c0_i32_0 : i32, i32
  }
  func.func @transform_3(%arg0: i32) -> (i32, i32) {
    %c0_i32 = arith.constant 0 : i32
    %c0_i32_0 = arith.constant 0 : i32
    return %arg0, %c0_i32 : i32, i32
  }
  func.func @transform_4(%arg0: i32) -> (i32, i32) {
    %c0_i32 = arith.constant 0 : i32
    %c0_i32_0 = arith.constant 0 : i32
    return %arg0, %c0_i32 : i32, i32
  }
}

module attributes {stable_mosaic.version = 14 : i64} {
  func.func @_lin2_body(%arg0: i32, %arg1: memref<2x400x128xf32, #tpu.memory_space<vmem>>, %arg2: memref<400x128xf32, #tpu.memory_space<vmem>>, %arg3: memref<400x1xf32, #tpu.memory_space<vmem>>, %arg4: memref<128x128xf32, #tpu.memory_space<vmem>>, %arg5: memref<1x128xf32, #tpu.memory_space<vmem>>, %arg6: memref<400x128xf32, #tpu.memory_space<vmem>>) attributes {dimension_semantics = [#tpu.dimension_semantics<arbitrary>], iteration_bounds = array<i64: 25>, scalar_prefetch = 0 : i64, scratch_operands = 0 : i64, tpu.core_type = #tpu.core_type<tc>, window_params = [{transform_indices = @transform_0, window_bounds = array<i64: 2, 400, 128>}, {transform_indices = @transform_1, window_bounds = array<i64: 400, 128>}, {transform_indices = @transform_2, window_bounds = array<i64: 400, 1>}, {pipeline_mode = #tpu.pipeline_mode<synchronous>, transform_indices = @transform_3, window_bounds = array<i64: 128, 128>}, {pipeline_mode = #tpu.pipeline_mode<synchronous>, transform_indices = @transform_4, window_bounds = array<i64: 1, 128>}, {transform_indices = @transform_5, window_bounds = array<i64: 400, 128>}]} {
    %get3A = arith.constant 0 : index
    %get3A_0 = arith.constant 0 : index
    %get3A_1 = vector.load %arg3[%get3A, %get3A_0] : memref<400x1xf32, #tpu.memory_space<vmem>>, vector<400x1xf32>
    %get3A_2 = arith.constant 0 : index
    %get3A_3 = arith.constant 0 : index
    %get3A_4 = arith.constant 0 : index
    %get3A_5 = vector.load %arg1[%get3A_2, %get3A_3, %get3A_4] : memref<2x400x128xf32, #tpu.memory_space<vmem>>, vector<1x400x128xf32>
    %get3A_6 = vector.shape_cast %get3A_5 : vector<1x400x128xf32> to vector<400x128xf32>
    %get3A_7 = arith.constant 1 : index
    %get3A_8 = arith.constant 0 : index
    %get3A_9 = arith.constant 0 : index
    %get3A_10 = vector.load %arg1[%get3A_7, %get3A_8, %get3A_9] : memref<2x400x128xf32, #tpu.memory_space<vmem>>, vector<1x400x128xf32>
    %get3A_11 = vector.shape_cast %get3A_10 : vector<1x400x128xf32> to vector<400x128xf32>
    %add3A = arith.addf %get3A_6, %get3A_11 : vector<400x128xf32>
    %get3A_12 = arith.constant 0 : index
    %get3A_13 = arith.constant 0 : index
    %get3A_14 = vector.load %arg2[%get3A_12, %get3A_13] : memref<400x128xf32, #tpu.memory_space<vmem>>, vector<400x128xf32>
    %add3A_15 = arith.addf %add3A, %get3A_14 : vector<400x128xf32>
    %mul3A = vector.broadcast %get3A_1 : vector<400x1xf32> to vector<400x128xf32>
    %mul3A_16 = arith.mulf %add3A_15, %mul3A : vector<400x128xf32>
    %gt3A = arith.constant 0.000000e+00 : f32
    %gt3A_17 = vector.broadcast %gt3A : f32 to vector<400x128xf32>
    %gt3A_18 = arith.cmpf ogt, %mul3A_16, %gt3A_17 : vector<400x128xf32>
    %exp3A = math.exp %mul3A_16 : vector<400x128xf32>
    %sub3A = arith.constant 1.000000e+00 : f32
    %sub3A_19 = vector.broadcast %sub3A : f32 to vector<400x128xf32>
    %sub3A_20 = arith.subf %exp3A, %sub3A_19 : vector<400x128xf32>
    %select_n3A = arith.select %gt3A_18, %mul3A_16, %sub3A_20 : vector<400x128xi1>, vector<400x128xf32>
    %get3A_21 = arith.constant 0 : index
    %get3A_22 = arith.constant 0 : index
    %get3A_23 = vector.load %arg4[%get3A_21, %get3A_22] : memref<128x128xf32, #tpu.memory_space<vmem>>, vector<128x128xf32>
    %dot_general3A = arith.constant dense<0.000000e+00> : vector<400x128xf32>
    %dot_general3A_24 = tpu.matmul %select_n3A, %get3A_23, %dot_general3A {dimension_numbers = #tpu.dot_dimension_numbers<[1], [0], [0], [1], [0, 0, 1, 1], [], []>, transpose_lhs_hint = false} : vector<400x128xf32>, vector<128x128xf32>, vector<400x128xf32> -> vector<400x128xf32>
    %get3A_25 = arith.constant 0 : index
    %get3A_26 = arith.constant 0 : index
    %get3A_27 = vector.load %arg5[%get3A_25, %get3A_26] : memref<1x128xf32, #tpu.memory_space<vmem>>, vector<1x128xf32>
    %add3A_28 = vector.broadcast %get3A_27 : vector<1x128xf32> to vector<400x128xf32>
    %add3A_29 = arith.addf %dot_general3A_24, %add3A_28 : vector<400x128xf32>
    %mul3A_30 = vector.broadcast %get3A_1 : vector<400x1xf32> to vector<400x128xf32>
    %mul3A_31 = arith.mulf %add3A_29, %mul3A_30 : vector<400x128xf32>
    %swap3A = arith.constant 0 : index
    %swap3A_32 = arith.constant 0 : index
    %swap3A_33 = vector.load %arg6[%swap3A, %swap3A_32] : memref<400x128xf32, #tpu.memory_space<vmem>>, vector<400x128xf32>
    tpu.vector_store %arg6[%swap3A, %swap3A_32], %mul3A_31 {strides = array<i32>} : memref<400x128xf32, #tpu.memory_space<vmem>>, vector<400x128xf32>,
    return
  }
  func.func @transform_0(%arg0: i32) -> (i32, i32, i32) {
    %c0_i32 = arith.constant 0 : i32
    %c0_i32_0 = arith.constant 0 : i32
    %c0_i32_1 = arith.constant 0 : i32
    return %c0_i32, %arg0, %c0_i32_0 : i32, i32, i32
  }
  func.func @transform_1(%arg0: i32) -> (i32, i32) {
    %c0_i32 = arith.constant 0 : i32
    %c0_i32_0 = arith.constant 0 : i32
    return %arg0, %c0_i32 : i32, i32
  }
  func.func @transform_2(%arg0: i32) -> (i32, i32) {
    %c0_i32 = arith.constant 0 : i32
    %c0_i32_0 = arith.constant 0 : i32
    return %arg0, %c0_i32 : i32, i32
  }
  func.func @transform_3(%arg0: i32) -> (i32, i32) {
    %c0_i32 = arith.constant 0 : i32
    %c0_i32_0 = arith.constant 0 : i32
    %c0_i32_1 = arith.constant 0 : i32
    return %c0_i32, %c0_i32_0 : i32, i32
  }
  func.func @transform_4(%arg0: i32) -> (i32, i32) {
    %c0_i32 = arith.constant 0 : i32
    %c0_i32_0 = arith.constant 0 : i32
    %c0_i32_1 = arith.constant 0 : i32
    return %c0_i32, %c0_i32_0 : i32, i32
  }
  func.func @transform_5(%arg0: i32) -> (i32, i32) {
    %c0_i32 = arith.constant 0 : i32
    %c0_i32_0 = arith.constant 0 : i32
    return %arg0, %c0_i32 : i32, i32
  }
}

module attributes {stable_mosaic.version = 14 : i64} {
  func.func @_out_body(%arg0: i32, %arg1: memref<2x400x128xf32, #tpu.memory_space<vmem>>, %arg2: memref<400x128xf32, #tpu.memory_space<vmem>>, %arg3: memref<400x1xf32, #tpu.memory_space<vmem>>, %arg4: memref<400x128xf32, #tpu.memory_space<vmem>>) attributes {dimension_semantics = [#tpu.dimension_semantics<arbitrary>], iteration_bounds = array<i64: 25>, scalar_prefetch = 0 : i64, scratch_operands = 0 : i64, tpu.core_type = #tpu.core_type<tc>, window_params = [{transform_indices = @transform_0, window_bounds = array<i64: 2, 400, 128>}, {transform_indices = @transform_1, window_bounds = array<i64: 400, 128>}, {transform_indices = @transform_2, window_bounds = array<i64: 400, 1>}, {transform_indices = @transform_3, window_bounds = array<i64: 400, 128>}]} {
    %get3A = arith.constant 0 : index
    %get3A_0 = arith.constant 0 : index
    %get3A_1 = arith.constant 0 : index
    %get3A_2 = vector.load %arg1[%get3A, %get3A_0, %get3A_1] : memref<2x400x128xf32, #tpu.memory_space<vmem>>, vector<1x400x128xf32>
    %get3A_3 = vector.shape_cast %get3A_2 : vector<1x400x128xf32> to vector<400x128xf32>
    %get3A_4 = arith.constant 1 : index
    %get3A_5 = arith.constant 0 : index
    %get3A_6 = arith.constant 0 : index
    %get3A_7 = vector.load %arg1[%get3A_4, %get3A_5, %get3A_6] : memref<2x400x128xf32, #tpu.memory_space<vmem>>, vector<1x400x128xf32>
    %get3A_8 = vector.shape_cast %get3A_7 : vector<1x400x128xf32> to vector<400x128xf32>
    %add3A = arith.addf %get3A_3, %get3A_8 : vector<400x128xf32>
    %get3A_9 = arith.constant 0 : index
    %get3A_10 = arith.constant 0 : index
    %get3A_11 = vector.load %arg2[%get3A_9, %get3A_10] : memref<400x128xf32, #tpu.memory_space<vmem>>, vector<400x128xf32>
    %add3A_12 = arith.addf %add3A, %get3A_11 : vector<400x128xf32>
    %get3A_13 = arith.constant 0 : index
    %get3A_14 = arith.constant 0 : index
    %get3A_15 = vector.load %arg3[%get3A_13, %get3A_14] : memref<400x1xf32, #tpu.memory_space<vmem>>, vector<400x1xf32>
    %mul3A = vector.broadcast %get3A_15 : vector<400x1xf32> to vector<400x128xf32>
    %mul3A_16 = arith.mulf %add3A_12, %mul3A : vector<400x128xf32>
    %gt3A = arith.constant 0.000000e+00 : f32
    %gt3A_17 = vector.broadcast %gt3A : f32 to vector<400x128xf32>
    %gt3A_18 = arith.cmpf ogt, %mul3A_16, %gt3A_17 : vector<400x128xf32>
    %exp3A = math.exp %mul3A_16 : vector<400x128xf32>
    %sub3A = arith.constant 1.000000e+00 : f32
    %sub3A_19 = vector.broadcast %sub3A : f32 to vector<400x128xf32>
    %sub3A_20 = arith.subf %exp3A, %sub3A_19 : vector<400x128xf32>
    %select_n3A = arith.select %gt3A_18, %mul3A_16, %sub3A_20 : vector<400x128xi1>, vector<400x128xf32>
    %swap3A = arith.constant 0 : index
    %swap3A_21 = arith.constant 0 : index
    %swap3A_22 = vector.load %arg4[%swap3A, %swap3A_21] : memref<400x128xf32, #tpu.memory_space<vmem>>, vector<400x128xf32>
    tpu.vector_store %arg4[%swap3A, %swap3A_21], %select_n3A {strides = array<i32>} : memref<400x128xf32, #tpu.memory_space<vmem>>, vector<400x128xf32>,
    return
  }
  func.func @transform_0(%arg0: i32) -> (i32, i32, i32) {
    %c0_i32 = arith.constant 0 : i32
    %c0_i32_0 = arith.constant 0 : i32
    %c0_i32_1 = arith.constant 0 : i32
    return %c0_i32, %arg0, %c0_i32_0 : i32, i32, i32
  }
  func.func @transform_1(%arg0: i32) -> (i32, i32) {
    %c0_i32 = arith.constant 0 : i32
    %c0_i32_0 = arith.constant 0 : i32
    return %arg0, %c0_i32 : i32, i32
  }
  func.func @transform_2(%arg0: i32) -> (i32, i32) {
    %c0_i32 = arith.constant 0 : i32
    %c0_i32_0 = arith.constant 0 : i32
    return %arg0, %c0_i32 : i32, i32
  }
  func.func @transform_3(%arg0: i32) -> (i32, i32) {
    %c0_i32 = arith.constant 0 : i32
    %c0_i32_0 = arith.constant 0 : i32
    return %arg0, %c0_i32 : i32, i32
  }
}

</mosaic_0001>

<sc_bundles>
// kernel: kernel.12.cloned.1.call-start
scs
__scs_entry_jumppad:
0x0: {  	(pc) =	sbr.rel $0x88, $3  }
0x1: {  	(tag) =	ssettag $0x0;
	lr =	simm.s32 $0x1  }
0x2: {  	[smem:$0x3F9B] =	sst lr;
	_ =	strace $0xD0000000  }
0x3: {  	_ = 	snop  }
0x4: {  	_ = 	snop  }
0x5: {  	_ = 	snop  }
0x6: {  	_ = 	snop  }
0x7: {  	_ = 	snop  }
__scs_overlays_trampoline_lowered:
0x8: {  	[smem:$0x3FAA] =	sst s0  }
0x9: {  	[smem:$0x3FAB] =	sst s1  }
0xa: {  	[smem:$0x3FAC] =	sst s2  }
0xb: {  	[smem:$0x3FAD] =	sst s3  }
0xc: {  	[smem:$0x3FAE] =	sst s4  }
0xd: {  	[smem:$0x3FAF] =	sst s5  }
0xe: {  	[smem:$0x3FB0] =	sst s6  }
0xf: {  	[smem:$0x3FB1] =	sst s7  }
0x10: {  	[smem:$0x3FB2] =	sst s8  }
0x11: {  	[smem:$0x3FB3] =	sst s9;
	s0 =	simm.s32 @!p0 $0x0  }
0x12: {  	s1 =	sld [smem:$0x3F99];
	s0 =	simm.s32 @p0 $0x1  }
0x13: {  	[smem:$0x3FB4] =	sst s0;
	s0 =	simm.s32 @!p1 $0x0  }
0x14: {  	s2 =	sld [smem:$0x3F98];
	s0 =	simm.s32 @p1 $0x1  }
0x15: {  	[smem:$0x3FB5] =	sst s0;
	s0 =	simm.s32 @!p2 $0x0  }
0x16: {  	s3 =	sld [smem:$0x3FDB];
	s0 =	simm.s32 @p2 $0x1  }
0x17: {  	s4 =	simm.s32 $0x1BF5;
	[smem:$0x3FB7] =	sst s0  }
0x18: {  	s0 =	sld [smem:$0x3F9A];
	_ =	swait.ge [sflag:s4], $0x0  }
0x19: {  	s7 =	sld [smem:$0x3F9B]  }
0x1a: {  	s8 =	sadd.s32 $0xFFFFE003, lr  }
0x1b: {  	s9 =	sadd.s32 $0xFFFFFEF7, lr;
	s5 =	simm.s32 $0xFFFFFFFF;
	p2 =	slt.u32 s8, $0xFFFFF086  }
0x1c: {  	p1 =	slt.u32 s9, $0xF7A;
	s5 =	simm.s32 @!p2 $0x0  }
0x1d: {  	s5 =	simm.s32 @p1 $0x1;
	p0 =	seq.s32 s7, s2  }
0x1e: {  	s7 =	smul.u32 @!p0 $0xF7A, s2;
	p2 =	seq.s32 @!p0 s5, $0x0  }
0x1f: {  	s9 =	smul.u32 $0xF7A, s1;
	s8 =	simm.s32 @!p0 $0x1BF5;
	p2 =	por !p2, p0  }
0x20: {  	[sflag:s8] =	ssyncset.s32 @!p0 $0xFFFFF086;
	s6 =	sadd.s32 @!p0 s3, s7;
	s7 =	simm.s32 @!p0 $0x108  }
0x21: {  	s3 =	sadd.s32 s3, s9;
	s6 =	sadd.s32 @!p0 $0x88, s6;
	s7 =	simm.s32 @p2 $0x1082  }
0x22: {  	[simem:s7], [sflag:s8] =	dma.local @!p0 [hbm:s6], $0xF7A  }
0x23: {  	s9 =	sor.u32 $0xD0000000, s2;
	s6 =	simm.s32 $0x108;
	_ =	swait.ge @!p0 [sflag:s8], $0x0  }
0x24: {  	s3 =	sadd.s32 $0x88, s3;
	s6 =	simm.s32 @!p1 $0x1082;
	[sflag:s4] =	ssyncset.s32 $0xFFFFF086  }
0x25: {  	[simem:s6], [sflag:s4] =	dma.local [hbm:s3], $0xF7A  }
0x26: {  	[smem:$0x3F9B] =	sst s1;
	(tag) =	ssettag s2;
	_ =	strace s9  }
0x27: {  	s1 =	sld [smem:$0x3FAB]  }
0x28: {  	s2 =	sld [smem:$0x3FAC]  }
0x29: {  	s4 =	sld [smem:$0x3FAE]  }
0x2a: {  	p0 =	seq.s32 s5, $0x0;
	s5 =	sld [smem:$0x3FAF]  }
0x2b: {  	s6 =	sld [smem:$0x3FB0]  }
0x2c: {  	s7 =	sld [smem:$0x3FB1]  }
0x2d: {  	s3 =	simm.s32 $0x108;
	s8 =	sld [smem:$0x3FB2]  }
0x2e: {  	s3 =	simm.s32 @!p0 $0x1082;
	s9 =	sld [smem:$0x3FB3]  }
0x2f: {  	lr =	sadd.s32 s0, s3;
	s0 =	sld [smem:$0x3FAA]  }
0x30: {  	s3 =	sld [smem:$0x3FAD]  }
0x31: {  	[smem:$0x3FB6] =	sst s10  }
0x32: {  	s10 =	sld [smem:$0x3FB4];
	_ =	sdelay $0x3  }
0x33: {  	p0 =	seq.s32 s10, $0x1;
	s10 =	sld [smem:$0x3FB6];
	_ =	sdelay $0x3  }
0x34: {  	[smem:$0x3FB6] =	sst s10  }
0x35: {  	s10 =	sld [smem:$0x3FB5];
	_ =	sdelay $0x3  }
0x36: {  	p1 =	seq.s32 s10, $0x1;
	s10 =	sld [smem:$0x3FB6];
	_ =	sdelay $0x3  }
0x37: {  	[smem:$0x3FB6] =	sst s10  }
0x38: {  	s10 =	sld [smem:$0x3FB7]  }
0x39: {  	_ = 	snop;
	(pc) =	sbr.ind lr, $3  }
0x3a: {  	_ = 	snop  }
0x3b: {  	_ = 	snop  }
0x3c: {  	p2 =	seq.s32 s10, $0x1;
	s10 =	sld [smem:$0x3FB6]  }
0x3d: {  	_ =	shalt  }
0x3e: {  	_ =	shalt  }
0x3f: {  	_ =	shalt  }
0x40: {  	_ =	shalt  }
0x41: {  	_ =	shalt  }
0x42: {  	_ =	shalt  }
0x43: {  	_ =	shalt  }
0x44: {  	_ =	shalt  }
0x45: {  	_ =	shalt  }
0x46: {  	_ =	shalt  }
0x47: {  	_ =	shalt  }
0x48: {  	_ =	shalt  }
0x49: {  	_ =	shalt  }
0x4a: {  	_ =	shalt  }
0x4b: {  	_ =	shalt  }
0x4c: {  	_ =	shalt  }
0x4d: {  	_ =	shalt  }
0x4e: {  	_ =	shalt  }
0x4f: {  	_ =	shalt  }
0x50: {  	_ =	shalt  }
0x51: {  	_ =	shalt  }
0x52: {  	_ =	shalt  }
0x53: {  	_ =	shalt  }
0x54: {  	_ =	shalt  }
0x55: {  	_ =	shalt  }
0x56: {  	_ =	shalt  }
0x57: {  	_ =	shalt  }
0x58: {  	_ =	shalt  }
0x59: {  	_ =	shalt  }
0x5a: {  	_ =	shalt  }
0x5b: {  	_ =	shalt  }
0x5c: {  	_ =	shalt  }
0x5d: {  	_ =	shalt  }
0x5e: {  	_ =	shalt  }
0x5f: {  	_ =	shalt  }
0x60: {  	_ =	shalt  }
0x61: {  	_ =	shalt  }
0x62: {  	_ =	shalt  }
0x63: {  	_ =	shalt  }
0x64: {  	_ =	shalt  }
0x65: {  	_ =	shalt  }
0x66: {  	_ =	shalt  }
0x67: {  	_ =	shalt  }
0x68: {  	_ =	shalt  }
0x69: {  	_ =	shalt  }
0x6a: {  	_ =	shalt  }
0x6b: {  	_ =	shalt  }
0x6c: {  	_ =	shalt  }
0x6d: {  	_ =	shalt  }
0x6e: {  	_ =	shalt  }
0x6f: {  	_ =	shalt  }
0x70: {  	_ =	shalt  }
0x71: {  	_ =	shalt  }
0x72: {  	_ =	shalt  }
0x73: {  	_ =	shalt  }
0x74: {  	_ =	shalt  }
0x75: {  	_ =	shalt  }
0x76: {  	_ =	shalt  }
0x77: {  	_ =	shalt  }
0x78: {  	_ =	shalt  }
0x79: {  	_ =	shalt  }
0x7a: {  	_ =	shalt  }
0x7b: {  	_ =	shalt  }
0x7c: {  	_ =	shalt  }
0x7d: {  	_ =	shalt  }
0x7e: {  	_ =	shalt  }
0x7f: {  	_ =	shalt  }
0x80: {  	_ =	shalt  }
0x81: {  	_ =	shalt  }
0x82: {  	_ =	shalt  }
0x83: {  	_ =	shalt  }
0x84: {  	_ =	shalt  }
0x85: {  	_ =	shalt  }
0x86: {  	_ =	shalt  }
0x87: {  	_ =	shalt  }
.Lfunc_end0:
.L_simem_size_0:
called_computation.1_lowered:
.L_overlay_start_0:
0x88: {  	s2 =	sld [smem:$0x3FD9]  }
0x89: {  	s3 =	sld [smem:$0x3FFE];
	_ =	sdelay $0x1  }
0x8a: {  	s1 =	srdreg.scid  }
0x8b: {  	s0 =	sand.u32 $0x1, s1  }
0x8c: {  	s17 =	sshll.u32 s0, $0xA;
	s2 =	sadd.s32 s3, s2  }
0x8d: {  	s2 =	sadd.s32 s2, s17  }
0x8e: {  	[smem:$0x3FC2] =	sst s2  }
0x8f: {  	_ = 	snop  }
0x90: {  	s2 =	sld [smem:$0x3FD0];
	(tm) =	ssettm $0x1  }
0x91: {  	s18 =	sld [smem:$0x3FFB];
	_ =	sdelay $0x3  }
0x92: {  	_ =	strace s18  }
0x93: {  	s3 =	sld [smem:$0x3FFC];
	_ =	sdelay $0x3  }
0x94: {  	_ =	strace s3  }
0x95: {  	s3 =	sld [smem:$0x3FFD];
	_ =	sdelay $0x3  }
0x96: {  	_ =	strace s3  }
0x97: {  	_ =	strace $0x8FFFFFFF  }
0x98: {  	s19 =	sld [smem:$0x3FDB];
	_ =	sdelay $0x1  }
0x99: {  	s4 =	simm.s32 $_scs_section_size  }
0x9a: {  	s5 =	simm.s32 $_size__tile_overlayer_lowered;
	s6 =	simm.s32 $_tile_overlayer_lowered  }
0x9b: {  	s22 =	simm.s32 $0x1BFF;
	s21 =	sshll.u32 s6, $0x1;
	s3 =	sadd.s32 s4, s19  }
0x9c: {  	s7 =	simm.s32 $0x0;
	s20 =	sshll.u32 s5, $0x1;
	s5 =	sadd.s32 s21, s3  }
0x9d: {  	[timem:s7], [sflag:s22] =	dma.local [hbm:s5], s20  }
0x9e: {  	_ =	swait.ge [sflag:s22], s20  }
0x9f: {  	s4 =	ssub.s32 $0x0, s20;
	[sflag:s22] =	ssyncset.done $0x0  }
0xa0: {  	[sflag:s22] =	ssyncadd.s32 s4;
	_ =	sdelay $0x1  }
0xa1: {  	s23 =	simm.s32 $0x1B8B  }
0xa2: {  	_ =	swait.ge [sflag:s23], $0x1  }
0xa3: {  	[sflag:s23] =	ssyncset.done $0x0  }
0xa4: {  	s25 =	simm.s32 $0x1B8E;
	s24 =	sld [smem:$0x3FFE];
	[sflag:s23] =	ssyncadd.s32 $0xFFFFFFFF  }
0xa5: {  	s26 =	simm.s32 $execute0_lowered;
	[smem:$0x3FD2] =	sst s25  }
0xa6: {  	s5 =	sshll.u32 s26, $0x1;
	_ =	strace $0x80000049;
	[dreg:$0x1] =	wrdreg $0xFFFFFFFF  }
0xa7: {  	s28 =	simm.s32 $_size_execute0_lowered;
	s3 =	sadd.s32 s3, s5;
	[dreg:$0x0] =	wrdreg $0x0  }
0xa8: {  	s5 =	sshll.u32 s28, $0x1;
	[dreg:$0x2] =	wrdreg s3  }
0xa9: {  	[dreg:$0x3] =	wrdreg s5  }
0xaa: {  	[dreg:$0x4] =	wrdreg $0xC0  }
0xab: {  	_ =	task [dreg:s7], $0x5FFFF  }
0xac: {  	[dreg:$0x1] =	wrdreg $0xFFFFFFFF  }
0xad: {  	[dreg:$0x0] =	wrdreg $0x60  }
0xae: {  	[dreg:$0x2] =	wrdreg s2  }
0xaf: {  	[dreg:$0x3] =	wrdreg s24  }
0xb0: {  	[dreg:$0x4] =	wrdreg $0xAA000  }
0xb1: {  	[dreg:$0x5] =	wrdreg $0x9  }
0xb2: {  	_ =	task.clear_ibuf [dreg:s7], $0x6FFFF;
	_ =	strace $0x90000049  }
0xb3: {  	s29 =	simm.s32 $0x9;
	_ =	strace $0x8000004B  }
0xb4: {  	_ =	swait.ge [sflag:s29], $0x1  }
0xb5: {  	[sflag:s29] =	ssyncadd.s32 $0xFFFFFFFF  }
0xb6: {  	_ =	strace $0x9000004B  }
0xb7: {  	_ =	sfence  }
0xb8: {  	s30 =	sld [smem:$0x0];
	_ =	sdelay $0x2  }
0xb9: {  	s31 =	sshll.u32 s1, $0xD;
	s1 =	sshrl.u32 s1, $0x2  }
0xba: {  	s3 =	sand.u32 $0x4000, s31;
	s1 =	sadd.s32 s1, s30  }
0xbb: {  	s0 =	sor.u32 s3, s0;
	s1 =	sshll.u32 s1, $0x11  }
0xbc: {  	s0 =	sor.u32 s1, s0  }
0xbd: {  	s0 =	sadd.s32 $0x8F2B, s0  }
0xbe: {  	[sflag:s0] =	ssyncadd.remote.s32 $0x1  }
0xbf: {  	_ =	sfence.sel $0xFFFF  }
0xc0: {  	[dreg:$0x0] =	wrdreg $0xFFFFFFFF;
	(pc) =	sbr.abs _section_cstart, $3  }
0xc1: {  	[dreg:$0x1] =	wrdreg $0xFFFFFFFF  }
0xc2: {  	_ =	task.clear_ibuf [dreg:s7], $0x2FFFF;
	_ =	strace $0x9FFFFFFF  }
0xc3: {  	(tm) =	ssettm $0x7FFFFFFF  }
tec
execute0_lowered:
.L_overlay_start_1:
0x0: {  	(tag) =	ssettag $0x1  }
0x1: {  	s1 =	rddreg [dreg:$0x0]  }
0x2: {  	s0 =	srdreg.scid;
	s6 =	rddreg [dreg:$0x1]  }
0x3: {  	s3 =	rddreg [dreg:$0x2];
	s4 =	simm.s32 $0x0;
	s13 =	simm.s32 $0x3  }
0x4: {  	s14 =	simm.s32 $0x80;
	s15 =	simm.s32 $0xA800;
	s16 =	simm.s32 $0xA880  }
0x5: {  	s17 =	simm.s32 $0x6800;
	s18 =	simm.s32 $0x1;
	s19 =	simm.s32 $0xA900  }
0x6: {  	s20 =	simm.s32 $0x2;
	s5 =	sand.u32 $0x1, s0;
	s0 =	stileid.u32  }
0x7: {  	s21 =	simm.s32 $0xA980;
	[smem:$0x7FF] =	sst s4;
	s8 =	smul.u32 $0x4F000, s0  }
0x8: {  	s2 =	sshll.u32 s5, $0x4;
	s9 =	smul.u32 $0x27800, s5;
	s29 =	ssub.s32 $0x2, s5  }
0x9: {  	s23 =	smul.u32 $0x2780, s0;
	s7 =	sor.u32 s0, s2;
	s2 =	rddreg [dreg:$0x3]  }
0xa: {  	_ =	strace $0x8000004A;
	s31 =	sshrl.u32 s29, $0x1;
	s7 =	smul.u32 $0x500, s7  }
0xb: {  	s30 =	sshrl.u32 s8, $0x2;
	s11 =	sadd.s32 s9, s6;
	s12 =	ssub.s32 s29, s31  }
0xc: {  	s5 =	sadd.s32 s30, s3;
	s22 =	sadd.s32 $0xC600, s11;
	s11 =	smax.u32 s12, $0x1  }
0xd: {  	s12 =	simm.s32 $0x2800;
	s10 =	sadd.s32 s7, s6;
	s6 =	sadd.s32 $0x4000, s5  }
0xe: {  	s7 =	sadd.s32 $0x8000, s5;
	s8 =	sadd.s32 $0xC000, s5;
	s9 =	sadd.s32 $0x10000, s5  }
0xf: {  	v0 =	vimm.f32 $0.0e+00;
	s22 =	sadd.s32 s23, s22;
	s23 =	simm.s32 $0x0;
	s10 =	sadd.s32 $0x2600, s10  }
.LBB2_1:
0x10: {  	s24 =	simm.s32 $0x0;
	s25 =	simm.s32 $0x200  }
.LBB2_2:
0x11: {  	p0 =	sne.s32 s25, $0xFE00;
	[tilespmem:s24+$0x2870] =	vst v0  }
0x12: {  	[tilespmem:s24+$0x2800] =	vst v0  }
0x13: {  	[tilespmem:s24+$0x2810] =	vst v0  }
.Ltmp0:
0x14: {  	[tilespmem:s24+$0x2820] =	vst v0;
	(pc) =	sbr.rel @p0 .LBB2_2-.Ltmp0, $4  }
0x15: {  	[tilespmem:s24+$0x2830] =	vst v0  }
0x16: {  	[tilespmem:s24+$0x2840] =	vst v0  }
0x17: {  	[tilespmem:s24+$0x2850] =	vst v0  }
0x18: {  	[tilespmem:s24+$0x2860] =	vst v0;
	s24 =	sshra.s32 s25, $0x2;
	s25 =	sadd.s32 $0x200, s25  }
0x19: {  	[tilespmem:s24+$0x2870] =	vst v0  }
0x1a: {  	[tilespmem:s24+$0x2800] =	vst v0  }
0x1b: {  	[tilespmem:s24+$0x2810] =	vst v0  }
0x1c: {  	[tilespmem:s24+$0x2820] =	vst v0  }
0x1d: {  	[tilespmem:s24+$0x2830] =	vst v0  }
0x1e: {  	[tilespmem:s24+$0x2840] =	vst v0  }
0x1f: {  	[tilespmem:s24+$0x2850] =	vst v0  }
0x20: {  	[tilespmem:s24+$0x2860] =	vst v0  }
0x21: {  	[spmem:s5] =	stream.linear.scatter [tilespmem:s12], [sflag:$0x3], $0x4000, $0x38;
	[tilespmem:$0x1E600] =	vst v63  }
0x22: {  	_ =	swait.ge [sflag:s13], $0x4000  }
0x23: {  	[sflag:s13] =	ssyncset.done $0x0  }
0x24: {  	[sflag:s13] =	ssyncadd.s32 $0xFFFFC000  }
0x25: {  	[spmem:s6] =	stream.linear.scatter [tilespmem:s12], [sflag:$0x3], $0x4000, $0x38;
	[tilespmem:$0x1E600] =	vst v63  }
0x26: {  	_ =	swait.ge [sflag:s13], $0x4000  }
0x27: {  	[sflag:s13] =	ssyncset.done $0x0  }
0x28: {  	[sflag:s13] =	ssyncadd.s32 $0xFFFFC000  }
0x29: {  	[spmem:s7] =	stream.linear.scatter [tilespmem:s12], [sflag:$0x3], $0x4000, $0x38;
	[tilespmem:$0x1E600] =	vst v63  }
0x2a: {  	_ =	swait.ge [sflag:s13], $0x4000  }
0x2b: {  	[sflag:s13] =	ssyncset.done $0x0  }
0x2c: {  	[sflag:s13] =	ssyncadd.s32 $0xFFFFC000  }
0x2d: {  	[spmem:s8] =	stream.linear.scatter [tilespmem:s12], [sflag:$0x3], $0x4000, $0x38;
	[tilespmem:$0x1E600] =	vst v63  }
0x2e: {  	_ =	swait.ge [sflag:s13], $0x4000  }
0x2f: {  	[sflag:s13] =	ssyncset.done $0x0  }
0x30: {  	[sflag:s13] =	ssyncadd.s32 $0xFFFFC000  }
0x31: {  	[spmem:s9] =	stream.linear.scatter [tilespmem:s12], [sflag:$0x3], $0x3C00, $0x38;
	[tilespmem:$0x1E600] =	vst v63  }
0x32: {  	_ =	swait.ge [sflag:s13], $0x3C00  }
0x33: {  	[sflag:s13] =	ssyncset.done $0x0  }
0x34: {  	[sflag:s13] =	ssyncadd.s32 $0xFFFFC400  }
0x35: {  	[bflag:$0x0] =	sbarrier.arrive $0xFFFF  }
0x36: {  	[tilespmem:s4], [sflag:$0x3] =	stream.linear.gather [hbm4b:s10+s4], $0x2800, $0x38;
	[tilespmem:$0x1E600] =	vst v63  }
0x37: {  	_ =	swait.ge [sflag:s13], $0x2800  }
0x38: {  	[sflag:s13] =	ssyncset.done $0x0  }
0x39: {  	[sflag:s13] =	ssyncadd.s32 $0xFFFFD800  }
0x3a: {  	v1 =	vld [tilespmem:$0x0];
	_ =	sdelay $0x1  }
0x3b: {  	v2 =	vld [tilespmem:$0x10];
	_ =	sdelay $0x1  }
0x3c: {  	v3 =	vld [tilespmem:$0x20]  }
0x3d: {  	v4 =	vand.u32 $0xFFFF, v1  }
0x3e: {  	v59 =	vld [tilespmem:$0x30];
	v1 =	vshrl.u32 v1, $0x10;
	[tilespmem:$0xA800] =	vst v4  }
0x3f: {  	[tilespmem:$0xA900] =	vst v1;
	v1 =	vand.u32 $0xFFFF, v2  }
0x40: {  	[tilespmem:$0xA810] =	vst v1;
	v1 =	vshrl.u32 v2, $0x10;
	v2 =	vld [tilespmem:$0x40]  }
0x41: {  	[tilespmem:$0xA910] =	vst v1;
	v1 =	vand.u32 $0xFFFF, v3  }
0x42: {  	[tilespmem:$0xA820] =	vst v1;
	v1 =	vshrl.u32 v3, $0x10;
	v3 =	vld [tilespmem:$0x50]  }
0x43: {  	[tilespmem:$0xA920] =	vst v1;
	v1 =	vand.u32 $0xFFFF, v59  }
0x44: {  	v60 =	vld [tilespmem:$0x60];
	[tilespmem:$0xA830] =	vst v1;
	v1 =	vshrl.u32 v59, $0x10  }
0x45: {  	[tilespmem:$0xA930] =	vst v1;
	v1 =	vand.u32 $0xFFFF, v2  }
0x46: {  	[tilespmem:$0xA840] =	vst v1;
	v1 =	vshrl.u32 v2, $0x10;
	v2 =	vld [tilespmem:$0x70]  }
0x47: {  	[tilespmem:$0xA940] =	vst v1;
	v1 =	vand.u32 $0xFFFF, v3  }
0x48: {  	[tilespmem:$0xA850] =	vst v1;
	v1 =	vshrl.u32 v3, $0x10;
	v3 =	vld [tilespmem:$0x80]  }
0x49: {  	[tilespmem:$0xA950] =	vst v1;
	v1 =	vand.u32 $0xFFFF, v60  }
0x4a: {  	v61 =	vld [tilespmem:$0x90];
	[tilespmem:$0xA860] =	vst v1;
	v1 =	vshrl.u32 v60, $0x10  }
0x4b: {  	[tilespmem:$0xA960] =	vst v1;
	v1 =	vand.u32 $0xFFFF, v2  }
0x4c: {  	[tilespmem:$0xA870] =	vst v1;
	v1 =	vshrl.u32 v2, $0x10;
	v2 =	vld [tilespmem:$0xA0]  }
0x4d: {  	[tilespmem:$0xA970] =	vst v1;
	v1 =	vand.u32 $0xFFFF, v3  }
0x4e: {  	[tilespmem:$0xA880] =	vst v1;
	v1 =	vshrl.u32 v3, $0x10;
	v3 =	vld [tilespmem:$0xB0]  }
0x4f: {  	[tilespmem:$0xA980] =	vst v1;
	v1 =	vand.u32 $0xFFFF, v61  }
0x50: {  	v62 =	vld [tilespmem:$0xC0];
	[tilespmem:$0xA890] =	vst v1;
	v1 =	vshrl.u32 v61, $0x10  }
0x51: {  	[tilespmem:$0xA990] =	vst v1;
	v1 =	vand.u32 $0xFFFF, v2  }
0x52: {  	[tilespmem:$0xA8A0] =	vst v1;
	v1 =	vshrl.u32 v2, $0x10;
	v2 =	vld [tilespmem:$0xD0]  }
0x53: {  	[tilespmem:$0xA9A0] =	vst v1;
	v1 =	vand.u32 $0xFFFF, v3  }
0x54: {  	[tilespmem:$0xA8B0] =	vst v1;
	v1 =	vshrl.u32 v3, $0x10;
	v3 =	vld [tilespmem:$0xE0]  }
0x55: {  	[tilespmem:$0xA9B0] =	vst v1;
	v1 =	vand.u32 $0xFFFF, v62  }
0x56: {  	v63 =	vld [tilespmem:$0xF0];
	[tilespmem:$0xA8C0] =	vst v1;
	v1 =	vshrl.u32 v62, $0x10  }
0x57: {  	[tilespmem:$0xA9C0] =	vst v1;
	v1 =	vand.u32 $0xFFFF, v2  }
0x58: {  	[tilespmem:$0xA8D0] =	vst v1;
	v1 =	vshrl.u32 v2, $0x10  }
0x59: {  	[tilespmem:$0xA9D0] =	vst v1;
	v1 =	vand.u32 $0xFFFF, v3  }
0x5a: {  	[tilespmem:$0xA8E0] =	vst v1;
	v1 =	vshrl.u32 v3, $0x10  }
0x5b: {  	[tilespmem:$0xA9E0] =	vst v1;
	v1 =	vand.u32 $0xFFFF, v63  }
0x5c: {  	[tilespmem:$0xA8F0] =	vst v1;
	v1 =	vshrl.u32 v63, $0x10  }
0x5d: {  	[tilespmem:$0xA9F0] =	vst v1  }
0x5e: {  	[tilespmem:s12], [sflag:$0x1] =	stream.indirect.gather [hbm4b:s1+s14], $0x80, s15, s14, $0xb8;
	[tilespmem:$0x1E600] =	vst v63  }
0x5f: {  	_ = 	snop  }
0x60: {  	[tilespmem:s17], [sflag:$0x2] =	stream.indirect.gather [hbm4b:s1+s14], $0x80, s16, s14, $0xb8;
	[tilespmem:$0x1E600] =	vst v63  }
0x61: {  	_ =	swait.ge [sflag:s18], $0x4000  }
0x62: {  	[sflag:s18] =	ssyncset.done $0x0  }
0x63: {  	[sflag:s18] =	ssyncadd.s32 $0xFFFFC000  }
0x64: {  	[spmem:s3] =	stream.indirect.scatter.add.f32 [tilespmem:s12], [sflag:$0x3], $0x80, s19, s14, $0xb8;
	[tilespmem:$0x1E600] =	vst v63  }
0x65: {  	_ =	swait.ge [sflag:s13], $0x4000  }
0x66: {  	[sflag:s13] =	ssyncset.done $0x0  }
0x67: {  	s24 =	simm.s32 $0x1F0;
	[sflag:s13] =	ssyncadd.s32 $0xFFFFC000  }
0x68: {  	v1 =	vld [tilespmem:s24+$0xFFFFFF10];
	_ =	sdelay $0x4  }
0x69: {  	v2 =	vand.u32 $0xFFFF, v1  }
0x6a: {  	v1 =	vshrl.u32 v1, $0x10;
	[tilespmem:$0xA800] =	vst v2  }
0x6b: {  	[tilespmem:$0xA900] =	vst v1  }
0x6c: {  	v1 =	vld [tilespmem:s24+$0xFFFFFF20];
	_ =	sdelay $0x4  }
0x6d: {  	v2 =	vand.u32 $0xFFFF, v1  }
0x6e: {  	v1 =	vshrl.u32 v1, $0x10;
	[tilespmem:$0xA810] =	vst v2  }
0x6f: {  	[tilespmem:$0xA910] =	vst v1  }
0x70: {  	v1 =	vld [tilespmem:s24+$0xFFFFFF30];
	_ =	sdelay $0x4  }
0x71: {  	v2 =	vand.u32 $0xFFFF, v1  }
0x72: {  	v1 =	vshrl.u32 v1, $0x10;
	[tilespmem:$0xA820] =	vst v2  }
0x73: {  	[tilespmem:$0xA920] =	vst v1  }
0x74: {  	v1 =	vld [tilespmem:s24+$0xFFFFFF40];
	_ =	sdelay $0x4  }
0x75: {  	v2 =	vand.u32 $0xFFFF, v1  }
0x76: {  	v1 =	vshrl.u32 v1, $0x10;
	[tilespmem:$0xA830] =	vst v2  }
0x77: {  	[tilespmem:$0xA930] =	vst v1  }
0x78: {  	v1 =	vld [tilespmem:s24+$0xFFFFFF50];
	_ =	sdelay $0x4  }
0x79: {  	v2 =	vand.u32 $0xFFFF, v1  }
0x7a: {  	v1 =	vshrl.u32 v1, $0x10;
	[tilespmem:$0xA840] =	vst v2  }
0x7b: {  	[tilespmem:$0xA940] =	vst v1  }
0x7c: {  	v1 =	vld [tilespmem:s24+$0xFFFFFF60];
	_ =	sdelay $0x4  }
0x7d: {  	v2 =	vand.u32 $0xFFFF, v1  }
0x7e: {  	v1 =	vshrl.u32 v1, $0x10;
	[tilespmem:$0xA850] =	vst v2  }
0x7f: {  	[tilespmem:$0xA950] =	vst v1  }
0x80: {  	v1 =	vld [tilespmem:s24+$0xFFFFFF70];
	_ =	sdelay $0x4  }
0x81: {  	v2 =	vand.u32 $0xFFFF, v1  }
0x82: {  	v1 =	vshrl.u32 v1, $0x10;
	[tilespmem:$0xA860] =	vst v2  }
0x83: {  	[tilespmem:$0xA960] =	vst v1  }
0x84: {  	v1 =	vld [tilespmem:s24+$0xFFFFFF80];
	_ =	sdelay $0x4  }
0x85: {  	v2 =	vand.u32 $0xFFFF, v1  }
0x86: {  	v1 =	vshrl.u32 v1, $0x10;
	[tilespmem:$0xA870] =	vst v2  }
0x87: {  	[tilespmem:$0xA970] =	vst v1  }
0x88: {  	[tilespmem:s12], [sflag:$0x1] =	stream.indirect.gather [hbm4b:s1+s14], $0x80, s15, s14, $0xb8;
	[tilespmem:$0x1E600] =	vst v63  }
0x89: {  	_ =	swait.ge [sflag:s20], $0x4000  }
0x8a: {  	[sflag:s20] =	ssyncset.done $0x0  }
0x8b: {  	[sflag:s20] =	ssyncadd.s32 $0xFFFFC000  }
0x8c: {  	[spmem:s3] =	stream.indirect.scatter.add.f32 [tilespmem:s17], [sflag:$0x3], $0x80, s21, s14, $0xb8;
	[tilespmem:$0x1E600] =	vst v63  }
0x8d: {  	_ =	swait.ge [sflag:s13], $0x4000  }
0x8e: {  	[sflag:s13] =	ssyncset.done $0x0  }
0x8f: {  	[sflag:s13] =	ssyncadd.s32 $0xFFFFC000  }
0x90: {  	v1 =	vld [tilespmem:s24+$0xFFFFFF90];
	_ =	sdelay $0x4  }
0x91: {  	v2 =	vand.u32 $0xFFFF, v1  }
0x92: {  	v1 =	vshrl.u32 v1, $0x10;
	[tilespmem:$0xA880] =	vst v2  }
0x93: {  	[tilespmem:$0xA980] =	vst v1  }
0x94: {  	v1 =	vld [tilespmem:s24+$0xFFFFFFA0];
	_ =	sdelay $0x4  }
0x95: {  	v2 =	vand.u32 $0xFFFF, v1  }
0x96: {  	v1 =	vshrl.u32 v1, $0x10;
	[tilespmem:$0xA890] =	vst v2  }
0x97: {  	[tilespmem:$0xA990] =	vst v1  }
0x98: {  	v1 =	vld [tilespmem:s24+$0xFFFFFFB0];
	_ =	sdelay $0x4  }
0x99: {  	v2 =	vand.u32 $0xFFFF, v1  }
0x9a: {  	v1 =	vshrl.u32 v1, $0x10;
	[tilespmem:$0xA8A0] =	vst v2  }
0x9b: {  	[tilespmem:$0xA9A0] =	vst v1  }
0x9c: {  	v1 =	vld [tilespmem:s24+$0xFFFFFFC0];
	_ =	sdelay $0x4  }
0x9d: {  	v2 =	vand.u32 $0xFFFF, v1  }
0x9e: {  	v1 =	vshrl.u32 v1, $0x10;
	[tilespmem:$0xA8B0] =	vst v2  }
0x9f: {  	[tilespmem:$0xA9B0] =	vst v1  }
0xa0: {  	v1 =	vld [tilespmem:s24+$0xFFFFFFD0];
	_ =	sdelay $0x4  }
0xa1: {  	v2 =	vand.u32 $0xFFFF, v1  }
0xa2: {  	v1 =	vshrl.u32 v1, $0x10;
	[tilespmem:$0xA8C0] =	vst v2  }
0xa3: {  	[tilespmem:$0xA9C0] =	vst v1  }
0xa4: {  	v1 =	vld [tilespmem:s24+$0xFFFFFFE0];
	_ =	sdelay $0x4  }
0xa5: {  	v2 =	vand.u32 $0xFFFF, v1  }
0xa6: {  	v1 =	vshrl.u32 v1, $0x10;
	[tilespmem:$0xA8D0] =	vst v2  }
0xa7: {  	s25 =	simm.s32 $0xBC0;
	[tilespmem:$0xA9D0] =	vst v1  }
.LBB2_4:
0xa8: {  	p0 =	sne.s32 s25, $0x9FC0;
	v1 =	vld [tilespmem:s24+$0xFFFFFFF0];
	s26 =	smov.u32 s25;
	s25 =	sadd.s32 $0x400, s25  }
0xa9: {  	_ =	sdelay $0x3  }
0xaa: {  	v2 =	vand.u32 $0xFFFF, v1;
	v1 =	vshrl.u32 v1, $0x10  }
0xab: {  	[tilespmem:$0xA8E0] =	vst v2  }
0xac: {  	[tilespmem:$0xA9E0] =	vst v1  }
0xad: {  	v1 =	vld [tilespmem:s24+$0x0];
	_ =	sdelay $0x4  }
0xae: {  	v2 =	vand.u32 $0xFFFF, v1;
	v1 =	vshrl.u32 v1, $0x10  }
0xaf: {  	[tilespmem:$0xA8F0] =	vst v2  }
0xb0: {  	[tilespmem:$0xA9F0] =	vst v1  }
0xb1: {  	[tilespmem:s17], [sflag:$0x2] =	stream.indirect.gather [hbm4b:s1+s14], $0x80, s16, s14, $0xb8;
	[tilespmem:$0x1E600] =	vst v63  }
0xb2: {  	_ =	swait.ge [sflag:s18], $0x4000  }
0xb3: {  	[sflag:s18] =	ssyncset.done $0x0  }
0xb4: {  	[sflag:s18] =	ssyncadd.s32 $0xFFFFC000  }
0xb5: {  	[spmem:s3] =	stream.indirect.scatter.add.f32 [tilespmem:s12], [sflag:$0x3], $0x80, s19, s14, $0xb8;
	[tilespmem:$0x1E600] =	vst v63  }
0xb6: {  	_ =	swait.ge [sflag:s13], $0x4000  }
0xb7: {  	[sflag:s13] =	ssyncset.done $0x0  }
0xb8: {  	s24 =	sshra.s32 s26, $0x2;
	[sflag:s13] =	ssyncadd.s32 $0xFFFFC000  }
0xb9: {  	v1 =	vld [tilespmem:s24+$0xFFFFFF10];
	_ =	sdelay $0x4  }
0xba: {  	v2 =	vand.u32 $0xFFFF, v1;
	v1 =	vshrl.u32 v1, $0x10  }
0xbb: {  	[tilespmem:$0xA800] =	vst v2  }
0xbc: {  	[tilespmem:$0xA900] =	vst v1  }
0xbd: {  	v1 =	vld [tilespmem:s24+$0xFFFFFF20];
	_ =	sdelay $0x4  }
0xbe: {  	v2 =	vand.u32 $0xFFFF, v1;
	v1 =	vshrl.u32 v1, $0x10  }
0xbf: {  	[tilespmem:$0xA810] =	vst v2  }
0xc0: {  	[tilespmem:$0xA910] =	vst v1  }
0xc1: {  	v1 =	vld [tilespmem:s24+$0xFFFFFF30];
	_ =	sdelay $0x4  }
0xc2: {  	v2 =	vand.u32 $0xFFFF, v1;
	v1 =	vshrl.u32 v1, $0x10  }
0xc3: {  	[tilespmem:$0xA820] =	vst v2  }
0xc4: {  	[tilespmem:$0xA920] =	vst v1  }
0xc5: {  	v1 =	vld [tilespmem:s24+$0xFFFFFF40];
	_ =	sdelay $0x4  }
0xc6: {  	v2 =	vand.u32 $0xFFFF, v1;
	v1 =	vshrl.u32 v1, $0x10  }
0xc7: {  	[tilespmem:$0xA830] =	vst v2  }
0xc8: {  	[tilespmem:$0xA930] =	vst v1  }
0xc9: {  	v1 =	vld [tilespmem:s24+$0xFFFFFF50];
	_ =	sdelay $0x4  }
0xca: {  	v2 =	vand.u32 $0xFFFF, v1;
	v1 =	vshrl.u32 v1, $0x10  }
0xcb: {  	[tilespmem:$0xA840] =	vst v2  }
0xcc: {  	[tilespmem:$0xA940] =	vst v1  }
0xcd: {  	v1 =	vld [tilespmem:s24+$0xFFFFFF60];
	_ =	sdelay $0x4  }
0xce: {  	v2 =	vand.u32 $0xFFFF, v1;
	v1 =	vshrl.u32 v1, $0x10  }
0xcf: {  	[tilespmem:$0xA850] =	vst v2  }
0xd0: {  	[tilespmem:$0xA950] =	vst v1  }
0xd1: {  	v1 =	vld [tilespmem:s24+$0xFFFFFF70];
	_ =	sdelay $0x4  }
0xd2: {  	v2 =	vand.u32 $0xFFFF, v1;
	v1 =	vshrl.u32 v1, $0x10  }
0xd3: {  	[tilespmem:$0xA860] =	vst v2  }
0xd4: {  	[tilespmem:$0xA960] =	vst v1  }
0xd5: {  	v1 =	vld [tilespmem:s24+$0xFFFFFF80];
	_ =	sdelay $0x4  }
0xd6: {  	v2 =	vand.u32 $0xFFFF, v1;
	v1 =	vshrl.u32 v1, $0x10  }
0xd7: {  	[tilespmem:$0xA870] =	vst v2  }
0xd8: {  	[tilespmem:$0xA970] =	vst v1  }
0xd9: {  	[tilespmem:s12], [sflag:$0x1] =	stream.indirect.gather [hbm4b:s1+s14], $0x80, s15, s14, $0xb8;
	[tilespmem:$0x1E600] =	vst v63  }
0xda: {  	_ =	swait.ge [sflag:s20], $0x4000  }
0xdb: {  	[sflag:s20] =	ssyncset.done $0x0  }
0xdc: {  	[sflag:s20] =	ssyncadd.s32 $0xFFFFC000  }
0xdd: {  	[spmem:s3] =	stream.indirect.scatter.add.f32 [tilespmem:s17], [sflag:$0x3], $0x80, s21, s14, $0xb8;
	[tilespmem:$0x1E600] =	vst v63  }
0xde: {  	_ =	swait.ge [sflag:s13], $0x4000  }
0xdf: {  	[sflag:s13] =	ssyncset.done $0x0  }
0xe0: {  	[sflag:s13] =	ssyncadd.s32 $0xFFFFC000  }
0xe1: {  	v1 =	vld [tilespmem:s24+$0xFFFFFF90];
	_ =	sdelay $0x4  }
0xe2: {  	v2 =	vand.u32 $0xFFFF, v1;
	v1 =	vshrl.u32 v1, $0x10  }
0xe3: {  	[tilespmem:$0xA880] =	vst v2  }
0xe4: {  	[tilespmem:$0xA980] =	vst v1  }
0xe5: {  	v1 =	vld [tilespmem:s24+$0xFFFFFFA0];
	_ =	sdelay $0x4  }
0xe6: {  	v2 =	vand.u32 $0xFFFF, v1;
	v1 =	vshrl.u32 v1, $0x10  }
0xe7: {  	[tilespmem:$0xA890] =	vst v2  }
0xe8: {  	[tilespmem:$0xA990] =	vst v1  }
0xe9: {  	v1 =	vld [tilespmem:s24+$0xFFFFFFB0];
	_ =	sdelay $0x4  }
0xea: {  	v2 =	vand.u32 $0xFFFF, v1;
	v1 =	vshrl.u32 v1, $0x10  }
0xeb: {  	[tilespmem:$0xA8A0] =	vst v2  }
0xec: {  	[tilespmem:$0xA9A0] =	vst v1  }
0xed: {  	v1 =	vld [tilespmem:s24+$0xFFFFFFC0];
	_ =	sdelay $0x4  }
0xee: {  	v2 =	vand.u32 $0xFFFF, v1;
	v1 =	vshrl.u32 v1, $0x10  }
0xef: {  	[tilespmem:$0xA8B0] =	vst v2  }
0xf0: {  	[tilespmem:$0xA9B0] =	vst v1  }
0xf1: {  	v1 =	vld [tilespmem:s24+$0xFFFFFFD0];
	_ =	sdelay $0x4  }
0xf2: {  	v2 =	vand.u32 $0xFFFF, v1;
	v1 =	vshrl.u32 v1, $0x10  }
0xf3: {  	[tilespmem:$0xA8C0] =	vst v2  }
0xf4: {  	[tilespmem:$0xA9C0] =	vst v1  }
0xf5: {  	v1 =	vld [tilespmem:s24+$0xFFFFFFE0];
	_ =	sdelay $0x2  }
.Ltmp1:
0xf6: {  	(pc) =	sbr.rel @p0 .LBB2_4-.Ltmp1, $4  }
0xf7: {  	_ = 	snop  }
0xf8: {  	v2 =	vand.u32 $0xFFFF, v1;
	v1 =	vshrl.u32 v1, $0x10  }
0xf9: {  	[tilespmem:$0xA8D0] =	vst v2  }
0xfa: {  	[tilespmem:$0xA9D0] =	vst v1  }
0xfb: {  	v1 =	vld [tilespmem:s24+$0xFFFFFFF0];
	_ =	sdelay $0x4  }
0xfc: {  	v2 =	vand.u32 $0xFFFF, v1  }
0xfd: {  	v1 =	vshrl.u32 v1, $0x10;
	[tilespmem:$0xA8E0] =	vst v2  }
0xfe: {  	[tilespmem:$0xA9E0] =	vst v1  }
0xff: {  	v1 =	vld [tilespmem:s24+$0x0];
	_ =	sdelay $0x4  }
0x100: {  	v2 =	vand.u32 $0xFFFF, v1  }
0x101: {  	v1 =	vshrl.u32 v1, $0x10;
	[tilespmem:$0xA8F0] =	vst v2  }
0x102: {  	[tilespmem:$0xA9F0] =	vst v1  }
0x103: {  	[tilespmem:s17], [sflag:$0x2] =	stream.indirect.gather [hbm4b:s1+s14], $0x80, s16, s14, $0xb8;
	[tilespmem:$0x1E600] =	vst v63  }
0x104: {  	_ =	swait.ge [sflag:s18], $0x4000  }
0x105: {  	[sflag:s18] =	ssyncset.done $0x0  }
0x106: {  	[sflag:s18] =	ssyncadd.s32 $0xFFFFC000  }
0x107: {  	[spmem:s3] =	stream.indirect.scatter.add.f32 [tilespmem:s12], [sflag:$0x3], $0x80, s19, s14, $0xb8;
	[tilespmem:$0x1E600] =	vst v63  }
0x108: {  	_ =	swait.ge [sflag:s13], $0x4000  }
0x109: {  	[sflag:s13] =	ssyncset.done $0x0  }
0x10a: {  	[sflag:s13] =	ssyncadd.s32 $0xFFFFC000  }
0x10b: {  	_ =	swait.ge [sflag:s20], $0x4000  }
0x10c: {  	[sflag:s20] =	ssyncset.done $0x0  }
0x10d: {  	[sflag:s20] =	ssyncadd.s32 $0xFFFFC000  }
0x10e: {  	[spmem:s3] =	stream.indirect.scatter.add.f32 [tilespmem:s17], [sflag:$0x3], $0x80, s21, s14, $0xb8;
	[tilespmem:$0x1E600] =	vst v63  }
0x10f: {  	_ =	swait.ge [sflag:s13], $0x4000  }
0x110: {  	s31 =	sshll.u32 s0, $0x6;
	s23 =	sadd.s32 $0x1, s23;
	[sflag:s13] =	ssyncset.done $0x0  }
0x111: {  	s25 =	sshrl.u32 s5, $0x3;
	p0 =	sne.s32 s23, s11;
	[sflag:s13] =	ssyncadd.s32 $0xFFFFC000  }
.Ltmp2:
0x112: {  	s24 =	sor.u32 $0x1C03, s31;
	[bflag:$0x0] =	sbarrier.arrive $0xFFFF;
	(pc) =	sbr.rel @p0 .LBB2_1-.Ltmp2, $4  }
0x113: {  	[hbm:s22], [sflag:s24] =	dma.local [spmem:s25], $0x2780  }
0x114: {  	_ =	swait.ge [sflag:s13], $0x2780  }
0x115: {  	[sflag:s13] =	ssyncset.done $0x0  }
0x116: {  	[sflag:s13] =	ssyncadd.s32 $0xFFFFD880  }
0x117: {  	_ =	sfence.sel $0x180000  }
0x118: {  	[bflag:$0x0] =	sbarrier.arrive $0xFFFF  }
0x119: {  	p0 =	sne.s32 s0, $0x0;
	_ =	strace $0x9000004A  }
0x11a: {  	s0 =	sadd.s32 @!p0 $0x100000, s2;
	[bflag:$0x2] =	sbarrier.arrive $0xFFFF  }
0x11b: {  	[sflag:s0] =	ssyncadd.tile.s32 @!p0 $0x1;
	_ =	shalt  }
.Lfunc_end2:
_tile_overlayer_lowered:
.L_overlay_start_2:
0x11c: {  	(tag) =	ssettag $0x2  }
0x11d: {  	s0 =	rddreg [dreg:$0x0];
	s2 =	stileid.u32  }
0x11e: {  	s1 =	rddreg [dreg:$0x1];
	p0 =	sne.s32 s2, $0x0  }
0x11f: {  	s3 =	rddreg [dreg:$0x2];
	[bflag:$0x3] =	sbarrier.arrive $0xFFFF;
	s2 =	simm.s32 @!p0 $0x1C03  }
0x120: {  	[timem:s3], [sflag:s2] =	dma.local @!p0 [hbm:s0], s1  }
0x121: {  	s0 =	simm.s32 @!p0 $0x3  }
0x122: {  	_ =	swait.ge @!p0 [sflag:s0], s1  }
0x123: {  	s1 =	ssub.s32 @!p0 $0x0, s1;
	[sflag:s0] =	ssyncset.done @!p0 $0x0  }
0x124: {  	[sflag:s0] =	ssyncadd.s32 @!p0 s1  }
0x125: {  	[bflag:$0x3] =	sbarrier.arrive $0xFFFF  }
0x126: {  	_ =	shalt  }

// kernel: kernel.15.cloned.1.call-start
scs
__scs_entry_jumppad:
0x0: {  	(pc) =	sbr.rel $0x88, $3  }
0x1: {  	(tag) =	ssettag $0x0;
	lr =	simm.s32 $0x1  }
0x2: {  	[smem:$0x3F9B] =	sst lr;
	_ =	strace $0xD0000000  }
0x3: {  	_ = 	snop  }
0x4: {  	_ = 	snop  }
0x5: {  	_ = 	snop  }
0x6: {  	_ = 	snop  }
0x7: {  	_ = 	snop  }
__scs_overlays_trampoline_lowered:
0x8: {  	[smem:$0x3FAA] =	sst s0  }
0x9: {  	[smem:$0x3FAB] =	sst s1  }
0xa: {  	[smem:$0x3FAC] =	sst s2  }
0xb: {  	[smem:$0x3FAD] =	sst s3  }
0xc: {  	[smem:$0x3FAE] =	sst s4  }
0xd: {  	[smem:$0x3FAF] =	sst s5  }
0xe: {  	[smem:$0x3FB0] =	sst s6  }
0xf: {  	[smem:$0x3FB1] =	sst s7  }
0x10: {  	[smem:$0x3FB2] =	sst s8  }
0x11: {  	[smem:$0x3FB3] =	sst s9;
	s0 =	simm.s32 @!p0 $0x0  }
0x12: {  	s1 =	sld [smem:$0x3F99];
	s0 =	simm.s32 @p0 $0x1  }
0x13: {  	[smem:$0x3FB4] =	sst s0;
	s0 =	simm.s32 @!p1 $0x0  }
0x14: {  	s2 =	sld [smem:$0x3F98];
	s0 =	simm.s32 @p1 $0x1  }
0x15: {  	[smem:$0x3FB5] =	sst s0;
	s0 =	simm.s32 @!p2 $0x0  }
0x16: {  	s3 =	sld [smem:$0x3FDB];
	s0 =	simm.s32 @p2 $0x1  }
0x17: {  	s4 =	simm.s32 $0x1BF5;
	[smem:$0x3FB7] =	sst s0  }
0x18: {  	s0 =	sld [smem:$0x3F9A];
	_ =	swait.ge [sflag:s4], $0x0  }
0x19: {  	s7 =	sld [smem:$0x3F9B]  }
0x1a: {  	s8 =	sadd.s32 $0xFFFFE003, lr  }
0x1b: {  	s9 =	sadd.s32 $0xFFFFFEF7, lr;
	s5 =	simm.s32 $0xFFFFFFFF;
	p2 =	slt.u32 s8, $0xFFFFF086  }
0x1c: {  	p1 =	slt.u32 s9, $0xF7A;
	s5 =	simm.s32 @!p2 $0x0  }
0x1d: {  	s5 =	simm.s32 @p1 $0x1;
	p0 =	seq.s32 s7, s2  }
0x1e: {  	s7 =	smul.u32 @!p0 $0xF7A, s2;
	p2 =	seq.s32 @!p0 s5, $0x0  }
0x1f: {  	s9 =	smul.u32 $0xF7A, s1;
	s8 =	simm.s32 @!p0 $0x1BF5;
	p2 =	por !p2, p0  }
0x20: {  	[sflag:s8] =	ssyncset.s32 @!p0 $0xFFFFF086;
	s6 =	sadd.s32 @!p0 s3, s7;
	s7 =	simm.s32 @!p0 $0x108  }
0x21: {  	s3 =	sadd.s32 s3, s9;
	s6 =	sadd.s32 @!p0 $0x88, s6;
	s7 =	simm.s32 @p2 $0x1082  }
0x22: {  	[simem:s7], [sflag:s8] =	dma.local @!p0 [hbm:s6], $0xF7A  }
0x23: {  	s9 =	sor.u32 $0xD0000000, s2;
	s6 =	simm.s32 $0x108;
	_ =	swait.ge @!p0 [sflag:s8], $0x0  }
0x24: {  	s3 =	sadd.s32 $0x88, s3;
	s6 =	simm.s32 @!p1 $0x1082;
	[sflag:s4] =	ssyncset.s32 $0xFFFFF086  }
0x25: {  	[simem:s6], [sflag:s4] =	dma.local [hbm:s3], $0xF7A  }
0x26: {  	[smem:$0x3F9B] =	sst s1;
	(tag) =	ssettag s2;
	_ =	strace s9  }
0x27: {  	s1 =	sld [smem:$0x3FAB]  }
0x28: {  	s2 =	sld [smem:$0x3FAC]  }
0x29: {  	s4 =	sld [smem:$0x3FAE]  }
0x2a: {  	p0 =	seq.s32 s5, $0x0;
	s5 =	sld [smem:$0x3FAF]  }
0x2b: {  	s6 =	sld [smem:$0x3FB0]  }
0x2c: {  	s7 =	sld [smem:$0x3FB1]  }
0x2d: {  	s3 =	simm.s32 $0x108;
	s8 =	sld [smem:$0x3FB2]  }
0x2e: {  	s3 =	simm.s32 @!p0 $0x1082;
	s9 =	sld [smem:$0x3FB3]  }
0x2f: {  	lr =	sadd.s32 s0, s3;
	s0 =	sld [smem:$0x3FAA]  }
0x30: {  	s3 =	sld [smem:$0x3FAD]  }
0x31: {  	[smem:$0x3FB6] =	sst s10  }
0x32: {  	s10 =	sld [smem:$0x3FB4];
	_ =	sdelay $0x3  }
0x33: {  	p0 =	seq.s32 s10, $0x1;
	s10 =	sld [smem:$0x3FB6];
	_ =	sdelay $0x3  }
0x34: {  	[smem:$0x3FB6] =	sst s10  }
0x35: {  	s10 =	sld [smem:$0x3FB5];
	_ =	sdelay $0x3  }
0x36: {  	p1 =	seq.s32 s10, $0x1;
	s10 =	sld [smem:$0x3FB6];
	_ =	sdelay $0x3  }
0x37: {  	[smem:$0x3FB6] =	sst s10  }
0x38: {  	s10 =	sld [smem:$0x3FB7]  }
0x39: {  	_ = 	snop;
	(pc) =	sbr.ind lr, $3  }
0x3a: {  	_ = 	snop  }
0x3b: {  	_ = 	snop  }
0x3c: {  	p2 =	seq.s32 s10, $0x1;
	s10 =	sld [smem:$0x3FB6]  }
0x3d: {  	_ =	shalt  }
0x3e: {  	_ =	shalt  }
0x3f: {  	_ =	shalt  }
0x40: {  	_ =	shalt  }
0x41: {  	_ =	shalt  }
0x42: {  	_ =	shalt  }
0x43: {  	_ =	shalt  }
0x44: {  	_ =	shalt  }
0x45: {  	_ =	shalt  }
0x46: {  	_ =	shalt  }
0x47: {  	_ =	shalt  }
0x48: {  	_ =	shalt  }
0x49: {  	_ =	shalt  }
0x4a: {  	_ =	shalt  }
0x4b: {  	_ =	shalt  }
0x4c: {  	_ =	shalt  }
0x4d: {  	_ =	shalt  }
0x4e: {  	_ =	shalt  }
0x4f: {  	_ =	shalt  }
0x50: {  	_ =	shalt  }
0x51: {  	_ =	shalt  }
0x52: {  	_ =	shalt  }
0x53: {  	_ =	shalt  }
0x54: {  	_ =	shalt  }
0x55: {  	_ =	shalt  }
0x56: {  	_ =	shalt  }
0x57: {  	_ =	shalt  }
0x58: {  	_ =	shalt  }
0x59: {  	_ =	shalt  }
0x5a: {  	_ =	shalt  }
0x5b: {  	_ =	shalt  }
0x5c: {  	_ =	shalt  }
0x5d: {  	_ =	shalt  }
0x5e: {  	_ =	shalt  }
0x5f: {  	_ =	shalt  }
0x60: {  	_ =	shalt  }
0x61: {  	_ =	shalt  }
0x62: {  	_ =	shalt  }
0x63: {  	_ =	shalt  }
0x64: {  	_ =	shalt  }
0x65: {  	_ =	shalt  }
0x66: {  	_ =	shalt  }
0x67: {  	_ =	shalt  }
0x68: {  	_ =	shalt  }
0x69: {  	_ =	shalt  }
0x6a: {  	_ =	shalt  }
0x6b: {  	_ =	shalt  }
0x6c: {  	_ =	shalt  }
0x6d: {  	_ =	shalt  }
0x6e: {  	_ =	shalt  }
0x6f: {  	_ =	shalt  }
0x70: {  	_ =	shalt  }
0x71: {  	_ =	shalt  }
0x72: {  	_ =	shalt  }
0x73: {  	_ =	shalt  }
0x74: {  	_ =	shalt  }
0x75: {  	_ =	shalt  }
0x76: {  	_ =	shalt  }
0x77: {  	_ =	shalt  }
0x78: {  	_ =	shalt  }
0x79: {  	_ =	shalt  }
0x7a: {  	_ =	shalt  }
0x7b: {  	_ =	shalt  }
0x7c: {  	_ =	shalt  }
0x7d: {  	_ =	shalt  }
0x7e: {  	_ =	shalt  }
0x7f: {  	_ =	shalt  }
0x80: {  	_ =	shalt  }
0x81: {  	_ =	shalt  }
0x82: {  	_ =	shalt  }
0x83: {  	_ =	shalt  }
0x84: {  	_ =	shalt  }
0x85: {  	_ =	shalt  }
0x86: {  	_ =	shalt  }
0x87: {  	_ =	shalt  }
.Lfunc_end0:
.L_simem_size_0:
called_computation.2_lowered:
.L_overlay_start_0:
0x88: {  	s2 =	sld [smem:$0x3FD9]  }
0x89: {  	s3 =	sld [smem:$0x3FFE];
	_ =	sdelay $0x1  }
0x8a: {  	s1 =	srdreg.scid  }
0x8b: {  	s0 =	sand.u32 $0x1, s1  }
0x8c: {  	s17 =	sshll.u32 s0, $0xA;
	s2 =	sadd.s32 s3, s2  }
0x8d: {  	s2 =	sadd.s32 s2, s17  }
0x8e: {  	[smem:$0x3FC2] =	sst s2  }
0x8f: {  	_ = 	snop  }
0x90: {  	s2 =	sld [smem:$0x3FD0];
	(tm) =	ssettm $0x1  }
0x91: {  	s18 =	sld [smem:$0x3FFB];
	_ =	sdelay $0x3  }
0x92: {  	_ =	strace s18  }
0x93: {  	s3 =	sld [smem:$0x3FFC];
	_ =	sdelay $0x3  }
0x94: {  	_ =	strace s3  }
0x95: {  	s3 =	sld [smem:$0x3FFD];
	_ =	sdelay $0x3  }
0x96: {  	_ =	strace s3  }
0x97: {  	_ =	strace $0x8FFFFFFF  }
0x98: {  	s19 =	sld [smem:$0x3FDB];
	_ =	sdelay $0x1  }
0x99: {  	s4 =	simm.s32 $_scs_section_size  }
0x9a: {  	s5 =	simm.s32 $_size__tile_overlayer_lowered;
	s6 =	simm.s32 $_tile_overlayer_lowered  }
0x9b: {  	s22 =	simm.s32 $0x1BFF;
	s21 =	sshll.u32 s6, $0x1;
	s3 =	sadd.s32 s4, s19  }
0x9c: {  	s7 =	simm.s32 $0x0;
	s20 =	sshll.u32 s5, $0x1;
	s5 =	sadd.s32 s21, s3  }
0x9d: {  	[timem:s7], [sflag:s22] =	dma.local [hbm:s5], s20  }
0x9e: {  	_ =	swait.ge [sflag:s22], s20  }
0x9f: {  	s4 =	ssub.s32 $0x0, s20;
	[sflag:s22] =	ssyncset.done $0x0  }
0xa0: {  	[sflag:s22] =	ssyncadd.s32 s4;
	_ =	sdelay $0x1  }
0xa1: {  	s23 =	simm.s32 $0x1B8B  }
0xa2: {  	_ =	swait.ge [sflag:s23], $0x1  }
0xa3: {  	[sflag:s23] =	ssyncset.done $0x0  }
0xa4: {  	s25 =	simm.s32 $0x1B8E;
	s24 =	sld [smem:$0x3FFE];
	[sflag:s23] =	ssyncadd.s32 $0xFFFFFFFF  }
0xa5: {  	s26 =	simm.s32 $execute0_lowered;
	[smem:$0x3FD2] =	sst s25  }
0xa6: {  	s5 =	sshll.u32 s26, $0x1;
	_ =	strace $0x8000004C;
	[dreg:$0x1] =	wrdreg $0xFFFFFFFF  }
0xa7: {  	s28 =	simm.s32 $_size_execute0_lowered;
	s3 =	sadd.s32 s3, s5;
	[dreg:$0x0] =	wrdreg $0x0  }
0xa8: {  	s5 =	sshll.u32 s28, $0x1;
	[dreg:$0x2] =	wrdreg s3  }
0xa9: {  	[dreg:$0x3] =	wrdreg s5  }
0xaa: {  	[dreg:$0x4] =	wrdreg $0xC0  }
0xab: {  	_ =	task [dreg:s7], $0x5FFFF  }
0xac: {  	[dreg:$0x1] =	wrdreg $0xFFFFFFFF  }
0xad: {  	[dreg:$0x0] =	wrdreg $0x60  }
0xae: {  	[dreg:$0x2] =	wrdreg s2  }
0xaf: {  	[dreg:$0x3] =	wrdreg s24  }
0xb0: {  	[dreg:$0x4] =	wrdreg $0xAA000  }
0xb1: {  	[dreg:$0x5] =	wrdreg $0x9  }
0xb2: {  	_ =	task.clear_ibuf [dreg:s7], $0x6FFFF;
	_ =	strace $0x9000004C  }
0xb3: {  	s29 =	simm.s32 $0x9;
	_ =	strace $0x8000004E  }
0xb4: {  	_ =	swait.ge [sflag:s29], $0x1  }
0xb5: {  	[sflag:s29] =	ssyncadd.s32 $0xFFFFFFFF  }
0xb6: {  	_ =	strace $0x9000004E  }
0xb7: {  	_ =	sfence  }
0xb8: {  	s30 =	sld [smem:$0x0];
	_ =	sdelay $0x2  }
0xb9: {  	s31 =	sshll.u32 s1, $0xD;
	s1 =	sshrl.u32 s1, $0x2  }
0xba: {  	s3 =	sand.u32 $0x4000, s31;
	s1 =	sadd.s32 s1, s30  }
0xbb: {  	s0 =	sor.u32 s3, s0;
	s1 =	sshll.u32 s1, $0x11  }
0xbc: {  	s0 =	sor.u32 s1, s0  }
0xbd: {  	s0 =	sadd.s32 $0x8F2B, s0  }
0xbe: {  	[sflag:s0] =	ssyncadd.remote.s32 $0x1  }
0xbf: {  	_ =	sfence.sel $0xFFFF  }
0xc0: {  	[dreg:$0x0] =	wrdreg $0xFFFFFFFF;
	(pc) =	sbr.abs _section_cstart, $3  }
0xc1: {  	[dreg:$0x1] =	wrdreg $0xFFFFFFFF  }
0xc2: {  	_ =	task.clear_ibuf [dreg:s7], $0x2FFFF;
	_ =	strace $0x9FFFFFFF  }
0xc3: {  	(tm) =	ssettm $0x7FFFFFFF  }
tec
execute0_lowered:
.L_overlay_start_1:
0x0: {  	(tag) =	ssettag $0x1  }
0x1: {  	s1 =	rddreg [dreg:$0x0]  }
0x2: {  	s0 =	srdreg.scid;
	s6 =	rddreg [dreg:$0x1]  }
0x3: {  	s3 =	rddreg [dreg:$0x2];
	s4 =	simm.s32 $0x0;
	s13 =	simm.s32 $0x3  }
0x4: {  	s14 =	simm.s32 $0x80;
	s15 =	simm.s32 $0xA800;
	s16 =	simm.s32 $0xA880  }
0x5: {  	s17 =	simm.s32 $0x6800;
	s18 =	simm.s32 $0x1;
	s19 =	simm.s32 $0xA900  }
0x6: {  	s20 =	simm.s32 $0x2;
	s5 =	sand.u32 $0x1, s0;
	s0 =	stileid.u32  }
0x7: {  	s21 =	simm.s32 $0xA980;
	[smem:$0x7FF] =	sst s4;
	s8 =	smul.u32 $0x4F000, s0  }
0x8: {  	s2 =	sshll.u32 s5, $0x4;
	s9 =	smul.u32 $0x27800, s5;
	s29 =	ssub.s32 $0x2, s5  }
0x9: {  	s23 =	smul.u32 $0x2780, s0;
	s7 =	sor.u32 s0, s2;
	s2 =	rddreg [dreg:$0x3]  }
0xa: {  	_ =	strace $0x8000004D;
	s31 =	sshrl.u32 s29, $0x1;
	s7 =	smul.u32 $0x500, s7  }
0xb: {  	s30 =	sshrl.u32 s8, $0x2;
	s11 =	sadd.s32 s9, s6;
	s12 =	ssub.s32 s29, s31  }
0xc: {  	s5 =	sadd.s32 s30, s3;
	s22 =	sadd.s32 $0xC600, s11;
	s11 =	smax.u32 s12, $0x1  }
0xd: {  	s12 =	simm.s32 $0x2800;
	s10 =	sadd.s32 s7, s6;
	s6 =	sadd.s32 $0x4000, s5  }
0xe: {  	s7 =	sadd.s32 $0x8000, s5;
	s8 =	sadd.s32 $0xC000, s5;
	s9 =	sadd.s32 $0x10000, s5  }
0xf: {  	v0 =	vimm.f32 $0.0e+00;
	s22 =	sadd.s32 s23, s22;
	s23 =	simm.s32 $0x0;
	s10 =	sadd.s32 $0x2600, s10  }
.LBB2_1:
0x10: {  	s24 =	simm.s32 $0x0;
	s25 =	simm.s32 $0x200  }
.LBB2_2:
0x11: {  	p0 =	sne.s32 s25, $0xFE00;
	[tilespmem:s24+$0x2870] =	vst v0  }
0x12: {  	[tilespmem:s24+$0x2800] =	vst v0  }
0x13: {  	[tilespmem:s24+$0x2810] =	vst v0  }
.Ltmp0:
0x14: {  	[tilespmem:s24+$0x2820] =	vst v0;
	(pc) =	sbr.rel @p0 .LBB2_2-.Ltmp0, $4  }
0x15: {  	[tilespmem:s24+$0x2830] =	vst v0  }
0x16: {  	[tilespmem:s24+$0x2840] =	vst v0  }
0x17: {  	[tilespmem:s24+$0x2850] =	vst v0  }
0x18: {  	[tilespmem:s24+$0x2860] =	vst v0;
	s24 =	sshra.s32 s25, $0x2;
	s25 =	sadd.s32 $0x200, s25  }
0x19: {  	[tilespmem:s24+$0x2870] =	vst v0  }
0x1a: {  	[tilespmem:s24+$0x2800] =	vst v0  }
0x1b: {  	[tilespmem:s24+$0x2810] =	vst v0  }
0x1c: {  	[tilespmem:s24+$0x2820] =	vst v0  }
0x1d: {  	[tilespmem:s24+$0x2830] =	vst v0  }
0x1e: {  	[tilespmem:s24+$0x2840] =	vst v0  }
0x1f: {  	[tilespmem:s24+$0x2850] =	vst v0  }
0x20: {  	[tilespmem:s24+$0x2860] =	vst v0  }
0x21: {  	[spmem:s5] =	stream.linear.scatter [tilespmem:s12], [sflag:$0x3], $0x4000, $0x38;
	[tilespmem:$0x1E600] =	vst v63  }
0x22: {  	_ =	swait.ge [sflag:s13], $0x4000  }
0x23: {  	[sflag:s13] =	ssyncset.done $0x0  }
0x24: {  	[sflag:s13] =	ssyncadd.s32 $0xFFFFC000  }
0x25: {  	[spmem:s6] =	stream.linear.scatter [tilespmem:s12], [sflag:$0x3], $0x4000, $0x38;
	[tilespmem:$0x1E600] =	vst v63  }
0x26: {  	_ =	swait.ge [sflag:s13], $0x4000  }
0x27: {  	[sflag:s13] =	ssyncset.done $0x0  }
0x28: {  	[sflag:s13] =	ssyncadd.s32 $0xFFFFC000  }
0x29: {  	[spmem:s7] =	stream.linear.scatter [tilespmem:s12], [sflag:$0x3], $0x4000, $0x38;
	[tilespmem:$0x1E600] =	vst v63  }
0x2a: {  	_ =	swait.ge [sflag:s13], $0x4000  }
0x2b: {  	[sflag:s13] =	ssyncset.done $0x0  }
0x2c: {  	[sflag:s13] =	ssyncadd.s32 $0xFFFFC000  }
0x2d: {  	[spmem:s8] =	stream.linear.scatter [tilespmem:s12], [sflag:$0x3], $0x4000, $0x38;
	[tilespmem:$0x1E600] =	vst v63  }
0x2e: {  	_ =	swait.ge [sflag:s13], $0x4000  }
0x2f: {  	[sflag:s13] =	ssyncset.done $0x0  }
0x30: {  	[sflag:s13] =	ssyncadd.s32 $0xFFFFC000  }
0x31: {  	[spmem:s9] =	stream.linear.scatter [tilespmem:s12], [sflag:$0x3], $0x3C00, $0x38;
	[tilespmem:$0x1E600] =	vst v63  }
0x32: {  	_ =	swait.ge [sflag:s13], $0x3C00  }
0x33: {  	[sflag:s13] =	ssyncset.done $0x0  }
0x34: {  	[sflag:s13] =	ssyncadd.s32 $0xFFFFC400  }
0x35: {  	[bflag:$0x0] =	sbarrier.arrive $0xFFFF  }
0x36: {  	[tilespmem:s4], [sflag:$0x3] =	stream.linear.gather [hbm4b:s10+s4], $0x2800, $0x38;
	[tilespmem:$0x1E600] =	vst v63  }
0x37: {  	_ =	swait.ge [sflag:s13], $0x2800  }
0x38: {  	[sflag:s13] =	ssyncset.done $0x0  }
0x39: {  	[sflag:s13] =	ssyncadd.s32 $0xFFFFD800  }
0x3a: {  	v1 =	vld [tilespmem:$0x0];
	_ =	sdelay $0x1  }
0x3b: {  	v2 =	vld [tilespmem:$0x10];
	_ =	sdelay $0x1  }
0x3c: {  	v3 =	vld [tilespmem:$0x20]  }
0x3d: {  	v4 =	vand.u32 $0xFFFF, v1  }
0x3e: {  	v59 =	vld [tilespmem:$0x30];
	v1 =	vshrl.u32 v1, $0x10;
	[tilespmem:$0xA800] =	vst v4  }
0x3f: {  	[tilespmem:$0xA900] =	vst v1;
	v1 =	vand.u32 $0xFFFF, v2  }
0x40: {  	[tilespmem:$0xA810] =	vst v1;
	v1 =	vshrl.u32 v2, $0x10;
	v2 =	vld [tilespmem:$0x40]  }
0x41: {  	[tilespmem:$0xA910] =	vst v1;
	v1 =	vand.u32 $0xFFFF, v3  }
0x42: {  	[tilespmem:$0xA820] =	vst v1;
	v1 =	vshrl.u32 v3, $0x10;
	v3 =	vld [tilespmem:$0x50]  }
0x43: {  	[tilespmem:$0xA920] =	vst v1;
	v1 =	vand.u32 $0xFFFF, v59  }
0x44: {  	v60 =	vld [tilespmem:$0x60];
	[tilespmem:$0xA830] =	vst v1;
	v1 =	vshrl.u32 v59, $0x10  }
0x45: {  	[tilespmem:$0xA930] =	vst v1;
	v1 =	vand.u32 $0xFFFF, v2  }
0x46: {  	[tilespmem:$0xA840] =	vst v1;
	v1 =	vshrl.u32 v2, $0x10;
	v2 =	vld [tilespmem:$0x70]  }
0x47: {  	[tilespmem:$0xA940] =	vst v1;
	v1 =	vand.u32 $0xFFFF, v3  }
0x48: {  	[tilespmem:$0xA850] =	vst v1;
	v1 =	vshrl.u32 v3, $0x10;
	v3 =	vld [tilespmem:$0x80]  }
0x49: {  	[tilespmem:$0xA950] =	vst v1;
	v1 =	vand.u32 $0xFFFF, v60  }
0x4a: {  	v61 =	vld [tilespmem:$0x90];
	[tilespmem:$0xA860] =	vst v1;
	v1 =	vshrl.u32 v60, $0x10  }
0x4b: {  	[tilespmem:$0xA960] =	vst v1;
	v1 =	vand.u32 $0xFFFF, v2  }
0x4c: {  	[tilespmem:$0xA870] =	vst v1;
	v1 =	vshrl.u32 v2, $0x10;
	v2 =	vld [tilespmem:$0xA0]  }
0x4d: {  	[tilespmem:$0xA970] =	vst v1;
	v1 =	vand.u32 $0xFFFF, v3  }
0x4e: {  	[tilespmem:$0xA880] =	vst v1;
	v1 =	vshrl.u32 v3, $0x10;
	v3 =	vld [tilespmem:$0xB0]  }
0x4f: {  	[tilespmem:$0xA980] =	vst v1;
	v1 =	vand.u32 $0xFFFF, v61  }
0x50: {  	v62 =	vld [tilespmem:$0xC0];
	[tilespmem:$0xA890] =	vst v1;
	v1 =	vshrl.u32 v61, $0x10  }
0x51: {  	[tilespmem:$0xA990] =	vst v1;
	v1 =	vand.u32 $0xFFFF, v2  }
0x52: {  	[tilespmem:$0xA8A0] =	vst v1;
	v1 =	vshrl.u32 v2, $0x10;
	v2 =	vld [tilespmem:$0xD0]  }
0x53: {  	[tilespmem:$0xA9A0] =	vst v1;
	v1 =	vand.u32 $0xFFFF, v3  }
0x54: {  	[tilespmem:$0xA8B0] =	vst v1;
	v1 =	vshrl.u32 v3, $0x10;
	v3 =	vld [tilespmem:$0xE0]  }
0x55: {  	[tilespmem:$0xA9B0] =	vst v1;
	v1 =	vand.u32 $0xFFFF, v62  }
0x56: {  	v63 =	vld [tilespmem:$0xF0];
	[tilespmem:$0xA8C0] =	vst v1;
	v1 =	vshrl.u32 v62, $0x10  }
0x57: {  	[tilespmem:$0xA9C0] =	vst v1;
	v1 =	vand.u32 $0xFFFF, v2  }
0x58: {  	[tilespmem:$0xA8D0] =	vst v1;
	v1 =	vshrl.u32 v2, $0x10  }
0x59: {  	[tilespmem:$0xA9D0] =	vst v1;
	v1 =	vand.u32 $0xFFFF, v3  }
0x5a: {  	[tilespmem:$0xA8E0] =	vst v1;
	v1 =	vshrl.u32 v3, $0x10  }
0x5b: {  	[tilespmem:$0xA9E0] =	vst v1;
	v1 =	vand.u32 $0xFFFF, v63  }
0x5c: {  	[tilespmem:$0xA8F0] =	vst v1;
	v1 =	vshrl.u32 v63, $0x10  }
0x5d: {  	[tilespmem:$0xA9F0] =	vst v1  }
0x5e: {  	[tilespmem:s12], [sflag:$0x1] =	stream.indirect.gather [hbm4b:s1+s14], $0x80, s15, s14, $0xb8;
	[tilespmem:$0x1E600] =	vst v63  }
0x5f: {  	_ = 	snop  }
0x60: {  	[tilespmem:s17], [sflag:$0x2] =	stream.indirect.gather [hbm4b:s1+s14], $0x80, s16, s14, $0xb8;
	[tilespmem:$0x1E600] =	vst v63  }
0x61: {  	_ =	swait.ge [sflag:s18], $0x4000  }
0x62: {  	[sflag:s18] =	ssyncset.done $0x0  }
0x63: {  	[sflag:s18] =	ssyncadd.s32 $0xFFFFC000  }
0x64: {  	[spmem:s3] =	stream.indirect.scatter.add.f32 [tilespmem:s12], [sflag:$0x3], $0x80, s19, s14, $0xb8;
	[tilespmem:$0x1E600] =	vst v63  }
0x65: {  	_ =	swait.ge [sflag:s13], $0x4000  }
0x66: {  	[sflag:s13] =	ssyncset.done $0x0  }
0x67: {  	s24 =	simm.s32 $0x1F0;
	[sflag:s13] =	ssyncadd.s32 $0xFFFFC000  }
0x68: {  	v1 =	vld [tilespmem:s24+$0xFFFFFF10];
	_ =	sdelay $0x4  }
0x69: {  	v2 =	vand.u32 $0xFFFF, v1  }
0x6a: {  	v1 =	vshrl.u32 v1, $0x10;
	[tilespmem:$0xA800] =	vst v2  }
0x6b: {  	[tilespmem:$0xA900] =	vst v1  }
0x6c: {  	v1 =	vld [tilespmem:s24+$0xFFFFFF20];
	_ =	sdelay $0x4  }
0x6d: {  	v2 =	vand.u32 $0xFFFF, v1  }
0x6e: {  	v1 =	vshrl.u32 v1, $0x10;
	[tilespmem:$0xA810] =	vst v2  }
0x6f: {  	[tilespmem:$0xA910] =	vst v1  }
0x70: {  	v1 =	vld [tilespmem:s24+$0xFFFFFF30];
	_ =	sdelay $0x4  }
0x71: {  	v2 =	vand.u32 $0xFFFF, v1  }
0x72: {  	v1 =	vshrl.u32 v1, $0x10;
	[tilespmem:$0xA820] =	vst v2  }
0x73: {  	[tilespmem:$0xA920] =	vst v1  }
0x74: {  	v1 =	vld [tilespmem:s24+$0xFFFFFF40];
	_ =	sdelay $0x4  }
0x75: {  	v2 =	vand.u32 $0xFFFF, v1  }
0x76: {  	v1 =	vshrl.u32 v1, $0x10;
	[tilespmem:$0xA830] =	vst v2  }
0x77: {  	[tilespmem:$0xA930] =	vst v1  }
0x78: {  	v1 =	vld [tilespmem:s24+$0xFFFFFF50];
	_ =	sdelay $0x4  }
0x79: {  	v2 =	vand.u32 $0xFFFF, v1  }
0x7a: {  	v1 =	vshrl.u32 v1, $0x10;
	[tilespmem:$0xA840] =	vst v2  }
0x7b: {  	[tilespmem:$0xA940] =	vst v1  }
0x7c: {  	v1 =	vld [tilespmem:s24+$0xFFFFFF60];
	_ =	sdelay $0x4  }
0x7d: {  	v2 =	vand.u32 $0xFFFF, v1  }
0x7e: {  	v1 =	vshrl.u32 v1, $0x10;
	[tilespmem:$0xA850] =	vst v2  }
0x7f: {  	[tilespmem:$0xA950] =	vst v1  }
0x80: {  	v1 =	vld [tilespmem:s24+$0xFFFFFF70];
	_ =	sdelay $0x4  }
0x81: {  	v2 =	vand.u32 $0xFFFF, v1  }
0x82: {  	v1 =	vshrl.u32 v1, $0x10;
	[tilespmem:$0xA860] =	vst v2  }
0x83: {  	[tilespmem:$0xA960] =	vst v1  }
0x84: {  	v1 =	vld [tilespmem:s24+$0xFFFFFF80];
	_ =	sdelay $0x4  }
0x85: {  	v2 =	vand.u32 $0xFFFF, v1  }
0x86: {  	v1 =	vshrl.u32 v1, $0x10;
	[tilespmem:$0xA870] =	vst v2  }
0x87: {  	[tilespmem:$0xA970] =	vst v1  }
0x88: {  	[tilespmem:s12], [sflag:$0x1] =	stream.indirect.gather [hbm4b:s1+s14], $0x80, s15, s14, $0xb8;
	[tilespmem:$0x1E600] =	vst v63  }
0x89: {  	_ =	swait.ge [sflag:s20], $0x4000  }
0x8a: {  	[sflag:s20] =	ssyncset.done $0x0  }
0x8b: {  	[sflag:s20] =	ssyncadd.s32 $0xFFFFC000  }
0x8c: {  	[spmem:s3] =	stream.indirect.scatter.add.f32 [tilespmem:s17], [sflag:$0x3], $0x80, s21, s14, $0xb8;
	[tilespmem:$0x1E600] =	vst v63  }
0x8d: {  	_ =	swait.ge [sflag:s13], $0x4000  }
0x8e: {  	[sflag:s13] =	ssyncset.done $0x0  }
0x8f: {  	[sflag:s13] =	ssyncadd.s32 $0xFFFFC000  }
0x90: {  	v1 =	vld [tilespmem:s24+$0xFFFFFF90];
	_ =	sdelay $0x4  }
0x91: {  	v2 =	vand.u32 $0xFFFF, v1  }
0x92: {  	v1 =	vshrl.u32 v1, $0x10;
	[tilespmem:$0xA880] =	vst v2  }
0x93: {  	[tilespmem:$0xA980] =	vst v1  }
0x94: {  	v1 =	vld [tilespmem:s24+$0xFFFFFFA0];
	_ =	sdelay $0x4  }
0x95: {  	v2 =	vand.u32 $0xFFFF, v1  }
0x96: {  	v1 =	vshrl.u32 v1, $0x10;
	[tilespmem:$0xA890] =	vst v2  }
0x97: {  	[tilespmem:$0xA990] =	vst v1  }
0x98: {  	v1 =	vld [tilespmem:s24+$0xFFFFFFB0];
	_ =	sdelay $0x4  }
0x99: {  	v2 =	vand.u32 $0xFFFF, v1  }
0x9a: {  	v1 =	vshrl.u32 v1, $0x10;
	[tilespmem:$0xA8A0] =	vst v2  }
0x9b: {  	[tilespmem:$0xA9A0] =	vst v1  }
0x9c: {  	v1 =	vld [tilespmem:s24+$0xFFFFFFC0];
	_ =	sdelay $0x4  }
0x9d: {  	v2 =	vand.u32 $0xFFFF, v1  }
0x9e: {  	v1 =	vshrl.u32 v1, $0x10;
	[tilespmem:$0xA8B0] =	vst v2  }
0x9f: {  	[tilespmem:$0xA9B0] =	vst v1  }
0xa0: {  	v1 =	vld [tilespmem:s24+$0xFFFFFFD0];
	_ =	sdelay $0x4  }
0xa1: {  	v2 =	vand.u32 $0xFFFF, v1  }
0xa2: {  	v1 =	vshrl.u32 v1, $0x10;
	[tilespmem:$0xA8C0] =	vst v2  }
0xa3: {  	[tilespmem:$0xA9C0] =	vst v1  }
0xa4: {  	v1 =	vld [tilespmem:s24+$0xFFFFFFE0];
	_ =	sdelay $0x4  }
0xa5: {  	v2 =	vand.u32 $0xFFFF, v1  }
0xa6: {  	v1 =	vshrl.u32 v1, $0x10;
	[tilespmem:$0xA8D0] =	vst v2  }
0xa7: {  	s25 =	simm.s32 $0xBC0;
	[tilespmem:$0xA9D0] =	vst v1  }
.LBB2_4:
0xa8: {  	p0 =	sne.s32 s25, $0x9FC0;
	v1 =	vld [tilespmem:s24+$0xFFFFFFF0];
	s26 =	smov.u32 s25;
	s25 =	sadd.s32 $0x400, s25  }
0xa9: {  	_ =	sdelay $0x3  }
0xaa: {  	v2 =	vand.u32 $0xFFFF, v1;
	v1 =	vshrl.u32 v1, $0x10  }
0xab: {  	[tilespmem:$0xA8E0] =	vst v2  }
0xac: {  	[tilespmem:$0xA9E0] =	vst v1  }
0xad: {  	v1 =	vld [tilespmem:s24+$0x0];
	_ =	sdelay $0x4  }
0xae: {  	v2 =	vand.u32 $0xFFFF, v1;
	v1 =	vshrl.u32 v1, $0x10  }
0xaf: {  	[tilespmem:$0xA8F0] =	vst v2  }
0xb0: {  	[tilespmem:$0xA9F0] =	vst v1  }
0xb1: {  	[tilespmem:s17], [sflag:$0x2] =	stream.indirect.gather [hbm4b:s1+s14], $0x80, s16, s14, $0xb8;
	[tilespmem:$0x1E600] =	vst v63  }
0xb2: {  	_ =	swait.ge [sflag:s18], $0x4000  }
0xb3: {  	[sflag:s18] =	ssyncset.done $0x0  }
0xb4: {  	[sflag:s18] =	ssyncadd.s32 $0xFFFFC000  }
0xb5: {  	[spmem:s3] =	stream.indirect.scatter.add.f32 [tilespmem:s12], [sflag:$0x3], $0x80, s19, s14, $0xb8;
	[tilespmem:$0x1E600] =	vst v63  }
0xb6: {  	_ =	swait.ge [sflag:s13], $0x4000  }
0xb7: {  	[sflag:s13] =	ssyncset.done $0x0  }
0xb8: {  	s24 =	sshra.s32 s26, $0x2;
	[sflag:s13] =	ssyncadd.s32 $0xFFFFC000  }
0xb9: {  	v1 =	vld [tilespmem:s24+$0xFFFFFF10];
	_ =	sdelay $0x4  }
0xba: {  	v2 =	vand.u32 $0xFFFF, v1;
	v1 =	vshrl.u32 v1, $0x10  }
0xbb: {  	[tilespmem:$0xA800] =	vst v2  }
0xbc: {  	[tilespmem:$0xA900] =	vst v1  }
0xbd: {  	v1 =	vld [tilespmem:s24+$0xFFFFFF20];
	_ =	sdelay $0x4  }
0xbe: {  	v2 =	vand.u32 $0xFFFF, v1;
	v1 =	vshrl.u32 v1, $0x10  }
0xbf: {  	[tilespmem:$0xA810] =	vst v2  }
0xc0: {  	[tilespmem:$0xA910] =	vst v1  }
0xc1: {  	v1 =	vld [tilespmem:s24+$0xFFFFFF30];
	_ =	sdelay $0x4  }
0xc2: {  	v2 =	vand.u32 $0xFFFF, v1;
	v1 =	vshrl.u32 v1, $0x10  }
0xc3: {  	[tilespmem:$0xA820] =	vst v2  }
0xc4: {  	[tilespmem:$0xA920] =	vst v1  }
0xc5: {  	v1 =	vld [tilespmem:s24+$0xFFFFFF40];
	_ =	sdelay $0x4  }
0xc6: {  	v2 =	vand.u32 $0xFFFF, v1;
	v1 =	vshrl.u32 v1, $0x10  }
0xc7: {  	[tilespmem:$0xA830] =	vst v2  }
0xc8: {  	[tilespmem:$0xA930] =	vst v1  }
0xc9: {  	v1 =	vld [tilespmem:s24+$0xFFFFFF50];
	_ =	sdelay $0x4  }
0xca: {  	v2 =	vand.u32 $0xFFFF, v1;
	v1 =	vshrl.u32 v1, $0x10  }
0xcb: {  	[tilespmem:$0xA840] =	vst v2  }
0xcc: {  	[tilespmem:$0xA940] =	vst v1  }
0xcd: {  	v1 =	vld [tilespmem:s24+$0xFFFFFF60];
	_ =	sdelay $0x4  }
0xce: {  	v2 =	vand.u32 $0xFFFF, v1;
	v1 =	vshrl.u32 v1, $0x10  }
0xcf: {  	[tilespmem:$0xA850] =	vst v2  }
0xd0: {  	[tilespmem:$0xA950] =	vst v1  }
0xd1: {  	v1 =	vld [tilespmem:s24+$0xFFFFFF70];
	_ =	sdelay $0x4  }
0xd2: {  	v2 =	vand.u32 $0xFFFF, v1;
	v1 =	vshrl.u32 v1, $0x10  }
0xd3: {  	[tilespmem:$0xA860] =	vst v2  }
0xd4: {  	[tilespmem:$0xA960] =	vst v1  }
0xd5: {  	v1 =	vld [tilespmem:s24+$0xFFFFFF80];
	_ =	sdelay $0x4  }
0xd6: {  	v2 =	vand.u32 $0xFFFF, v1;
	v1 =	vshrl.u32 v1, $0x10  }
0xd7: {  	[tilespmem:$0xA870] =	vst v2  }
0xd8: {  	[tilespmem:$0xA970] =	vst v1  }
0xd9: {  	[tilespmem:s12], [sflag:$0x1] =	stream.indirect.gather [hbm4b:s1+s14], $0x80, s15, s14, $0xb8;
	[tilespmem:$0x1E600] =	vst v63  }
0xda: {  	_ =	swait.ge [sflag:s20], $0x4000  }
0xdb: {  	[sflag:s20] =	ssyncset.done $0x0  }
0xdc: {  	[sflag:s20] =	ssyncadd.s32 $0xFFFFC000  }
0xdd: {  	[spmem:s3] =	stream.indirect.scatter.add.f32 [tilespmem:s17], [sflag:$0x3], $0x80, s21, s14, $0xb8;
	[tilespmem:$0x1E600] =	vst v63  }
0xde: {  	_ =	swait.ge [sflag:s13], $0x4000  }
0xdf: {  	[sflag:s13] =	ssyncset.done $0x0  }
0xe0: {  	[sflag:s13] =	ssyncadd.s32 $0xFFFFC000  }
0xe1: {  	v1 =	vld [tilespmem:s24+$0xFFFFFF90];
	_ =	sdelay $0x4  }
0xe2: {  	v2 =	vand.u32 $0xFFFF, v1;
	v1 =	vshrl.u32 v1, $0x10  }
0xe3: {  	[tilespmem:$0xA880] =	vst v2  }
0xe4: {  	[tilespmem:$0xA980] =	vst v1  }
0xe5: {  	v1 =	vld [tilespmem:s24+$0xFFFFFFA0];
	_ =	sdelay $0x4  }
0xe6: {  	v2 =	vand.u32 $0xFFFF, v1;
	v1 =	vshrl.u32 v1, $0x10  }
0xe7: {  	[tilespmem:$0xA890] =	vst v2  }
0xe8: {  	[tilespmem:$0xA990] =	vst v1  }
0xe9: {  	v1 =	vld [tilespmem:s24+$0xFFFFFFB0];
	_ =	sdelay $0x4  }
0xea: {  	v2 =	vand.u32 $0xFFFF, v1;
	v1 =	vshrl.u32 v1, $0x10  }
0xeb: {  	[tilespmem:$0xA8A0] =	vst v2  }
0xec: {  	[tilespmem:$0xA9A0] =	vst v1  }
0xed: {  	v1 =	vld [tilespmem:s24+$0xFFFFFFC0];
	_ =	sdelay $0x4  }
0xee: {  	v2 =	vand.u32 $0xFFFF, v1;
	v1 =	vshrl.u32 v1, $0x10  }
0xef: {  	[tilespmem:$0xA8B0] =	vst v2  }
0xf0: {  	[tilespmem:$0xA9B0] =	vst v1  }
0xf1: {  	v1 =	vld [tilespmem:s24+$0xFFFFFFD0];
	_ =	sdelay $0x4  }
0xf2: {  	v2 =	vand.u32 $0xFFFF, v1;
	v1 =	vshrl.u32 v1, $0x10  }
0xf3: {  	[tilespmem:$0xA8C0] =	vst v2  }
0xf4: {  	[tilespmem:$0xA9C0] =	vst v1  }
0xf5: {  	v1 =	vld [tilespmem:s24+$0xFFFFFFE0];
	_ =	sdelay $0x2  }
.Ltmp1:
0xf6: {  	(pc) =	sbr.rel @p0 .LBB2_4-.Ltmp1, $4  }
0xf7: {  	_ = 	snop  }
0xf8: {  	v2 =	vand.u32 $0xFFFF, v1;
	v1 =	vshrl.u32 v1, $0x10  }
0xf9: {  	[tilespmem:$0xA8D0] =	vst v2  }
0xfa: {  	[tilespmem:$0xA9D0] =	vst v1  }
0xfb: {  	v1 =	vld [tilespmem:s24+$0xFFFFFFF0];
	_ =	sdelay $0x4  }
0xfc: {  	v2 =	vand.u32 $0xFFFF, v1  }
0xfd: {  	v1 =	vshrl.u32 v1, $0x10;
	[tilespmem:$0xA8E0] =	vst v2  }
0xfe: {  	[tilespmem:$0xA9E0] =	vst v1  }
0xff: {  	v1 =	vld [tilespmem:s24+$0x0];
	_ =	sdelay $0x4  }
0x100: {  	v2 =	vand.u32 $0xFFFF, v1  }
0x101: {  	v1 =	vshrl.u32 v1, $0x10;
	[tilespmem:$0xA8F0] =	vst v2  }
0x102: {  	[tilespmem:$0xA9F0] =	vst v1  }
0x103: {  	[tilespmem:s17], [sflag:$0x2] =	stream.indirect.gather [hbm4b:s1+s14], $0x80, s16, s14, $0xb8;
	[tilespmem:$0x1E600] =	vst v63  }
0x104: {  	_ =	swait.ge [sflag:s18], $0x4000  }
0x105: {  	[sflag:s18] =	ssyncset.done $0x0  }
0x106: {  	[sflag:s18] =	ssyncadd.s32 $0xFFFFC000  }
0x107: {  	[spmem:s3] =	stream.indirect.scatter.add.f32 [tilespmem:s12], [sflag:$0x3], $0x80, s19, s14, $0xb8;
	[tilespmem:$0x1E600] =	vst v63  }
0x108: {  	_ =	swait.ge [sflag:s13], $0x4000  }
0x109: {  	[sflag:s13] =	ssyncset.done $0x0  }
0x10a: {  	[sflag:s13] =	ssyncadd.s32 $0xFFFFC000  }
0x10b: {  	_ =	swait.ge [sflag:s20], $0x4000  }
0x10c: {  	[sflag:s20] =	ssyncset.done $0x0  }
0x10d: {  	[sflag:s20] =	ssyncadd.s32 $0xFFFFC000  }
0x10e: {  	[spmem:s3] =	stream.indirect.scatter.add.f32 [tilespmem:s17], [sflag:$0x3], $0x80, s21, s14, $0xb8;
	[tilespmem:$0x1E600] =	vst v63  }
0x10f: {  	_ =	swait.ge [sflag:s13], $0x4000  }
0x110: {  	s31 =	sshll.u32 s0, $0x6;
	s23 =	sadd.s32 $0x1, s23;
	[sflag:s13] =	ssyncset.done $0x0  }
0x111: {  	s25 =	sshrl.u32 s5, $0x3;
	p0 =	sne.s32 s23, s11;
	[sflag:s13] =	ssyncadd.s32 $0xFFFFC000  }
.Ltmp2:
0x112: {  	s24 =	sor.u32 $0x1C03, s31;
	[bflag:$0x0] =	sbarrier.arrive $0xFFFF;
	(pc) =	sbr.rel @p0 .LBB2_1-.Ltmp2, $4  }
0x113: {  	[hbm:s22], [sflag:s24] =	dma.local [spmem:s25], $0x2780  }
0x114: {  	_ =	swait.ge [sflag:s13], $0x2780  }
0x115: {  	[sflag:s13] =	ssyncset.done $0x0  }
0x116: {  	[sflag:s13] =	ssyncadd.s32 $0xFFFFD880  }
0x117: {  	_ =	sfence.sel $0x180000  }
0x118: {  	[bflag:$0x0] =	sbarrier.arrive $0xFFFF  }
0x119: {  	p0 =	sne.s32 s0, $0x0;
	_ =	strace $0x9000004D  }
0x11a: {  	s0 =	sadd.s32 @!p0 $0x100000, s2;
	[bflag:$0x2] =	sbarrier.arrive $0xFFFF  }
0x11b: {  	[sflag:s0] =	ssyncadd.tile.s32 @!p0 $0x1;
	_ =	shalt  }
.Lfunc_end2:
_tile_overlayer_lowered:
.L_overlay_start_2:
0x11c: {  	(tag) =	ssettag $0x2  }
0x11d: {  	s0 =	rddreg [dreg:$0x0];
	s2 =	stileid.u32  }
0x11e: {  	s1 =	rddreg [dreg:$0x1];
	p0 =	sne.s32 s2, $0x0  }
0x11f: {  	s3 =	rddreg [dreg:$0x2];
	[bflag:$0x3] =	sbarrier.arrive $0xFFFF;
	s2 =	simm.s32 @!p0 $0x1C03  }
0x120: {  	[timem:s3], [sflag:s2] =	dma.local @!p0 [hbm:s0], s1  }
0x121: {  	s0 =	simm.s32 @!p0 $0x3  }
0x122: {  	_ =	swait.ge @!p0 [sflag:s0], s1  }
0x123: {  	s1 =	ssub.s32 @!p0 $0x0, s1;
	[sflag:s0] =	ssyncset.done @!p0 $0x0  }
0x124: {  	[sflag:s0] =	ssyncadd.s32 @!p0 s1  }
0x125: {  	[bflag:$0x3] =	sbarrier.arrive $0xFFFF  }
0x126: {  	_ =	shalt  }

// kernel: kernel.9.cloned.1.call-start
scs
__scs_entry_jumppad:
0x0: {  	(pc) =	sbr.rel $0x88, $3  }
0x1: {  	(tag) =	ssettag $0x0;
	lr =	simm.s32 $0x1  }
0x2: {  	[smem:$0x3F9B] =	sst lr;
	_ =	strace $0xD0000000  }
0x3: {  	_ = 	snop  }
0x4: {  	_ = 	snop  }
0x5: {  	_ = 	snop  }
0x6: {  	_ = 	snop  }
0x7: {  	_ = 	snop  }
__scs_overlays_trampoline_lowered:
0x8: {  	[smem:$0x3FAA] =	sst s0  }
0x9: {  	[smem:$0x3FAB] =	sst s1  }
0xa: {  	[smem:$0x3FAC] =	sst s2  }
0xb: {  	[smem:$0x3FAD] =	sst s3  }
0xc: {  	[smem:$0x3FAE] =	sst s4  }
0xd: {  	[smem:$0x3FAF] =	sst s5  }
0xe: {  	[smem:$0x3FB0] =	sst s6  }
0xf: {  	[smem:$0x3FB1] =	sst s7  }
0x10: {  	[smem:$0x3FB2] =	sst s8  }
0x11: {  	[smem:$0x3FB3] =	sst s9;
	s0 =	simm.s32 @!p0 $0x0  }
0x12: {  	s1 =	sld [smem:$0x3F99];
	s0 =	simm.s32 @p0 $0x1  }
0x13: {  	[smem:$0x3FB4] =	sst s0;
	s0 =	simm.s32 @!p1 $0x0  }
0x14: {  	s2 =	sld [smem:$0x3F98];
	s0 =	simm.s32 @p1 $0x1  }
0x15: {  	[smem:$0x3FB5] =	sst s0;
	s0 =	simm.s32 @!p2 $0x0  }
0x16: {  	s3 =	sld [smem:$0x3FDB];
	s0 =	simm.s32 @p2 $0x1  }
0x17: {  	s4 =	simm.s32 $0x1BF5;
	[smem:$0x3FB7] =	sst s0  }
0x18: {  	s0 =	sld [smem:$0x3F9A];
	_ =	swait.ge [sflag:s4], $0x0  }
0x19: {  	s7 =	sld [smem:$0x3F9B]  }
0x1a: {  	s8 =	sadd.s32 $0xFFFFE003, lr  }
0x1b: {  	s9 =	sadd.s32 $0xFFFFFEF7, lr;
	s5 =	simm.s32 $0xFFFFFFFF;
	p2 =	slt.u32 s8, $0xFFFFF086  }
0x1c: {  	p1 =	slt.u32 s9, $0xF7A;
	s5 =	simm.s32 @!p2 $0x0  }
0x1d: {  	s5 =	simm.s32 @p1 $0x1;
	p0 =	seq.s32 s7, s2  }
0x1e: {  	s7 =	smul.u32 @!p0 $0xF7A, s2;
	p2 =	seq.s32 @!p0 s5, $0x0  }
0x1f: {  	s9 =	smul.u32 $0xF7A, s1;
	s8 =	simm.s32 @!p0 $0x1BF5;
	p2 =	por !p2, p0  }
0x20: {  	[sflag:s8] =	ssyncset.s32 @!p0 $0xFFFFF086;
	s6 =	sadd.s32 @!p0 s3, s7;
	s7 =	simm.s32 @!p0 $0x108  }
0x21: {  	s3 =	sadd.s32 s3, s9;
	s6 =	sadd.s32 @!p0 $0x88, s6;
	s7 =	simm.s32 @p2 $0x1082  }
0x22: {  	[simem:s7], [sflag:s8] =	dma.local @!p0 [hbm:s6], $0xF7A  }
0x23: {  	s9 =	sor.u32 $0xD0000000, s2;
	s6 =	simm.s32 $0x108;
	_ =	swait.ge @!p0 [sflag:s8], $0x0  }
0x24: {  	s3 =	sadd.s32 $0x88, s3;
	s6 =	simm.s32 @!p1 $0x1082;
	[sflag:s4] =	ssyncset.s32 $0xFFFFF086  }
0x25: {  	[simem:s6], [sflag:s4] =	dma.local [hbm:s3], $0xF7A  }
0x26: {  	[smem:$0x3F9B] =	sst s1;
	(tag) =	ssettag s2;
	_ =	strace s9  }
0x27: {  	s1 =	sld [smem:$0x3FAB]  }
0x28: {  	s2 =	sld [smem:$0x3FAC]  }
0x29: {  	s4 =	sld [smem:$0x3FAE]  }
0x2a: {  	p0 =	seq.s32 s5, $0x0;
	s5 =	sld [smem:$0x3FAF]  }
0x2b: {  	s6 =	sld [smem:$0x3FB0]  }
0x2c: {  	s7 =	sld [smem:$0x3FB1]  }
0x2d: {  	s3 =	simm.s32 $0x108;
	s8 =	sld [smem:$0x3FB2]  }
0x2e: {  	s3 =	simm.s32 @!p0 $0x1082;
	s9 =	sld [smem:$0x3FB3]  }
0x2f: {  	lr =	sadd.s32 s0, s3;
	s0 =	sld [smem:$0x3FAA]  }
0x30: {  	s3 =	sld [smem:$0x3FAD]  }
0x31: {  	[smem:$0x3FB6] =	sst s10  }
0x32: {  	s10 =	sld [smem:$0x3FB4];
	_ =	sdelay $0x3  }
0x33: {  	p0 =	seq.s32 s10, $0x1;
	s10 =	sld [smem:$0x3FB6];
	_ =	sdelay $0x3  }
0x34: {  	[smem:$0x3FB6] =	sst s10  }
0x35: {  	s10 =	sld [smem:$0x3FB5];
	_ =	sdelay $0x3  }
0x36: {  	p1 =	seq.s32 s10, $0x1;
	s10 =	sld [smem:$0x3FB6];
	_ =	sdelay $0x3  }
0x37: {  	[smem:$0x3FB6] =	sst s10  }
0x38: {  	s10 =	sld [smem:$0x3FB7]  }
0x39: {  	_ = 	snop;
	(pc) =	sbr.ind lr, $3  }
0x3a: {  	_ = 	snop  }
0x3b: {  	_ = 	snop  }
0x3c: {  	p2 =	seq.s32 s10, $0x1;
	s10 =	sld [smem:$0x3FB6]  }
0x3d: {  	_ =	shalt  }
0x3e: {  	_ =	shalt  }
0x3f: {  	_ =	shalt  }
0x40: {  	_ =	shalt  }
0x41: {  	_ =	shalt  }
0x42: {  	_ =	shalt  }
0x43: {  	_ =	shalt  }
0x44: {  	_ =	shalt  }
0x45: {  	_ =	shalt  }
0x46: {  	_ =	shalt  }
0x47: {  	_ =	shalt  }
0x48: {  	_ =	shalt  }
0x49: {  	_ =	shalt  }
0x4a: {  	_ =	shalt  }
0x4b: {  	_ =	shalt  }
0x4c: {  	_ =	shalt  }
0x4d: {  	_ =	shalt  }
0x4e: {  	_ =	shalt  }
0x4f: {  	_ =	shalt  }
0x50: {  	_ =	shalt  }
0x51: {  	_ =	shalt  }
0x52: {  	_ =	shalt  }
0x53: {  	_ =	shalt  }
0x54: {  	_ =	shalt  }
0x55: {  	_ =	shalt  }
0x56: {  	_ =	shalt  }
0x57: {  	_ =	shalt  }
0x58: {  	_ =	shalt  }
0x59: {  	_ =	shalt  }
0x5a: {  	_ =	shalt  }
0x5b: {  	_ =	shalt  }
0x5c: {  	_ =	shalt  }
0x5d: {  	_ =	shalt  }
0x5e: {  	_ =	shalt  }
0x5f: {  	_ =	shalt  }
0x60: {  	_ =	shalt  }
0x61: {  	_ =	shalt  }
0x62: {  	_ =	shalt  }
0x63: {  	_ =	shalt  }
0x64: {  	_ =	shalt  }
0x65: {  	_ =	shalt  }
0x66: {  	_ =	shalt  }
0x67: {  	_ =	shalt  }
0x68: {  	_ =	shalt  }
0x69: {  	_ =	shalt  }
0x6a: {  	_ =	shalt  }
0x6b: {  	_ =	shalt  }
0x6c: {  	_ =	shalt  }
0x6d: {  	_ =	shalt  }
0x6e: {  	_ =	shalt  }
0x6f: {  	_ =	shalt  }
0x70: {  	_ =	shalt  }
0x71: {  	_ =	shalt  }
0x72: {  	_ =	shalt  }
0x73: {  	_ =	shalt  }
0x74: {  	_ =	shalt  }
0x75: {  	_ =	shalt  }
0x76: {  	_ =	shalt  }
0x77: {  	_ =	shalt  }
0x78: {  	_ =	shalt  }
0x79: {  	_ =	shalt  }
0x7a: {  	_ =	shalt  }
0x7b: {  	_ =	shalt  }
0x7c: {  	_ =	shalt  }
0x7d: {  	_ =	shalt  }
0x7e: {  	_ =	shalt  }
0x7f: {  	_ =	shalt  }
0x80: {  	_ =	shalt  }
0x81: {  	_ =	shalt  }
0x82: {  	_ =	shalt  }
0x83: {  	_ =	shalt  }
0x84: {  	_ =	shalt  }
0x85: {  	_ =	shalt  }
0x86: {  	_ =	shalt  }
0x87: {  	_ =	shalt  }
.Lfunc_end0:
.L_simem_size_0:
called_computation_lowered:
.L_overlay_start_0:
0x88: {  	s2 =	sld [smem:$0x3FD9]  }
0x89: {  	s3 =	sld [smem:$0x3FFE];
	_ =	sdelay $0x1  }
0x8a: {  	s1 =	srdreg.scid  }
0x8b: {  	s0 =	sand.u32 $0x1, s1  }
0x8c: {  	s17 =	sshll.u32 s0, $0xA;
	s2 =	sadd.s32 s3, s2  }
0x8d: {  	s2 =	sadd.s32 s2, s17  }
0x8e: {  	[smem:$0x3FC2] =	sst s2  }
0x8f: {  	_ = 	snop  }
0x90: {  	s2 =	sld [smem:$0x3FD0];
	(tm) =	ssettm $0x1  }
0x91: {  	s18 =	sld [smem:$0x3FFB];
	_ =	sdelay $0x3  }
0x92: {  	_ =	strace s18  }
0x93: {  	s3 =	sld [smem:$0x3FFC];
	_ =	sdelay $0x3  }
0x94: {  	_ =	strace s3  }
0x95: {  	s3 =	sld [smem:$0x3FFD];
	_ =	sdelay $0x3  }
0x96: {  	_ =	strace s3  }
0x97: {  	_ =	strace $0x8FFFFFFF  }
0x98: {  	s19 =	sld [smem:$0x3FDB];
	_ =	sdelay $0x1  }
0x99: {  	s4 =	simm.s32 $_scs_section_size  }
0x9a: {  	s5 =	simm.s32 $_size__tile_overlayer_lowered;
	s6 =	simm.s32 $_tile_overlayer_lowered  }
0x9b: {  	s22 =	simm.s32 $0x1BFF;
	s21 =	sshll.u32 s6, $0x1;
	s3 =	sadd.s32 s4, s19  }
0x9c: {  	s7 =	simm.s32 $0x0;
	s20 =	sshll.u32 s5, $0x1;
	s5 =	sadd.s32 s21, s3  }
0x9d: {  	[timem:s7], [sflag:s22] =	dma.local [hbm:s5], s20  }
0x9e: {  	_ =	swait.ge [sflag:s22], s20  }
0x9f: {  	s4 =	ssub.s32 $0x0, s20;
	[sflag:s22] =	ssyncset.done $0x0  }
0xa0: {  	[sflag:s22] =	ssyncadd.s32 s4;
	_ =	sdelay $0x1  }
0xa1: {  	s23 =	simm.s32 $0x1B8B  }
0xa2: {  	_ =	swait.ge [sflag:s23], $0x1  }
0xa3: {  	[sflag:s23] =	ssyncset.done $0x0  }
0xa4: {  	s25 =	simm.s32 $0x1B8E;
	s24 =	sld [smem:$0x3FFE];
	[sflag:s23] =	ssyncadd.s32 $0xFFFFFFFF  }
0xa5: {  	s26 =	simm.s32 $execute0_lowered;
	[smem:$0x3FD2] =	sst s25  }
0xa6: {  	s5 =	sshll.u32 s26, $0x1;
	_ =	strace $0x80000046;
	[dreg:$0x1] =	wrdreg $0xFFFFFFFF  }
0xa7: {  	s28 =	simm.s32 $_size_execute0_lowered;
	s3 =	sadd.s32 s3, s5;
	[dreg:$0x0] =	wrdreg $0x0  }
0xa8: {  	s5 =	sshll.u32 s28, $0x1;
	[dreg:$0x2] =	wrdreg s3  }
0xa9: {  	[dreg:$0x3] =	wrdreg s5  }
0xaa: {  	[dreg:$0x4] =	wrdreg $0xC0  }
0xab: {  	_ =	task [dreg:s7], $0x5FFFF  }
0xac: {  	[dreg:$0x1] =	wrdreg $0xFFFFFFFF  }
0xad: {  	[dreg:$0x0] =	wrdreg $0x60  }
0xae: {  	[dreg:$0x2] =	wrdreg s24  }
0xaf: {  	[dreg:$0x3] =	wrdreg s2  }
0xb0: {  	[dreg:$0x4] =	wrdreg $0x78800  }
0xb1: {  	[dreg:$0x5] =	wrdreg $0x9  }
0xb2: {  	_ =	task.clear_ibuf [dreg:s7], $0x6FFFF;
	_ =	strace $0x90000046  }
0xb3: {  	s29 =	simm.s32 $0x9;
	_ =	strace $0x80000048  }
0xb4: {  	_ =	swait.ge [sflag:s29], $0x1  }
0xb5: {  	[sflag:s29] =	ssyncadd.s32 $0xFFFFFFFF  }
0xb6: {  	_ =	strace $0x90000048  }
0xb7: {  	_ =	sfence  }
0xb8: {  	s30 =	sld [smem:$0x0];
	_ =	sdelay $0x2  }
0xb9: {  	s31 =	sshll.u32 s1, $0xD;
	s1 =	sshrl.u32 s1, $0x2  }
0xba: {  	s3 =	sand.u32 $0x4000, s31;
	s1 =	sadd.s32 s1, s30  }
0xbb: {  	s0 =	sor.u32 s3, s0;
	s1 =	sshll.u32 s1, $0x11  }
0xbc: {  	s0 =	sor.u32 s1, s0  }
0xbd: {  	s0 =	sadd.s32 $0x8F2B, s0  }
0xbe: {  	[sflag:s0] =	ssyncadd.remote.s32 $0x1  }
0xbf: {  	_ =	sfence.sel $0xFFFF  }
0xc0: {  	[dreg:$0x0] =	wrdreg $0xFFFFFFFF;
	(pc) =	sbr.abs _section_cstart, $3  }
0xc1: {  	[dreg:$0x1] =	wrdreg $0xFFFFFFFF  }
0xc2: {  	_ =	task.clear_ibuf [dreg:s7], $0x2FFFF;
	_ =	strace $0x9FFFFFFF  }
0xc3: {  	(tm) =	ssettm $0x7FFFFFFF  }
tec
execute0_lowered:
.L_overlay_start_1:
0x0: {  	(tag) =	ssettag $0x1  }
0x1: {  	s4 =	rddreg [dreg:$0x0]  }
0x2: {  	s0 =	srdreg.scid;
	s5 =	rddreg [dreg:$0x1]  }
0x3: {  	s1 =	rddreg [dreg:$0x2];
	s2 =	stileid.u32;
	s10 =	simm.s32 $0x5000  }
0x4: {  	s6 =	sand.u32 $0x1, s0;
	s0 =	rddreg [dreg:$0x3];
	s31 =	sshll.u32 s2, $0xA  }
0x5: {  	s13 =	sshll.u32 s2, $0x7;
	p0 =	sne.s32 s2, $0x0;
	p1 =	sgt.u32 s2, $0x9  }
0x6: {  	s3 =	sshll.u32 s6, $0x4;
	s8 =	ssub.s32 $0x2, s6;
	s6 =	smul.u32 $0x500, s6  }
0x7: {  	s12 =	sadd.s32 s31, s1;
	s7 =	sor.u32 s2, s3;
	s3 =	simm.s32 $0x0  }
0x8: {  	s9 =	sshrl.u32 s8, $0x1;
	s12 =	sshrl.u32 @!p1 s12, $0x3;
	s7 =	smul.u32 $0x500, s7  }
0x9: {  	[smem:$0x7FF] =	sst s3;
	s30 =	ssub.s32 s8, s9;
	s11 =	sadd.s32 s5, s6  }
0xa: {  	v0 =	vlaneseq.u32;
	s6 =	simm.s32 $0x1;
	s8 =	simm.s32 $0x50;
	s9 =	simm.s32 $0x7800  }
0xb: {  	v1 =	vimm.f32 $0.0e+00;
	v6 =	vimm.f32 $1.000000000e+00;
	v2 =	vor.u32 $0x10, v0;
	_ =	strace $0x80000047;
	s5 =	smax.u32 s30, $0x1;
	s4 =	sadd.s32 s7, s4  }
0xc: {  	v3 =	vor.u32 $0x20, v0;
	v4 =	vor.u32 $0x30, v0;
	v5 =	vor.u32 $0x40, v0;
	s11 =	sadd.s32 @!p1 s13, s11;
	s7 =	simm.s32 $0x2800;
	s4 =	sadd.s32 $0x2600, s4  }
.LBB2_1:
0xd: {  	s13 =	simm.s32 $0x0  }
.LBB2_2:
0xe: {  	p2 =	sne.s32 s13, $0x9FC0  }
.Ltmp0:
0xf: {  	_ = 	snop;
	(pc) =	sbr.rel @p2 .LBB2_2-.Ltmp0, $3  }
0x10: {  	_ =	sdelay $0x1  }
0x11: {  	s14 =	sshra.s32 s13, $0x2  }
0x12: {  	s13 =	sadd.s32 $0x40, s13;
	[tilespmem:s14+$0x2800] =	vst v1  }
0x13: {  	s13 =	simm.s32 $0x0;
	s14 =	simm.s32 $0x200  }
.LBB2_4:
0x14: {  	p2 =	sne.s32 s14, $0x9E00;
	[tilespmem:s13+$0x5070] =	vst v1  }
0x15: {  	[tilespmem:s13+$0x5000] =	vst v1  }
0x16: {  	[tilespmem:s13+$0x5010] =	vst v1  }
.Ltmp1:
0x17: {  	[tilespmem:s13+$0x5020] =	vst v1;
	(pc) =	sbr.rel @p2 .LBB2_4-.Ltmp1, $4  }
0x18: {  	[tilespmem:s13+$0x5030] =	vst v1  }
0x19: {  	[tilespmem:s13+$0x5040] =	vst v1  }
0x1a: {  	[tilespmem:s13+$0x5050] =	vst v1  }
0x1b: {  	[tilespmem:s13+$0x5060] =	vst v1;
	s13 =	sshra.s32 s14, $0x2;
	s14 =	sadd.s32 $0x200, s14  }
0x1c: {  	[tilespmem:s13+$0x5070] =	vst v1  }
0x1d: {  	[tilespmem:s13+$0x5000] =	vst v1  }
0x1e: {  	[tilespmem:s13+$0x5010] =	vst v1  }
0x1f: {  	[tilespmem:s13+$0x5020] =	vst v1  }
0x20: {  	[tilespmem:s13+$0x5030] =	vst v1  }
0x21: {  	[tilespmem:s13+$0x5040] =	vst v1  }
0x22: {  	[tilespmem:s13+$0x5050] =	vst v1  }
0x23: {  	[tilespmem:s13+$0x5060] =	vst v1;
	s13 =	simm.s32 @!p0 $0x5000  }
0x24: {  	[spmem:s1] =	stream.linear.scatter @!p0 [tilespmem:s13], [sflag:$0x1], $0x2800, $0x38;
	[tilespmem:$0x7B00] =	vst v63  }
0x25: {  	s13 =	simm.s32 @!p0 $0x1  }
0x26: {  	_ =	swait.ge @!p0 [sflag:s13], $0x2800  }
0x27: {  	[sflag:s13] =	ssyncset.done @!p0 $0x0  }
0x28: {  	[sflag:s13] =	ssyncadd.s32 @!p0 $0xFFFFD800  }
0x29: {  	[tilespmem:$0x7800] =	vst v0  }
0x2a: {  	[tilespmem:$0x7810] =	vst v2  }
0x2b: {  	[tilespmem:$0x7820] =	vst v3  }
0x2c: {  	[tilespmem:$0x7830] =	vst v4  }
0x2d: {  	s13 =	simm.s32 $0x0;
	[tilespmem:$0x7840] =	vst v5  }
0x2e: {  	[tilespmem:s13], [sflag:$0x1] =	stream.linear.gather [hbm4b:s4+s13], $0x2800, $0x38;
	[tilespmem:$0x7B00] =	vst v63  }
0x2f: {  	_ =	swait.ge [sflag:s6], $0x2800  }
0x30: {  	[sflag:s6] =	ssyncset.done $0x0  }
0x31: {  	[sflag:s6] =	ssyncadd.s32 $0xFFFFD800  }
0x32: {  	[bflag:$0x0] =	sbarrier.arrive $0xFFFF  }
.LBB2_6:
0x33: {  	s14 =	sshra.s32 s13, $0x2  }
0x34: {  	v7 =	vld [tilespmem:s14+$0x0];
	_ =	sdelay $0x4  }
0x35: {  	v7 =	vshrl.u32 v7, $0x10;
	_ =	sdelay $0x4  }
0x36: {  	[tilespmem:v7+s7+$0x0] =	vst.idx.add.f32.msk $0xffff, v6  }
0x37: {  	v7 =	vld [tilespmem:s14+$0x10];
	_ =	sdelay $0x4  }
0x38: {  	v7 =	vshrl.u32 v7, $0x10;
	_ =	sdelay $0x4  }
0x39: {  	[tilespmem:v7+s7+$0x0] =	vst.idx.add.f32.msk $0xffff, v6  }
0x3a: {  	v7 =	vld [tilespmem:s14+$0x20];
	_ =	sdelay $0x4  }
0x3b: {  	v7 =	vshrl.u32 v7, $0x10;
	_ =	sdelay $0x4  }
0x3c: {  	[tilespmem:v7+s7+$0x0] =	vst.idx.add.f32.msk $0xffff, v6  }
0x3d: {  	v7 =	vld [tilespmem:s14+$0x30];
	_ =	sdelay $0x4  }
0x3e: {  	v7 =	vshrl.u32 v7, $0x10;
	_ =	sdelay $0x4  }
0x3f: {  	[tilespmem:v7+s7+$0x0] =	vst.idx.add.f32.msk $0xffff, v6  }
0x40: {  	v7 =	vld [tilespmem:s14+$0x40];
	_ =	sdelay $0x4  }
0x41: {  	v7 =	vshrl.u32 v7, $0x10;
	_ =	sdelay $0x4  }
0x42: {  	[tilespmem:v7+s7+$0x0] =	vst.idx.add.f32.msk $0xffff, v6  }
0x43: {  	v7 =	vld [tilespmem:s14+$0x50];
	_ =	sdelay $0x4  }
0x44: {  	v7 =	vshrl.u32 v7, $0x10;
	_ =	sdelay $0x4  }
0x45: {  	[tilespmem:v7+s7+$0x0] =	vst.idx.add.f32.msk $0xffff, v6  }
0x46: {  	v7 =	vld [tilespmem:s14+$0x60];
	_ =	sdelay $0x4  }
0x47: {  	v7 =	vshrl.u32 v7, $0x10;
	_ =	sdelay $0x4  }
0x48: {  	[tilespmem:v7+s7+$0x0] =	vst.idx.add.f32.msk $0xffff, v6  }
0x49: {  	v7 =	vld [tilespmem:s14+$0x70];
	_ =	sdelay $0x4  }
0x4a: {  	p2 =	sne.s32 s13, $0x9E00;
	v7 =	vshrl.u32 v7, $0x10  }
.Ltmp2:
0x4b: {  	_ = 	snop;
	(pc) =	sbr.rel @p2 .LBB2_6-.Ltmp2, $2  }
0x4c: {  	_ =	sdelay $0x2  }
0x4d: {  	s13 =	sadd.s32 $0x200, s13;
	[tilespmem:v7+s7+$0x0] =	vst.idx.add.f32.msk $0xffff, v6  }
0x4e: {  	s13 =	simm.s32 $0x0  }
0x4f: {  	v10 =	vld [tilespmem:s13+$0x2870]  }
0x50: {  	v11 =	vld [tilespmem:s13+$0x2800]  }
0x51: {  	v12 =	vld [tilespmem:s13+$0x2810]  }
0x52: {  	v9 =	vld [tilespmem:s13+$0x2820]  }
0x53: {  	v7 =	vld [tilespmem:s13+$0x2830]  }
0x54: {  	v8 =	vld [tilespmem:s13+$0x2840];
	[tilespmem:s13+$0x5070] =	vst v10  }
0x55: {  	[tilespmem:s13+$0x5000] =	vst v11;
	v10 =	vld [tilespmem:s13+$0x2850]  }
0x56: {  	s14 =	simm.s32 $0x80;
	s15 =	simm.s32 $0x400;
	[tilespmem:s13+$0x5010] =	vst v12;
	v11 =	vld [tilespmem:s13+$0x2860]  }
.LBB2_8:
0x57: {  	p2 =	sne.s32 s15, $0x9E00;
	v12 =	vld [tilespmem:s14+$0x2870];
	[tilespmem:s13+$0x5020] =	vst v9  }
0x58: {  	v13 =	vld [tilespmem:s14+$0x2800];
	[tilespmem:s13+$0x5030] =	vst v7  }
0x59: {  	v14 =	vld [tilespmem:s14+$0x2810];
	[tilespmem:s13+$0x5040] =	vst v8  }
.Ltmp3:
0x5a: {  	v9 =	vld [tilespmem:s14+$0x2820];
	[tilespmem:s13+$0x5050] =	vst v10;
	(pc) =	sbr.rel @p2 .LBB2_8-.Ltmp3, $4  }
0x5b: {  	v7 =	vld [tilespmem:s14+$0x2830];
	[tilespmem:s13+$0x5060] =	vst v11;
	s13 =	smov.u32 s14  }
0x5c: {  	v8 =	vld [tilespmem:s13+$0x2840];
	[tilespmem:s13+$0x5070] =	vst v12  }
0x5d: {  	[tilespmem:s13+$0x5000] =	vst v13;
	v10 =	vld [tilespmem:s13+$0x2850]  }
0x5e: {  	s14 =	sshra.s32 s15, $0x2;
	s15 =	sadd.s32 $0x200, s15;
	[tilespmem:s13+$0x5010] =	vst v14;
	v11 =	vld [tilespmem:s13+$0x2860]  }
0x5f: {  	v12 =	vld [tilespmem:s14+$0x2870];
	[tilespmem:s13+$0x5020] =	vst v9  }
0x60: {  	v9 =	vld [tilespmem:s14+$0x2800];
	[tilespmem:s13+$0x5030] =	vst v7  }
0x61: {  	v7 =	vld [tilespmem:s14+$0x2810];
	[tilespmem:s13+$0x5040] =	vst v8  }
0x62: {  	v8 =	vld [tilespmem:s14+$0x2820];
	[tilespmem:s13+$0x5050] =	vst v10  }
0x63: {  	v10 =	vld [tilespmem:s14+$0x2830];
	[tilespmem:s13+$0x5060] =	vst v11  }
0x64: {  	v11 =	vld [tilespmem:s14+$0x2840];
	[tilespmem:s14+$0x5070] =	vst v12  }
0x65: {  	v63 =	vld [tilespmem:s14+$0x2850];
	[tilespmem:s14+$0x5000] =	vst v9  }
0x66: {  	[tilespmem:s14+$0x5010] =	vst v7;
	v7 =	vld [tilespmem:s14+$0x2860]  }
0x67: {  	[tilespmem:s14+$0x5020] =	vst v8  }
0x68: {  	[tilespmem:s14+$0x5030] =	vst v10  }
0x69: {  	[tilespmem:s14+$0x5040] =	vst v11  }
0x6a: {  	[tilespmem:s14+$0x5050] =	vst v63  }
0x6b: {  	[tilespmem:s14+$0x5060] =	vst v7  }
0x6c: {  	[spmem:s1] =	stream.indirect.scatter.add.f32 [tilespmem:s10], [sflag:$0x1], $0x80, s9, s8, $0xb8;
	[tilespmem:$0x7B00] =	vst v63  }
0x6d: {  	_ =	swait.ge [sflag:s6], $0x2800  }
0x6e: {  	[sflag:s6] =	ssyncset.done $0x0  }
0x6f: {  	s3 =	sadd.s32 $0x1, s3;
	s13 =	sshll.u32 @!p1 s2, $0x6;
	[sflag:s6] =	ssyncadd.s32 $0xFFFFD800  }
0x70: {  	p2 =	sne.s32 s3, s5;
	s13 =	sor.u32 @!p1 $0x1C01, s13;
	[bflag:$0x0] =	sbarrier.arrive $0xFFFF  }
0x71: {  	[hbm:s11], [sflag:s13] =	dma.local @!p1 [spmem:s12], $0x80  }
.Ltmp4:
0x72: {  	_ = 	snop;
	(pc) =	sbr.rel @p2 .LBB2_1-.Ltmp4, $4  }
0x73: {  	s13 =	simm.s32 @!p1 $0x1  }
0x74: {  	_ =	swait.ge @!p1 [sflag:s13], $0x80  }
0x75: {  	[sflag:s13] =	ssyncset.done @!p1 $0x0  }
0x76: {  	[sflag:s13] =	ssyncadd.s32 @!p1 $0xFFFFFF80  }
0x77: {  	_ =	sfence.sel $0x180000  }
0x78: {  	[bflag:$0x0] =	sbarrier.arrive $0xFFFF  }
0x79: {  	_ =	strace $0x90000047  }
0x7a: {  	s0 =	sadd.s32 @!p0 $0x100000, s0;
	[bflag:$0x2] =	sbarrier.arrive $0xFFFF  }
0x7b: {  	[sflag:s0] =	ssyncadd.tile.s32 @!p0 $0x1;
	_ =	shalt  }
.Lfunc_end2:
_tile_overlayer_lowered:
.L_overlay_start_2:
0x7c: {  	(tag) =	ssettag $0x2  }
0x7d: {  	s0 =	rddreg [dreg:$0x0];
	s2 =	stileid.u32  }
0x7e: {  	s1 =	rddreg [dreg:$0x1];
	p0 =	sne.s32 s2, $0x0  }
0x7f: {  	s3 =	rddreg [dreg:$0x2];
	[bflag:$0x3] =	sbarrier.arrive $0xFFFF;
	s2 =	simm.s32 @!p0 $0x1C01  }
0x80: {  	[timem:s3], [sflag:s2] =	dma.local @!p0 [hbm:s0], s1  }
0x81: {  	s0 =	simm.s32 @!p0 $0x1  }
0x82: {  	_ =	swait.ge @!p0 [sflag:s0], s1  }
0x83: {  	s1 =	ssub.s32 @!p0 $0x0, s1;
	[sflag:s0] =	ssyncset.done @!p0 $0x0  }
0x84: {  	[sflag:s0] =	ssyncadd.s32 @!p0 s1  }
0x85: {  	[bflag:$0x3] =	sbarrier.arrive $0xFFFF  }
0x86: {  	_ =	shalt  }

</sc_bundles>
